<compile_context>
chip_gen: v7x
topology: tpu7x:2x2x1
jax: 0.10.2.dev20260603
libtpu: 0.0.44.dev20260713+nightly
codegen_flags: <defaults>
</compile_context>

<pallas_src>
import functools

import jax
import jax.numpy as jnp
from jax import lax
from jax.experimental import pallas as pl
from jax.experimental.pallas import tpu as pltpu
from jax.experimental.pallas import tpu_sc as plsc

_N_NODES = 100000
_N_REGIONS = 8192
_N_BOUNDARY = 50000
_B = 64

_NW = 32
_PER_TILE = 1560
_CH = 120
_ROUNDS = _PER_TILE // _CH
_EXTRA = _N_BOUNDARY - _NW * _PER_TILE


def _lane_offsets(n):
    offs = list(range(0, n - 15, 16))
    if n % 16:
        offs.append(n - 16)
    return offs

_RBLK = 4096
_NRBLK = _N_REGIONS // _RBLK


@functools.lru_cache(maxsize=1)
def _build_gather():
    mesh = plsc.VectorSubcoreMesh(core_axis_name="c", subcore_axis_name="s")

    @functools.partial(
        pl.kernel,
        mesh=mesh,
        out_type=(
            jax.ShapeDtypeStruct((_NW * _B, 128), jnp.float32),
            jax.ShapeDtypeStruct((_NW * _B,), jnp.float32),
        ),
        scratch_types=[
            pltpu.VMEM((_PER_TILE,), jnp.int32),
            pltpu.VMEM((_CH,), jnp.int32),
            pltpu.VMEM((_CH,), jnp.int32),
            pltpu.VMEM((_CH,), jnp.int32),
            pltpu.VMEM((_CH,), jnp.int32),
            pltpu.VMEM((_CH,), jnp.int32),
            pltpu.VMEM((_CH,), jnp.int32),
            pltpu.VMEM((_CH,), jnp.float32),
            pltpu.VMEM((_CH, 128), jnp.float32),
            pltpu.VMEM((_CH, 128), jnp.float32),
            pltpu.VMEM((_CH, 128), jnp.float32),
            pltpu.VMEM((_EXTRA,), jnp.int32),
            pltpu.VMEM((_EXTRA,), jnp.int32),
            pltpu.VMEM((_EXTRA,), jnp.int32),
            pltpu.VMEM((_EXTRA, 128), jnp.float32),
            pltpu.VMEM((_B, 128), jnp.float32),
            pltpu.VMEM((_B,), jnp.float32),
            pltpu.VMEM_SHARED((16 * _B, 128), jnp.float32),
            pltpu.VMEM_SHARED((16 * _B,), jnp.float32),
            pltpu.SemaphoreType.DMA,
            pltpu.SemaphoreType.DMA,
            pltpu.SemaphoreType.DMA,
            pltpu.SemaphoreType.DMA,
            pltpu.SemaphoreType.DMA,
            pltpu.SemaphoreType.DMA,
            pltpu.SemaphoreType.DMA,
            pltpu.SemaphoreType.DMA,
        ],
    )
    def gather_kernel(bn_hbm, nbi_hbm, emb_hbm, zrow_hbm,
                      sum_out, cnt_out,
                      idx_v,
                      bbi_v0, bbi_v1, bbi_v2,
                      bbi2_v0, bbi2_v1, bbi2_v2, ones_v,
                      rows_v0, rows_v1, rows_v2,
                      xidx_v, xbbi_v, xbbi2_v, xrows_v,
                      osum_v, ocnt_v, acc_sh, cnt_sh,
                      bsem0, bsem1, bsem2, rsem0, rsem1, rsem2, xsem1, xsem2):
        c = lax.axis_index("c")
        s = lax.axis_index("s")
        wid = c * 16 + s
        bbi_b = (bbi_v0, bbi_v1, bbi_v2)
        bbi2_b = (bbi2_v0, bbi2_v1, bbi2_v2)
        rows_b = (rows_v0, rows_v1, rows_v2)
        bsem_b = (bsem0, bsem1, bsem2)
        rsem_b = (rsem0, rsem1, rsem2)

        for o in _lane_offsets(_CH):
            ones_v[pl.ds(o, 16)] = jnp.ones((16,), jnp.float32)

        for o in _lane_offsets(_B):
            ocnt_v[pl.ds(o, 16)] = jnp.zeros((16,), jnp.float32)
        pltpu.sync_copy(zrow_hbm, acc_sh.at[pl.ds(s * _B, _B)])
        pltpu.sync_copy(ocnt_v, cnt_sh.at[pl.ds(s * _B, _B)])

        pltpu.sync_copy(bn_hbm.at[pl.ds(wid * _PER_TILE, _PER_TILE)], idx_v)

        def start_gathers(k):
            p = k % 3
            sl = idx_v.at[pl.ds(k * _CH, _CH)]
            cp1 = pltpu.async_copy(nbi_hbm.at[sl], bbi_b[p], bsem_b[p])
            cp2 = pltpu.async_copy(emb_hbm.at[sl], rows_b[p], rsem_b[p])
            return cp1, cp2

        pend0 = start_gathers(0)
        pend1 = start_gathers(1)
        pend = (pend0, pend1)
        for k in range(_ROUNDS):
            p = k % 3
            cp1, cp2 = pend[0]
            if k + 2 < _ROUNDS:
                pend = (pend[1], start_gathers(k + 2))
            else:
                pend = (pend[1], None)
            cp1.wait()
            cp2.wait()
            for o in _lane_offsets(_CH):
                bbi2_b[p][pl.ds(o, 16)] = bbi_b[p][pl.ds(o, 16)] + s * _B
            pltpu.sync_copy(rows_b[p], acc_sh.at[bbi2_b[p]], add=True)
            pltpu.sync_copy(ones_v, cnt_sh.at[bbi2_b[p]], add=True)

        @pl.when(jnp.logical_and(c == 0, s == 0))
        def _():
            pltpu.sync_copy(bn_hbm.at[pl.ds(_NW * _PER_TILE, _EXTRA)], xidx_v)
            cp1 = pltpu.async_copy(nbi_hbm.at[xidx_v], xbbi_v, xsem1)
            cp2 = pltpu.async_copy(emb_hbm.at[xidx_v], xrows_v, xsem2)
            cp1.wait()
            cp2.wait()
            for o in _lane_offsets(_EXTRA):
                xbbi2_v[pl.ds(o, 16)] = xbbi_v[pl.ds(o, 16)]
            pltpu.sync_copy(xrows_v, acc_sh.at[xbbi2_v], add=True)
            pltpu.sync_copy(ones_v.at[pl.ds(0, _EXTRA)], cnt_sh.at[xbbi2_v],
                            add=True)

        pltpu.sync_copy(acc_sh.at[pl.ds(s * _B, _B)], osum_v)
        pltpu.sync_copy(cnt_sh.at[pl.ds(s * _B, _B)], ocnt_v)
        pltpu.sync_copy(osum_v, sum_out.at[pl.ds(wid * _B, _B)])
        pltpu.sync_copy(ocnt_v, cnt_out.at[pl.ds(wid * _B, _B)])

    return gather_kernel


def _region_body(rbi_ref, reg_ref, accr_ref, cntr_ref):
    i = pl.program_id(0)

    @pl.when(i == 0)
    def _():
        accr_ref[:, :] = jnp.zeros_like(accr_ref)
        cntr_ref[:, :] = jnp.zeros_like(cntr_ref)

    rbi = rbi_ref[0]
    segr = lax.broadcasted_iota(jnp.int32, (_B, _RBLK), 0)
    mr = (segr == rbi).astype(jnp.float32)
    accr_ref[:, :] += jnp.dot(mr, reg_ref[:, :],
                              precision=lax.Precision.HIGHEST,
                              preferred_element_type=jnp.float32)
    cntr_ref[:, :] += jnp.sum(mr, axis=1, keepdims=True)


def _combine_body(sums_ref, cnts_ref, accr_ref, cntr_ref,
                  ws1_ref, bs1_ref, ws2_ref, bs2_ref, wb1_ref, bb1_ref,
                  wb2_ref, bb2_ref, wv1_ref, bv1_ref,
                  wv2_ref, bv2_ref, out_ref):
    acc_n = sums_ref[pl.ds(0, _B), :]
    for k in range(1, _NW):
        acc_n = acc_n + sums_ref[pl.ds(k * _B, _B), :]
    colsum = jnp.sum(cnts_ref[:, :], axis=0, keepdims=True)
    cnt_row = colsum[:, :_B] + colsum[:, _B:]
    eye = (lax.broadcasted_iota(jnp.int32, (_B, _B), 0)
           == lax.broadcasted_iota(jnp.int32, (_B, _B), 1))
    cnt_n = jnp.sum(jnp.where(eye, cnt_row, 0.0), axis=1, keepdims=True)

    region_mean = accr_ref[:, :] / jnp.maximum(cntr_ref[:, :], 1.0)
    h = jnp.maximum(
        jnp.dot(region_mean, ws1_ref[:, :], precision=lax.Precision.HIGHEST,
                preferred_element_type=jnp.float32)
        + bs1_ref[:, :], 0.0)
    gs = jnp.maximum(
        jnp.dot(h, ws2_ref[:, :], precision=lax.Precision.HIGHEST,
                preferred_element_type=jnp.float32)
        + bs2_ref[:, :], 0.0)

    bmean = acc_n / jnp.maximum(cnt_n, 1.0)
    hb = jnp.maximum(
        jnp.dot(bmean, wb1_ref[:, :], precision=lax.Precision.HIGHEST,
                preferred_element_type=jnp.float32)
        + bb1_ref[:, :], 0.0)
    binfo = (jnp.dot(hb, wb2_ref[:, :], precision=lax.Precision.HIGHEST,
                preferred_element_type=jnp.float32)
             + bb2_ref[:, :])

    hv = jnp.maximum(
        jnp.dot(gs, wv1_ref[pl.ds(0, 128), :],
                precision=lax.Precision.HIGHEST,
                preferred_element_type=jnp.float32)
        + jnp.dot(binfo, wv1_ref[pl.ds(128, _B), :],
                  precision=lax.Precision.HIGHEST,
                preferred_element_type=jnp.float32)
        + bv1_ref[:, :], 0.0)
    value_col = (jnp.dot(hv, wv2_ref[:, :],
                         precision=lax.Precision.HIGHEST,
                preferred_element_type=jnp.float32)
                 + bv2_ref[:, :])
    eye2 = (lax.broadcasted_iota(jnp.int32, (_B, _B), 0)
            == lax.broadcasted_iota(jnp.int32, (_B, _B), 1))
    out_ref[:, :] = jnp.sum(jnp.where(eye2, value_col, 0.0),
                            axis=0, keepdims=True)


def _full_spec(arr):
    nd = arr.ndim
    return pl.BlockSpec(arr.shape, lambda i: (0,) * nd)


def kernel(node_embeddings, region_embeddings, boundary_nodes,
           node_batch_idx, region_batch_idx, action_mask,
           W_s1, b_s1, W_s2, b_s2, W_b1, b_b1, W_b2, b_b2,
           W_v1, b_v1, W_v2, b_v2):
    del action_mask

    sums, cnts = _build_gather()(
        boundary_nodes,
        node_batch_idx,
        node_embeddings,
        jnp.zeros((_B, 128), jnp.float32),
    )

    rbi3 = region_batch_idx.reshape(_NRBLK, 1, _RBLK)
    accr, cntr = pl.pallas_call(
        _region_body,
        grid=(_NRBLK,),
        in_specs=[
            pl.BlockSpec((1, 1, _RBLK), lambda i: (i, 0, 0)),
            pl.BlockSpec((_RBLK, 128), lambda i: (i, 0)),
        ],
        out_specs=[
            pl.BlockSpec((_B, 128), lambda i: (0, 0)),
            pl.BlockSpec((_B, 1), lambda i: (0, 0)),
        ],
        out_shape=[
            jax.ShapeDtypeStruct((_B, 128), jnp.float32),
            jax.ShapeDtypeStruct((_B, 1), jnp.float32),
        ],
    )(rbi3, region_embeddings)

    weights = (W_s1, b_s1.reshape(1, -1), W_s2, b_s2.reshape(1, -1),
               W_b1, b_b1.reshape(1, -1), W_b2, b_b2.reshape(1, -1),
               W_v1, b_v1.reshape(1, -1), W_v2, b_v2.reshape(1, -1))

    cnts2 = cnts.reshape(_NW * _B // 128, 128)

    out = pl.pallas_call(
        _combine_body,
        grid=(1,),
        in_specs=[
            pl.BlockSpec((_NW * _B, 128), lambda i: (0, 0)),
            pl.BlockSpec((_NW * _B // 128, 128), lambda i: (0, 0)),
            pl.BlockSpec((_B, 128), lambda i: (0, 0)),
            pl.BlockSpec((_B, 1), lambda i: (0, 0)),
        ] + [_full_spec(w) for w in weights],
        out_specs=pl.BlockSpec((1, _B), lambda i: (0, 0)),
        out_shape=jax.ShapeDtypeStruct((1, _B), jnp.float32),
    )(sums, cnts2, accr, cntr, *weights)
    return out.reshape(_B)

# --- scband reference (transcript-rebuilt; emitter-appended) ---
"""Pipeline reference for scband-critic-network-45217415692570 (READ-ONLY COPY).

The authoritative reference and input builder live on the scoring server;
editing this copy changes nothing except your own understanding.
"""

import jax, jax.numpy as jnp
import numpy as np

N_NODES = 100000
N_REGIONS = 8192
N_BOUNDARY = 50000
BATCH = 64
NODE_DIM = 128
REGION_DIM = 128
HID = 256

def _xavier(key, fan_in, fan_out):
    lim = (6.0 / (fan_in + fan_out)) ** 0.5
    return jax.random.uniform(key, (fan_in, fan_out), jnp.float32, -lim, lim)

def setup_inputs(seed: int = 0):
    key = jax.random.key(seed)
    ks = jax.random.split(key, 16)
    inp = {}
    inp['node_embeddings'] = jax.random.normal(ks[0], (N_NODES, NODE_DIM), jnp.float32)
    inp['region_embeddings'] = jax.random.normal(ks[1], (N_REGIONS, REGION_DIM), jnp.float32)
    inp['boundary_nodes'] = jax.random.randint(ks[2], (N_BOUNDARY,), 0, N_NODES)
    inp['node_batch_idx'] = jnp.sort(jax.random.randint(ks[3], (N_NODES,), 0, BATCH))
    inp['region_batch_idx'] = jnp.sort(jax.random.randint(ks[4], (N_REGIONS,), 0, BATCH))
    inp['action_mask'] = jnp.zeros((N_NODES, 8), jnp.float32)
    inp['W_s1'] = _xavier(ks[5], REGION_DIM, HID); inp['b_s1'] = jnp.zeros((HID,), jnp.float32)
    inp['W_s2'] = _xavier(ks[6], HID, HID // 2); inp['b_s2'] = jnp.zeros((HID // 2,), jnp.float32)
    inp['W_b1'] = _xavier(ks[7], NODE_DIM, HID // 2); inp['b_b1'] = jnp.zeros((HID // 2,), jnp.float32)
    inp['W_b2'] = _xavier(ks[8], HID // 2, HID // 4); inp['b_b2'] = jnp.zeros((HID // 4,), jnp.float32)
    inp['W_v1'] = _xavier(ks[9], HID // 2 + HID // 4, HID // 2); inp['b_v1'] = jnp.zeros((HID // 2,), jnp.float32)
    inp['W_v2'] = _xavier(ks[10], HID // 2, 1); inp['b_v2'] = jnp.zeros((1,), jnp.float32)
    return inp

def _segment_mean(x, idx, n):
    s = jax.ops.segment_sum(x, idx, num_segments=n)
    c = jax.ops.segment_sum(jnp.ones((x.shape[0],), x.dtype), idx, num_segments=n)
    return s / jnp.clip(c, 1.0, None)[:, None]

def reference(node_embeddings, region_embeddings, boundary_nodes, node_batch_idx, region_batch_idx, action_mask, W_s1, b_s1, W_s2, b_s2, W_b1, b_b1, W_b2, b_b2, W_v1, b_v1, W_v2, b_v2):
    # state_encoder(scatter_mean(region_embeddings, region_batch_idx))
    region_mean = _segment_mean(region_embeddings, region_batch_idx, BATCH)
    h = jax.nn.relu(region_mean @ W_s1 + b_s1)
    global_state = jax.nn.relu(h @ W_s2 + b_s2)
    # boundary branch: gather then segment-mean
    boundary_embeddings = node_embeddings[boundary_nodes]
    boundary_batch_idx = node_batch_idx[boundary_nodes]
    boundary_mean = _segment_mean(boundary_embeddings, boundary_batch_idx, BATCH)
    hb = jax.nn.relu(boundary_mean @ W_b1 + b_b1)
    boundary_info = hb @ W_b2 + b_b2
    combined = jnp.concatenate([global_state, boundary_info], axis=1)
    hv = jax.nn.relu(combined @ W_v1 + b_v1)
    value = hv @ W_v2 + b_v2
    return value.squeeze(-1)

if __name__ == "__main__":
    import jax
    _d = setup_inputs()
    print(jax.jit(kernel)(*tuple(_d.values())))

</pallas_src>

<mosaic_0001>
#map = affine_map<(d0, d1) -> (0)>
#map1 = affine_map<(d0, d1) -> (0, 0)>
module attributes {stable_mosaic.version = 14 : i64} {
  func.func @gather_kernel(%arg0: i32, %arg1: i32, %arg2: memref<50000xi32, #tpu.memory_space<hbm>>, %arg3: memref<100000xi32, #tpu.memory_space<hbm>>, %arg4: memref<100000x128xf32, #tpu.memory_space<hbm>>, %arg5: memref<64x128xf32, #tpu.memory_space<hbm>>, %arg6: memref<2048x128xf32, #tpu.memory_space<hbm>>, %arg7: memref<2048xf32, #tpu.memory_space<hbm>>, %arg8: memref<1560xi32, #tpu.memory_space<vmem>>, %arg9: memref<120xi32, #tpu.memory_space<vmem>>, %arg10: memref<120xi32, #tpu.memory_space<vmem>>, %arg11: memref<120xi32, #tpu.memory_space<vmem>>, %arg12: memref<120xi32, #tpu.memory_space<vmem>>, %arg13: memref<120xi32, #tpu.memory_space<vmem>>, %arg14: memref<120xi32, #tpu.memory_space<vmem>>, %arg15: memref<120xf32, #tpu.memory_space<vmem>>, %arg16: memref<120x128xf32, #tpu.memory_space<vmem>>, %arg17: memref<120x128xf32, #tpu.memory_space<vmem>>, %arg18: memref<120x128xf32, #tpu.memory_space<vmem>>, %arg19: memref<80xi32, #tpu.memory_space<vmem>>, %arg20: memref<80xi32, #tpu.memory_space<vmem>>, %arg21: memref<80xi32, #tpu.memory_space<vmem>>, %arg22: memref<80x128xf32, #tpu.memory_space<vmem>>, %arg23: memref<64x128xf32, #tpu.memory_space<vmem>>, %arg24: memref<64xf32, #tpu.memory_space<vmem>>, %arg25: memref<1024x128xf32, #tpu.memory_space<vmem_shared>>, %arg26: memref<1024xf32, #tpu.memory_space<vmem_shared>>, %arg27: memref<!tpu.dma_semaphore, #tpu.memory_space<semaphore_mem>>, %arg28: memref<!tpu.dma_semaphore, #tpu.memory_space<semaphore_mem>>, %arg29: memref<!tpu.dma_semaphore, #tpu.memory_space<semaphore_mem>>, %arg30: memref<!tpu.dma_semaphore, #tpu.memory_space<semaphore_mem>>, %arg31: memref<!tpu.dma_semaphore, #tpu.memory_space<semaphore_mem>>, %arg32: memref<!tpu.dma_semaphore, #tpu.memory_space<semaphore_mem>>, %arg33: memref<!tpu.dma_semaphore, #tpu.memory_space<semaphore_mem>>, %arg34: memref<!tpu.dma_semaphore, #tpu.memory_space<semaphore_mem>>) attributes {dimension_semantics = [#tpu.dimension_semantics<core_parallel>, #tpu.dimension_semantics<subcore_parallel>], iteration_bounds = array<i64: 2, 16>, scalar_prefetch = 0 : i64, scratch_operands = 27 : i64, tpu.core_type = #tpu.core_type<sc_vector_subcore>, window_params = [{transform_indices = #map}, {transform_indices = #map}, {transform_indices = #map1}, {transform_indices = #map1}, {transform_indices = #map1}, {transform_indices = #map}]} {
    %mul3A = arith.constant 16 : i32
    %mul3A_0 = arith.muli %arg0, %mul3A : i32
    %add3A = arith.addi %mul3A_0, %arg1 : i32
    %broadcast_in_dim3A = arith.constant 1.000000e+00 : f32
    %broadcast_in_dim3A_1 = vector.broadcast %broadcast_in_dim3A : f32 to vector<16xf32>
    %swap3A = arith.constant 0 : index
    %swap3A_2 = tpu.vector_load %arg15[%swap3A] {strides = array<i32>} : memref<120xf32, #tpu.memory_space<vmem>>, vector<16xf32>,
    %swap3A_3 = vector.shape_cast %swap3A_2 : vector<16xf32> to vector<16xf32>
    %swap3A_4 = vector.shape_cast %broadcast_in_dim3A_1 : vector<16xf32> to vector<16xf32>
    tpu.vector_store %arg15[%swap3A], %swap3A_4 {strides = array<i32>} : memref<120xf32, #tpu.memory_space<vmem>>, vector<16xf32>,
    %broadcast_in_dim3A_5 = arith.constant 1.000000e+00 : f32
    %broadcast_in_dim3A_6 = vector.broadcast %broadcast_in_dim3A_5 : f32 to vector<16xf32>
    %swap3A_7 = arith.constant 16 : index
    %swap3A_8 = tpu.vector_load %arg15[%swap3A_7] {strides = array<i32>} : memref<120xf32, #tpu.memory_space<vmem>>, vector<16xf32>,
    %swap3A_9 = vector.shape_cast %swap3A_8 : vector<16xf32> to vector<16xf32>
    %swap3A_10 = vector.shape_cast %broadcast_in_dim3A_6 : vector<16xf32> to vector<16xf32>
    tpu.vector_store %arg15[%swap3A_7], %swap3A_10 {strides = array<i32>} : memref<120xf32, #tpu.memory_space<vmem>>, vector<16xf32>,
    %broadcast_in_dim3A_11 = arith.constant 1.000000e+00 : f32
    %broadcast_in_dim3A_12 = vector.broadcast %broadcast_in_dim3A_11 : f32 to vector<16xf32>
    %swap3A_13 = arith.constant 32 : index
    %swap3A_14 = tpu.vector_load %arg15[%swap3A_13] {strides = array<i32>} : memref<120xf32, #tpu.memory_space<vmem>>, vector<16xf32>,
    %swap3A_15 = vector.shape_cast %swap3A_14 : vector<16xf32> to vector<16xf32>
    %swap3A_16 = vector.shape_cast %broadcast_in_dim3A_12 : vector<16xf32> to vector<16xf32>
    tpu.vector_store %arg15[%swap3A_13], %swap3A_16 {strides = array<i32>} : memref<120xf32, #tpu.memory_space<vmem>>, vector<16xf32>,
    %broadcast_in_dim3A_17 = arith.constant 1.000000e+00 : f32
    %broadcast_in_dim3A_18 = vector.broadcast %broadcast_in_dim3A_17 : f32 to vector<16xf32>
    %swap3A_19 = arith.constant 48 : index
    %swap3A_20 = tpu.vector_load %arg15[%swap3A_19] {strides = array<i32>} : memref<120xf32, #tpu.memory_space<vmem>>, vector<16xf32>,
    %swap3A_21 = vector.shape_cast %swap3A_20 : vector<16xf32> to vector<16xf32>
    %swap3A_22 = vector.shape_cast %broadcast_in_dim3A_18 : vector<16xf32> to vector<16xf32>
    tpu.vector_store %arg15[%swap3A_19], %swap3A_22 {strides = array<i32>} : memref<120xf32, #tpu.memory_space<vmem>>, vector<16xf32>,
    %broadcast_in_dim3A_23 = arith.constant 1.000000e+00 : f32
    %broadcast_in_dim3A_24 = vector.broadcast %broadcast_in_dim3A_23 : f32 to vector<16xf32>
    %swap3A_25 = arith.constant 64 : index
    %swap3A_26 = tpu.vector_load %arg15[%swap3A_25] {strides = array<i32>} : memref<120xf32, #tpu.memory_space<vmem>>, vector<16xf32>,
    %swap3A_27 = vector.shape_cast %swap3A_26 : vector<16xf32> to vector<16xf32>
    %swap3A_28 = vector.shape_cast %broadcast_in_dim3A_24 : vector<16xf32> to vector<16xf32>
    tpu.vector_store %arg15[%swap3A_25], %swap3A_28 {strides = array<i32>} : memref<120xf32, #tpu.memory_space<vmem>>, vector<16xf32>,
    %broadcast_in_dim3A_29 = arith.constant 1.000000e+00 : f32
    %broadcast_in_dim3A_30 = vector.broadcast %broadcast_in_dim3A_29 : f32 to vector<16xf32>
    %swap3A_31 = arith.constant 80 : index
    %swap3A_32 = tpu.vector_load %arg15[%swap3A_31] {strides = array<i32>} : memref<120xf32, #tpu.memory_space<vmem>>, vector<16xf32>,
    %swap3A_33 = vector.shape_cast %swap3A_32 : vector<16xf32> to vector<16xf32>
    %swap3A_34 = vector.shape_cast %broadcast_in_dim3A_30 : vector<16xf32> to vector<16xf32>
    tpu.vector_store %arg15[%swap3A_31], %swap3A_34 {strides = array<i32>} : memref<120xf32, #tpu.memory_space<vmem>>, vector<16xf32>,
    %broadcast_in_dim3A_35 = arith.constant 1.000000e+00 : f32
    %broadcast_in_dim3A_36 = vector.broadcast %broadcast_in_dim3A_35 : f32 to vector<16xf32>
    %swap3A_37 = arith.constant 96 : index
    %swap3A_38 = tpu.vector_load %arg15[%swap3A_37] {strides = array<i32>} : memref<120xf32, #tpu.memory_space<vmem>>, vector<16xf32>,
    %swap3A_39 = vector.shape_cast %swap3A_38 : vector<16xf32> to vector<16xf32>
    %swap3A_40 = vector.shape_cast %broadcast_in_dim3A_36 : vector<16xf32> to vector<16xf32>
    tpu.vector_store %arg15[%swap3A_37], %swap3A_40 {strides = array<i32>} : memref<120xf32, #tpu.memory_space<vmem>>, vector<16xf32>,
    %broadcast_in_dim3A_41 = arith.constant 1.000000e+00 : f32
    %broadcast_in_dim3A_42 = vector.broadcast %broadcast_in_dim3A_41 : f32 to vector<16xf32>
    %swap3A_43 = arith.constant 104 : index
    %swap3A_44 = tpu.vector_load %arg15[%swap3A_43] {strides = array<i32>} : memref<120xf32, #tpu.memory_space<vmem>>, vector<16xf32>,
    %swap3A_45 = vector.shape_cast %swap3A_44 : vector<16xf32> to vector<16xf32>
    %swap3A_46 = vector.shape_cast %broadcast_in_dim3A_42 : vector<16xf32> to vector<16xf32>
    tpu.vector_store %arg15[%swap3A_43], %swap3A_46 {strides = array<i32>} : memref<120xf32, #tpu.memory_space<vmem>>, vector<16xf32>,
    %broadcast_in_dim3A_47 = arith.constant 0.000000e+00 : f32
    %broadcast_in_dim3A_48 = vector.broadcast %broadcast_in_dim3A_47 : f32 to vector<16xf32>
    %swap3A_49 = arith.constant 0 : index
    %swap3A_50 = tpu.vector_load %arg24[%swap3A_49] {strides = array<i32>} : memref<64xf32, #tpu.memory_space<vmem>>, vector<16xf32>,
    %swap3A_51 = vector.shape_cast %swap3A_50 : vector<16xf32> to vector<16xf32>
    %swap3A_52 = vector.shape_cast %broadcast_in_dim3A_48 : vector<16xf32> to vector<16xf32>
    tpu.vector_store %arg24[%swap3A_49], %swap3A_52 {strides = array<i32>} : memref<64xf32, #tpu.memory_space<vmem>>, vector<16xf32>,
    %broadcast_in_dim3A_53 = arith.constant 0.000000e+00 : f32
    %broadcast_in_dim3A_54 = vector.broadcast %broadcast_in_dim3A_53 : f32 to vector<16xf32>
    %swap3A_55 = arith.constant 16 : index
    %swap3A_56 = tpu.vector_load %arg24[%swap3A_55] {strides = array<i32>} : memref<64xf32, #tpu.memory_space<vmem>>, vector<16xf32>,
    %swap3A_57 = vector.shape_cast %swap3A_56 : vector<16xf32> to vector<16xf32>
    %swap3A_58 = vector.shape_cast %broadcast_in_dim3A_54 : vector<16xf32> to vector<16xf32>
    tpu.vector_store %arg24[%swap3A_55], %swap3A_58 {strides = array<i32>} : memref<64xf32, #tpu.memory_space<vmem>>, vector<16xf32>,
    %broadcast_in_dim3A_59 = arith.constant 0.000000e+00 : f32
    %broadcast_in_dim3A_60 = vector.broadcast %broadcast_in_dim3A_59 : f32 to vector<16xf32>
    %swap3A_61 = arith.constant 32 : index
    %swap3A_62 = tpu.vector_load %arg24[%swap3A_61] {strides = array<i32>} : memref<64xf32, #tpu.memory_space<vmem>>, vector<16xf32>,
    %swap3A_63 = vector.shape_cast %swap3A_62 : vector<16xf32> to vector<16xf32>
    %swap3A_64 = vector.shape_cast %broadcast_in_dim3A_60 : vector<16xf32> to vector<16xf32>
    tpu.vector_store %arg24[%swap3A_61], %swap3A_64 {strides = array<i32>} : memref<64xf32, #tpu.memory_space<vmem>>, vector<16xf32>,
    %broadcast_in_dim3A_65 = arith.constant 0.000000e+00 : f32
    %broadcast_in_dim3A_66 = vector.broadcast %broadcast_in_dim3A_65 : f32 to vector<16xf32>
    %swap3A_67 = arith.constant 48 : index
    %swap3A_68 = tpu.vector_load %arg24[%swap3A_67] {strides = array<i32>} : memref<64xf32, #tpu.memory_space<vmem>>, vector<16xf32>,
    %swap3A_69 = vector.shape_cast %swap3A_68 : vector<16xf32> to vector<16xf32>
    %swap3A_70 = vector.shape_cast %broadcast_in_dim3A_66 : vector<16xf32> to vector<16xf32>
    tpu.vector_store %arg24[%swap3A_67], %swap3A_70 {strides = array<i32>} : memref<64xf32, #tpu.memory_space<vmem>>, vector<16xf32>,
    %mul3A_71 = arith.constant 64 : i32
    %mul3A_72 = arith.muli %arg1, %mul3A_71 : i32
    "tpu.region"() ({
      %run_scoped3A = tpu.sem_alloc : memref<!tpu.dma_semaphore, #tpu.memory_space<semaphore_mem>>
      %dma_start3A_1464 = arith.constant 0 : i32
      %dma_start3A_1465 = tpu.memref_slice %arg25[%mul3A_72, %dma_start3A_1464] : memref<1024x128xf32, #tpu.memory_space<vmem_shared>> -> memref<64x128xf32, #tpu.memory_space<vmem_shared>>
      tpu.enqueue_dma source(%arg5 : memref<64x128xf32, #tpu.memory_space<hbm>>) target(%dma_start3A_1465 : memref<64x128xf32, #tpu.memory_space<vmem_shared>>) target_semaphore(%run_scoped3A : memref<!tpu.dma_semaphore, #tpu.memory_space<semaphore_mem>>)
      %dma_wait3A_1466 = arith.constant 0 : i32
      %dma_wait3A_1467 = tpu.memref_slice %arg25[%mul3A_72, %dma_wait3A_1466] : memref<1024x128xf32, #tpu.memory_space<vmem_shared>> -> memref<64x128xf32, #tpu.memory_space<vmem_shared>>
      tpu.wait_dma2 semaphore(%run_scoped3A : memref<!tpu.dma_semaphore, #tpu.memory_space<semaphore_mem>>) src(%arg5 : memref<64x128xf32, #tpu.memory_space<hbm>>) dst(%dma_wait3A_1467 : memref<64x128xf32, #tpu.memory_space<vmem_shared>>)
      tpu.yield
    }) : () -> ()
    %mul3A_73 = arith.constant 64 : i32
    %mul3A_74 = arith.muli %arg1, %mul3A_73 : i32
    "tpu.region"() ({
      %run_scoped3A = tpu.sem_alloc : memref<!tpu.dma_semaphore, #tpu.memory_space<semaphore_mem>>
      %dma_start3A_1464 = tpu.memref_slice %arg26[%mul3A_74] : memref<1024xf32, #tpu.memory_space<vmem_shared>> -> memref<64xf32, #tpu.memory_space<vmem_shared>>
      %dma_start3A_1465 = tpu.memref_slice %arg26[%mul3A_74] : memref<1024xf32, #tpu.memory_space<vmem_shared>> -> memref<64xf32, #tpu.memory_space<vmem_shared>>
      tpu.enqueue_dma source(%arg24 : memref<64xf32, #tpu.memory_space<vmem>>) target(%dma_start3A_1465 : memref<64xf32, #tpu.memory_space<vmem_shared>>) target_semaphore(%run_scoped3A : memref<!tpu.dma_semaphore, #tpu.memory_space<semaphore_mem>>)
      %dma_wait3A_1466 = tpu.memref_slice %arg26[%mul3A_74] : memref<1024xf32, #tpu.memory_space<vmem_shared>> -> memref<64xf32, #tpu.memory_space<vmem_shared>>
      %dma_wait3A_1467 = tpu.memref_slice %arg26[%mul3A_74] : memref<1024xf32, #tpu.memory_space<vmem_shared>> -> memref<64xf32, #tpu.memory_space<vmem_shared>>
      tpu.wait_dma2 semaphore(%run_scoped3A : memref<!tpu.dma_semaphore, #tpu.memory_space<semaphore_mem>>) src(%arg24 : memref<64xf32, #tpu.memory_space<vmem>>) dst(%dma_wait3A_1467 : memref<64xf32, #tpu.memory_space<vmem_shared>>)
      tpu.yield
    }) : () -> ()
    %mul3A_75 = arith.constant 1560 : i32
    %mul3A_76 = arith.muli %add3A, %mul3A_75 : i32
    "tpu.region"() ({
      %run_scoped3A = tpu.sem_alloc : memref<!tpu.dma_semaphore, #tpu.memory_space<semaphore_mem>>
      %dma_start3A_1464 = tpu.memref_slice %arg2[%mul3A_76] : memref<50000xi32, #tpu.memory_space<hbm>> -> memref<1560xi32, #tpu.memory_space<hbm>>
      %dma_start3A_1465 = tpu.memref_slice %arg2[%mul3A_76] : memref<50000xi32, #tpu.memory_space<hbm>> -> memref<1560xi32, #tpu.memory_space<hbm>>
      tpu.enqueue_dma source(%dma_start3A_1465 : memref<1560xi32, #tpu.memory_space<hbm>>) target(%arg8 : memref<1560xi32, #tpu.memory_space<vmem>>) target_semaphore(%run_scoped3A : memref<!tpu.dma_semaphore, #tpu.memory_space<semaphore_mem>>)
      %dma_wait3A_1466 = tpu.memref_slice %arg2[%mul3A_76] : memref<50000xi32, #tpu.memory_space<hbm>> -> memref<1560xi32, #tpu.memory_space<hbm>>
      %dma_wait3A_1467 = tpu.memref_slice %arg2[%mul3A_76] : memref<50000xi32, #tpu.memory_space<hbm>> -> memref<1560xi32, #tpu.memory_space<hbm>>
      tpu.wait_dma2 semaphore(%run_scoped3A : memref<!tpu.dma_semaphore, #tpu.memory_space<semaphore_mem>>) src(%dma_wait3A_1467 : memref<1560xi32, #tpu.memory_space<hbm>>) dst(%arg8 : memref<1560xi32, #tpu.memory_space<vmem>>)
      tpu.yield
    }) : () -> ()
    %dma_start3A = arith.constant 0 : i32
    %dma_start3A_77 = tpu.memref_slice %arg8[%dma_start3A] : memref<1560xi32, #tpu.memory_space<vmem>> -> memref<120xi32, #tpu.memory_space<vmem>>
    %dma_start3A_78 = arith.constant 0 : i32
    %dma_start3A_79 = tpu.memref_slice %arg3[%dma_start3A_78] : memref<100000xi32, #tpu.memory_space<hbm>> -> memref<100000xi32, #tpu.memory_space<hbm>>
    tpu.enqueue_indirect_dma source(%dma_start3A_79 : memref<100000xi32, #tpu.memory_space<hbm>>) target(%arg9 : memref<120xi32, #tpu.memory_space<vmem>>) offsets(%dma_start3A_77 : memref<120xi32, #tpu.memory_space<vmem>>) semaphore(%arg27 : memref<!tpu.dma_semaphore, #tpu.memory_space<semaphore_mem>>)
    %dma_start3A_80 = arith.constant 0 : i32
    %dma_start3A_81 = tpu.memref_slice %arg8[%dma_start3A_80] : memref<1560xi32, #tpu.memory_space<vmem>> -> memref<120xi32, #tpu.memory_space<vmem>>
    %dma_start3A_82 = arith.constant 0 : i32
    %dma_start3A_83 = arith.constant 0 : i32
    %dma_start3A_84 = tpu.memref_slice %arg4[%dma_start3A_82, %dma_start3A_83] : memref<100000x128xf32, #tpu.memory_space<hbm>> -> memref<100000x128xf32, #tpu.memory_space<hbm>>
    tpu.enqueue_indirect_dma source(%dma_start3A_84 : memref<100000x128xf32, #tpu.memory_space<hbm>>) target(%arg16 : memref<120x128xf32, #tpu.memory_space<vmem>>) offsets(%dma_start3A_81 : memref<120xi32, #tpu.memory_space<vmem>>) semaphore(%arg30 : memref<!tpu.dma_semaphore, #tpu.memory_space<semaphore_mem>>)
    %dma_start3A_85 = arith.constant 120 : i32
    %dma_start3A_86 = tpu.memref_slice %arg8[%dma_start3A_85] : memref<1560xi32, #tpu.memory_space<vmem>> -> memref<120xi32, #tpu.memory_space<vmem>>
    %dma_start3A_87 = arith.constant 0 : i32
    %dma_start3A_88 = tpu.memref_slice %arg3[%dma_start3A_87] : memref<100000xi32, #tpu.memory_space<hbm>> -> memref<100000xi32, #tpu.memory_space<hbm>>
    tpu.enqueue_indirect_dma source(%dma_start3A_88 : memref<100000xi32, #tpu.memory_space<hbm>>) target(%arg10 : memref<120xi32, #tpu.memory_space<vmem>>) offsets(%dma_start3A_86 : memref<120xi32, #tpu.memory_space<vmem>>) semaphore(%arg28 : memref<!tpu.dma_semaphore, #tpu.memory_space<semaphore_mem>>)
    %dma_start3A_89 = arith.constant 120 : i32
    %dma_start3A_90 = tpu.memref_slice %arg8[%dma_start3A_89] : memref<1560xi32, #tpu.memory_space<vmem>> -> memref<120xi32, #tpu.memory_space<vmem>>
    %dma_start3A_91 = arith.constant 0 : i32
    %dma_start3A_92 = arith.constant 0 : i32
    %dma_start3A_93 = tpu.memref_slice %arg4[%dma_start3A_91, %dma_start3A_92] : memref<100000x128xf32, #tpu.memory_space<hbm>> -> memref<100000x128xf32, #tpu.memory_space<hbm>>
    tpu.enqueue_indirect_dma source(%dma_start3A_93 : memref<100000x128xf32, #tpu.memory_space<hbm>>) target(%arg17 : memref<120x128xf32, #tpu.memory_space<vmem>>) offsets(%dma_start3A_90 : memref<120xi32, #tpu.memory_space<vmem>>) semaphore(%arg31 : memref<!tpu.dma_semaphore, #tpu.memory_space<semaphore_mem>>)
    %dma_start3A_94 = arith.constant 240 : i32
    %dma_start3A_95 = tpu.memref_slice %arg8[%dma_start3A_94] : memref<1560xi32, #tpu.memory_space<vmem>> -> memref<120xi32, #tpu.memory_space<vmem>>
    %dma_start3A_96 = arith.constant 0 : i32
    %dma_start3A_97 = tpu.memref_slice %arg3[%dma_start3A_96] : memref<100000xi32, #tpu.memory_space<hbm>> -> memref<100000xi32, #tpu.memory_space<hbm>>
    tpu.enqueue_indirect_dma source(%dma_start3A_97 : memref<100000xi32, #tpu.memory_space<hbm>>) target(%arg11 : memref<120xi32, #tpu.memory_space<vmem>>) offsets(%dma_start3A_95 : memref<120xi32, #tpu.memory_space<vmem>>) semaphore(%arg29 : memref<!tpu.dma_semaphore, #tpu.memory_space<semaphore_mem>>)
    %dma_start3A_98 = arith.constant 240 : i32
    %dma_start3A_99 = tpu.memref_slice %arg8[%dma_start3A_98] : memref<1560xi32, #tpu.memory_space<vmem>> -> memref<120xi32, #tpu.memory_space<vmem>>
    %dma_start3A_100 = arith.constant 0 : i32
    %dma_start3A_101 = arith.constant 0 : i32
    %dma_start3A_102 = tpu.memref_slice %arg4[%dma_start3A_100, %dma_start3A_101] : memref<100000x128xf32, #tpu.memory_space<hbm>> -> memref<100000x128xf32, #tpu.memory_space<hbm>>
    tpu.enqueue_indirect_dma source(%dma_start3A_102 : memref<100000x128xf32, #tpu.memory_space<hbm>>) target(%arg18 : memref<120x128xf32, #tpu.memory_space<vmem>>) offsets(%dma_start3A_99 : memref<120xi32, #tpu.memory_space<vmem>>) semaphore(%arg32 : memref<!tpu.dma_semaphore, #tpu.memory_space<semaphore_mem>>)
    %dma_wait3A = arith.constant 0 : i32
    %dma_wait3A_103 = tpu.memref_slice %arg8[%dma_wait3A] : memref<1560xi32, #tpu.memory_space<vmem>> -> memref<120xi32, #tpu.memory_space<vmem>>
    %dma_wait3A_104 = arith.constant 0 : i32
    %dma_wait3A_105 = tpu.memref_slice %arg3[%dma_wait3A_104] : memref<100000xi32, #tpu.memory_space<hbm>> -> memref<100000xi32, #tpu.memory_space<hbm>>
    tpu.wait_indirect_dma semaphore(%arg27 : memref<!tpu.dma_semaphore, #tpu.memory_space<semaphore_mem>>) src(%dma_wait3A_105 : memref<100000xi32, #tpu.memory_space<hbm>>) dst(%arg9 : memref<120xi32, #tpu.memory_space<vmem>>)
    %dma_wait3A_106 = arith.constant 0 : i32
    %dma_wait3A_107 = tpu.memref_slice %arg8[%dma_wait3A_106] : memref<1560xi32, #tpu.memory_space<vmem>> -> memref<120xi32, #tpu.memory_space<vmem>>
    %dma_wait3A_108 = arith.constant 0 : i32
    %dma_wait3A_109 = arith.constant 0 : i32
    %dma_wait3A_110 = tpu.memref_slice %arg4[%dma_wait3A_108, %dma_wait3A_109] : memref<100000x128xf32, #tpu.memory_space<hbm>> -> memref<100000x128xf32, #tpu.memory_space<hbm>>
    tpu.wait_indirect_dma semaphore(%arg30 : memref<!tpu.dma_semaphore, #tpu.memory_space<semaphore_mem>>) src(%dma_wait3A_110 : memref<100000x128xf32, #tpu.memory_space<hbm>>) dst(%arg16 : memref<120x128xf32, #tpu.memory_space<vmem>>)
    %get3A = arith.constant 0 : index
    %get3A_111 = tpu.vector_load %arg9[%get3A] {strides = array<i32>} : memref<120xi32, #tpu.memory_space<vmem>>, vector<16xi32>,
    %get3A_112 = vector.shape_cast %get3A_111 : vector<16xi32> to vector<16xi32>
    %mul3A_113 = arith.constant 64 : i32
    %mul3A_114 = arith.muli %arg1, %mul3A_113 : i32
    %add3A_115 = vector.broadcast %mul3A_114 : i32 to vector<16xi32>
    %add3A_116 = arith.addi %get3A_112, %add3A_115 : vector<16xi32>
    %swap3A_117 = arith.constant 0 : index
    %swap3A_118 = tpu.vector_load %arg12[%swap3A_117] {strides = array<i32>} : memref<120xi32, #tpu.memory_space<vmem>>, vector<16xi32>,
    %swap3A_119 = vector.shape_cast %swap3A_118 : vector<16xi32> to vector<16xi32>
    %swap3A_120 = vector.shape_cast %add3A_116 : vector<16xi32> to vector<16xi32>
    tpu.vector_store %arg12[%swap3A_117], %swap3A_120 {strides = array<i32>} : memref<120xi32, #tpu.memory_space<vmem>>, vector<16xi32>,
    %get3A_121 = arith.constant 16 : index
    %get3A_122 = tpu.vector_load %arg9[%get3A_121] {strides = array<i32>} : memref<120xi32, #tpu.memory_space<vmem>>, vector<16xi32>,
    %get3A_123 = vector.shape_cast %get3A_122 : vector<16xi32> to vector<16xi32>
    %mul3A_124 = arith.constant 64 : i32
    %mul3A_125 = arith.muli %arg1, %mul3A_124 : i32
    %add3A_126 = vector.broadcast %mul3A_125 : i32 to vector<16xi32>
    %add3A_127 = arith.addi %get3A_123, %add3A_126 : vector<16xi32>
    %swap3A_128 = arith.constant 16 : index
    %swap3A_129 = tpu.vector_load %arg12[%swap3A_128] {strides = array<i32>} : memref<120xi32, #tpu.memory_space<vmem>>, vector<16xi32>,
    %swap3A_130 = vector.shape_cast %swap3A_129 : vector<16xi32> to vector<16xi32>
    %swap3A_131 = vector.shape_cast %add3A_127 : vector<16xi32> to vector<16xi32>
    tpu.vector_store %arg12[%swap3A_128], %swap3A_131 {strides = array<i32>} : memref<120xi32, #tpu.memory_space<vmem>>, vector<16xi32>,
    %get3A_132 = arith.constant 32 : index
    %get3A_133 = tpu.vector_load %arg9[%get3A_132] {strides = array<i32>} : memref<120xi32, #tpu.memory_space<vmem>>, vector<16xi32>,
    %get3A_134 = vector.shape_cast %get3A_133 : vector<16xi32> to vector<16xi32>
    %mul3A_135 = arith.constant 64 : i32
    %mul3A_136 = arith.muli %arg1, %mul3A_135 : i32
    %add3A_137 = vector.broadcast %mul3A_136 : i32 to vector<16xi32>
    %add3A_138 = arith.addi %get3A_134, %add3A_137 : vector<16xi32>
    %swap3A_139 = arith.constant 32 : index
    %swap3A_140 = tpu.vector_load %arg12[%swap3A_139] {strides = array<i32>} : memref<120xi32, #tpu.memory_space<vmem>>, vector<16xi32>,
    %swap3A_141 = vector.shape_cast %swap3A_140 : vector<16xi32> to vector<16xi32>
    %swap3A_142 = vector.shape_cast %add3A_138 : vector<16xi32> to vector<16xi32>
    tpu.vector_store %arg12[%swap3A_139], %swap3A_142 {strides = array<i32>} : memref<120xi32, #tpu.memory_space<vmem>>, vector<16xi32>,
    %get3A_143 = arith.constant 48 : index
    %get3A_144 = tpu.vector_load %arg9[%get3A_143] {strides = array<i32>} : memref<120xi32, #tpu.memory_space<vmem>>, vector<16xi32>,
    %get3A_145 = vector.shape_cast %get3A_144 : vector<16xi32> to vector<16xi32>
    %mul3A_146 = arith.constant 64 : i32
    %mul3A_147 = arith.muli %arg1, %mul3A_146 : i32
    %add3A_148 = vector.broadcast %mul3A_147 : i32 to vector<16xi32>
    %add3A_149 = arith.addi %get3A_145, %add3A_148 : vector<16xi32>
    %swap3A_150 = arith.constant 48 : index
    %swap3A_151 = tpu.vector_load %arg12[%swap3A_150] {strides = array<i32>} : memref<120xi32, #tpu.memory_space<vmem>>, vector<16xi32>,
    %swap3A_152 = vector.shape_cast %swap3A_151 : vector<16xi32> to vector<16xi32>
    %swap3A_153 = vector.shape_cast %add3A_149 : vector<16xi32> to vector<16xi32>
    tpu.vector_store %arg12[%swap3A_150], %swap3A_153 {strides = array<i32>} : memref<120xi32, #tpu.memory_space<vmem>>, vector<16xi32>,
    %get3A_154 = arith.constant 64 : index
    %get3A_155 = tpu.vector_load %arg9[%get3A_154] {strides = array<i32>} : memref<120xi32, #tpu.memory_space<vmem>>, vector<16xi32>,
    %get3A_156 = vector.shape_cast %get3A_155 : vector<16xi32> to vector<16xi32>
    %mul3A_157 = arith.constant 64 : i32
    %mul3A_158 = arith.muli %arg1, %mul3A_157 : i32
    %add3A_159 = vector.broadcast %mul3A_158 : i32 to vector<16xi32>
    %add3A_160 = arith.addi %get3A_156, %add3A_159 : vector<16xi32>
    %swap3A_161 = arith.constant 64 : index
    %swap3A_162 = tpu.vector_load %arg12[%swap3A_161] {strides = array<i32>} : memref<120xi32, #tpu.memory_space<vmem>>, vector<16xi32>,
    %swap3A_163 = vector.shape_cast %swap3A_162 : vector<16xi32> to vector<16xi32>
    %swap3A_164 = vector.shape_cast %add3A_160 : vector<16xi32> to vector<16xi32>
    tpu.vector_store %arg12[%swap3A_161], %swap3A_164 {strides = array<i32>} : memref<120xi32, #tpu.memory_space<vmem>>, vector<16xi32>,
    %get3A_165 = arith.constant 80 : index
    %get3A_166 = tpu.vector_load %arg9[%get3A_165] {strides = array<i32>} : memref<120xi32, #tpu.memory_space<vmem>>, vector<16xi32>,
    %get3A_167 = vector.shape_cast %get3A_166 : vector<16xi32> to vector<16xi32>
    %mul3A_168 = arith.constant 64 : i32
    %mul3A_169 = arith.muli %arg1, %mul3A_168 : i32
    %add3A_170 = vector.broadcast %mul3A_169 : i32 to vector<16xi32>
    %add3A_171 = arith.addi %get3A_167, %add3A_170 : vector<16xi32>
    %swap3A_172 = arith.constant 80 : index
    %swap3A_173 = tpu.vector_load %arg12[%swap3A_172] {strides = array<i32>} : memref<120xi32, #tpu.memory_space<vmem>>, vector<16xi32>,
    %swap3A_174 = vector.shape_cast %swap3A_173 : vector<16xi32> to vector<16xi32>
    %swap3A_175 = vector.shape_cast %add3A_171 : vector<16xi32> to vector<16xi32>
    tpu.vector_store %arg12[%swap3A_172], %swap3A_175 {strides = array<i32>} : memref<120xi32, #tpu.memory_space<vmem>>, vector<16xi32>,
    %get3A_176 = arith.constant 96 : index
    %get3A_177 = tpu.vector_load %arg9[%get3A_176] {strides = array<i32>} : memref<120xi32, #tpu.memory_space<vmem>>, vector<16xi32>,
    %get3A_178 = vector.shape_cast %get3A_177 : vector<16xi32> to vector<16xi32>
    %mul3A_179 = arith.constant 64 : i32
    %mul3A_180 = arith.muli %arg1, %mul3A_179 : i32
    %add3A_181 = vector.broadcast %mul3A_180 : i32 to vector<16xi32>
    %add3A_182 = arith.addi %get3A_178, %add3A_181 : vector<16xi32>
    %swap3A_183 = arith.constant 96 : index
    %swap3A_184 = tpu.vector_load %arg12[%swap3A_183] {strides = array<i32>} : memref<120xi32, #tpu.memory_space<vmem>>, vector<16xi32>,
    %swap3A_185 = vector.shape_cast %swap3A_184 : vector<16xi32> to vector<16xi32>
    %swap3A_186 = vector.shape_cast %add3A_182 : vector<16xi32> to vector<16xi32>
    tpu.vector_store %arg12[%swap3A_183], %swap3A_186 {strides = array<i32>} : memref<120xi32, #tpu.memory_space<vmem>>, vector<16xi32>,
    %get3A_187 = arith.constant 104 : index
    %get3A_188 = tpu.vector_load %arg9[%get3A_187] {strides = array<i32>} : memref<120xi32, #tpu.memory_space<vmem>>, vector<16xi32>,
    %get3A_189 = vector.shape_cast %get3A_188 : vector<16xi32> to vector<16xi32>
    %mul3A_190 = arith.constant 64 : i32
    %mul3A_191 = arith.muli %arg1, %mul3A_190 : i32
    %add3A_192 = vector.broadcast %mul3A_191 : i32 to vector<16xi32>
    %add3A_193 = arith.addi %get3A_189, %add3A_192 : vector<16xi32>
    %swap3A_194 = arith.constant 104 : index
    %swap3A_195 = tpu.vector_load %arg12[%swap3A_194] {strides = array<i32>} : memref<120xi32, #tpu.memory_space<vmem>>, vector<16xi32>,
    %swap3A_196 = vector.shape_cast %swap3A_195 : vector<16xi32> to vector<16xi32>
    %swap3A_197 = vector.shape_cast %add3A_193 : vector<16xi32> to vector<16xi32>
    tpu.vector_store %arg12[%swap3A_194], %swap3A_197 {strides = array<i32>} : memref<120xi32, #tpu.memory_space<vmem>>, vector<16xi32>,
    "tpu.region"() ({
      %run_scoped3A = tpu.sem_alloc : memref<!tpu.dma_semaphore, #tpu.memory_space<semaphore_mem>>
      %dma_start3A_1464 = arith.constant 0 : i32
      %dma_start3A_1465 = arith.constant 0 : i32
      %dma_start3A_1466 = tpu.memref_slice %arg25[%dma_start3A_1464, %dma_start3A_1465] : memref<1024x128xf32, #tpu.memory_space<vmem_shared>> -> memref<1024x128xf32, #tpu.memory_space<vmem_shared>>
      tpu.enqueue_indirect_dma source(%arg16 : memref<120x128xf32, #tpu.memory_space<vmem>>) target(%dma_start3A_1466 : memref<1024x128xf32, #tpu.memory_space<vmem_shared>>) offsets(%arg12 : memref<120xi32, #tpu.memory_space<vmem>>) semaphore(%run_scoped3A : memref<!tpu.dma_semaphore, #tpu.memory_space<semaphore_mem>>) {add = true}
      %dma_wait3A_1467 = arith.constant 0 : i32
      %dma_wait3A_1468 = arith.constant 0 : i32
      %dma_wait3A_1469 = tpu.memref_slice %arg25[%dma_wait3A_1467, %dma_wait3A_1468] : memref<1024x128xf32, #tpu.memory_space<vmem_shared>> -> memref<1024x128xf32, #tpu.memory_space<vmem_shared>>
      tpu.wait_indirect_dma semaphore(%run_scoped3A : memref<!tpu.dma_semaphore, #tpu.memory_space<semaphore_mem>>) src(%arg16 : memref<120x128xf32, #tpu.memory_space<vmem>>) dst(%dma_wait3A_1469 : memref<1024x128xf32, #tpu.memory_space<vmem_shared>>)
      tpu.yield
    }) : () -> ()
    "tpu.region"() ({
      %run_scoped3A = tpu.sem_alloc : memref<!tpu.dma_semaphore, #tpu.memory_space<semaphore_mem>>
      %dma_start3A_1464 = arith.constant 0 : i32
      %dma_start3A_1465 = tpu.memref_slice %arg26[%dma_start3A_1464] : memref<1024xf32, #tpu.memory_space<vmem_shared>> -> memref<1024xf32, #tpu.memory_space<vmem_shared>>
      tpu.enqueue_indirect_dma source(%arg15 : memref<120xf32, #tpu.memory_space<vmem>>) target(%dma_start3A_1465 : memref<1024xf32, #tpu.memory_space<vmem_shared>>) offsets(%arg12 : memref<120xi32, #tpu.memory_space<vmem>>) semaphore(%run_scoped3A : memref<!tpu.dma_semaphore, #tpu.memory_space<semaphore_mem>>) {add = true}
      %dma_wait3A_1466 = arith.constant 0 : i32
      %dma_wait3A_1467 = tpu.memref_slice %arg26[%dma_wait3A_1466] : memref<1024xf32, #tpu.memory_space<vmem_shared>> -> memref<1024xf32, #tpu.memory_space<vmem_shared>>
      tpu.wait_indirect_dma semaphore(%run_scoped3A : memref<!tpu.dma_semaphore, #tpu.memory_space<semaphore_mem>>) src(%arg15 : memref<120xf32, #tpu.memory_space<vmem>>) dst(%dma_wait3A_1467 : memref<1024xf32, #tpu.memory_space<vmem_shared>>)
      tpu.yield
    }) : () -> ()
    %dma_start3A_198 = arith.constant 360 : i32
    %dma_start3A_199 = tpu.memref_slice %arg8[%dma_start3A_198] : memref<1560xi32, #tpu.memory_space<vmem>> -> memref<120xi32, #tpu.memory_space<vmem>>
    %dma_start3A_200 = arith.constant 0 : i32
    %dma_start3A_201 = tpu.memref_slice %arg3[%dma_start3A_200] : memref<100000xi32, #tpu.memory_space<hbm>> -> memref<100000xi32, #tpu.memory_space<hbm>>
    tpu.enqueue_indirect_dma source(%dma_start3A_201 : memref<100000xi32, #tpu.memory_space<hbm>>) target(%arg9 : memref<120xi32, #tpu.memory_space<vmem>>) offsets(%dma_start3A_199 : memref<120xi32, #tpu.memory_space<vmem>>) semaphore(%arg27 : memref<!tpu.dma_semaphore, #tpu.memory_space<semaphore_mem>>)
    %dma_start3A_202 = arith.constant 360 : i32
    %dma_start3A_203 = tpu.memref_slice %arg8[%dma_start3A_202] : memref<1560xi32, #tpu.memory_space<vmem>> -> memref<120xi32, #tpu.memory_space<vmem>>
    %dma_start3A_204 = arith.constant 0 : i32
    %dma_start3A_205 = arith.constant 0 : i32
    %dma_start3A_206 = tpu.memref_slice %arg4[%dma_start3A_204, %dma_start3A_205] : memref<100000x128xf32, #tpu.memory_space<hbm>> -> memref<100000x128xf32, #tpu.memory_space<hbm>>
    tpu.enqueue_indirect_dma source(%dma_start3A_206 : memref<100000x128xf32, #tpu.memory_space<hbm>>) target(%arg16 : memref<120x128xf32, #tpu.memory_space<vmem>>) offsets(%dma_start3A_203 : memref<120xi32, #tpu.memory_space<vmem>>) semaphore(%arg30 : memref<!tpu.dma_semaphore, #tpu.memory_space<semaphore_mem>>)
    %dma_wait3A_207 = arith.constant 120 : i32
    %dma_wait3A_208 = tpu.memref_slice %arg8[%dma_wait3A_207] : memref<1560xi32, #tpu.memory_space<vmem>> -> memref<120xi32, #tpu.memory_space<vmem>>
    %dma_wait3A_209 = arith.constant 0 : i32
    %dma_wait3A_210 = tpu.memref_slice %arg3[%dma_wait3A_209] : memref<100000xi32, #tpu.memory_space<hbm>> -> memref<100000xi32, #tpu.memory_space<hbm>>
    tpu.wait_indirect_dma semaphore(%arg28 : memref<!tpu.dma_semaphore, #tpu.memory_space<semaphore_mem>>) src(%dma_wait3A_210 : memref<100000xi32, #tpu.memory_space<hbm>>) dst(%arg10 : memref<120xi32, #tpu.memory_space<vmem>>)
    %dma_wait3A_211 = arith.constant 120 : i32
    %dma_wait3A_212 = tpu.memref_slice %arg8[%dma_wait3A_211] : memref<1560xi32, #tpu.memory_space<vmem>> -> memref<120xi32, #tpu.memory_space<vmem>>
    %dma_wait3A_213 = arith.constant 0 : i32
    %dma_wait3A_214 = arith.constant 0 : i32
    %dma_wait3A_215 = tpu.memref_slice %arg4[%dma_wait3A_213, %dma_wait3A_214] : memref<100000x128xf32, #tpu.memory_space<hbm>> -> memref<100000x128xf32, #tpu.memory_space<hbm>>
    tpu.wait_indirect_dma semaphore(%arg31 : memref<!tpu.dma_semaphore, #tpu.memory_space<semaphore_mem>>) src(%dma_wait3A_215 : memref<100000x128xf32, #tpu.memory_space<hbm>>) dst(%arg17 : memref<120x128xf32, #tpu.memory_space<vmem>>)
    %get3A_216 = arith.constant 0 : index
    %get3A_217 = tpu.vector_load %arg10[%get3A_216] {strides = array<i32>} : memref<120xi32, #tpu.memory_space<vmem>>, vector<16xi32>,
    %get3A_218 = vector.shape_cast %get3A_217 : vector<16xi32> to vector<16xi32>
    %mul3A_219 = arith.constant 64 : i32
    %mul3A_220 = arith.muli %arg1, %mul3A_219 : i32
    %add3A_221 = vector.broadcast %mul3A_220 : i32 to vector<16xi32>
    %add3A_222 = arith.addi %get3A_218, %add3A_221 : vector<16xi32>
    %swap3A_223 = arith.constant 0 : index
    %swap3A_224 = tpu.vector_load %arg13[%swap3A_223] {strides = array<i32>} : memref<120xi32, #tpu.memory_space<vmem>>, vector<16xi32>,
    %swap3A_225 = vector.shape_cast %swap3A_224 : vector<16xi32> to vector<16xi32>
    %swap3A_226 = vector.shape_cast %add3A_222 : vector<16xi32> to vector<16xi32>
    tpu.vector_store %arg13[%swap3A_223], %swap3A_226 {strides = array<i32>} : memref<120xi32, #tpu.memory_space<vmem>>, vector<16xi32>,
    %get3A_227 = arith.constant 16 : index
    %get3A_228 = tpu.vector_load %arg10[%get3A_227] {strides = array<i32>} : memref<120xi32, #tpu.memory_space<vmem>>, vector<16xi32>,
    %get3A_229 = vector.shape_cast %get3A_228 : vector<16xi32> to vector<16xi32>
    %mul3A_230 = arith.constant 64 : i32
    %mul3A_231 = arith.muli %arg1, %mul3A_230 : i32
    %add3A_232 = vector.broadcast %mul3A_231 : i32 to vector<16xi32>
    %add3A_233 = arith.addi %get3A_229, %add3A_232 : vector<16xi32>
    %swap3A_234 = arith.constant 16 : index
    %swap3A_235 = tpu.vector_load %arg13[%swap3A_234] {strides = array<i32>} : memref<120xi32, #tpu.memory_space<vmem>>, vector<16xi32>,
    %swap3A_236 = vector.shape_cast %swap3A_235 : vector<16xi32> to vector<16xi32>
    %swap3A_237 = vector.shape_cast %add3A_233 : vector<16xi32> to vector<16xi32>
    tpu.vector_store %arg13[%swap3A_234], %swap3A_237 {strides = array<i32>} : memref<120xi32, #tpu.memory_space<vmem>>, vector<16xi32>,
    %get3A_238 = arith.constant 32 : index
    %get3A_239 = tpu.vector_load %arg10[%get3A_238] {strides = array<i32>} : memref<120xi32, #tpu.memory_space<vmem>>, vector<16xi32>,
    %get3A_240 = vector.shape_cast %get3A_239 : vector<16xi32> to vector<16xi32>
    %mul3A_241 = arith.constant 64 : i32
    %mul3A_242 = arith.muli %arg1, %mul3A_241 : i32
    %add3A_243 = vector.broadcast %mul3A_242 : i32 to vector<16xi32>
    %add3A_244 = arith.addi %get3A_240, %add3A_243 : vector<16xi32>
    %swap3A_245 = arith.constant 32 : index
    %swap3A_246 = tpu.vector_load %arg13[%swap3A_245] {strides = array<i32>} : memref<120xi32, #tpu.memory_space<vmem>>, vector<16xi32>,
    %swap3A_247 = vector.shape_cast %swap3A_246 : vector<16xi32> to vector<16xi32>
    %swap3A_248 = vector.shape_cast %add3A_244 : vector<16xi32> to vector<16xi32>
    tpu.vector_store %arg13[%swap3A_245], %swap3A_248 {strides = array<i32>} : memref<120xi32, #tpu.memory_space<vmem>>, vector<16xi32>,
    %get3A_249 = arith.constant 48 : index
    %get3A_250 = tpu.vector_load %arg10[%get3A_249] {strides = array<i32>} : memref<120xi32, #tpu.memory_space<vmem>>, vector<16xi32>,
    %get3A_251 = vector.shape_cast %get3A_250 : vector<16xi32> to vector<16xi32>
    %mul3A_252 = arith.constant 64 : i32
    %mul3A_253 = arith.muli %arg1, %mul3A_252 : i32
    %add3A_254 = vector.broadcast %mul3A_253 : i32 to vector<16xi32>
    %add3A_255 = arith.addi %get3A_251, %add3A_254 : vector<16xi32>
    %swap3A_256 = arith.constant 48 : index
    %swap3A_257 = tpu.vector_load %arg13[%swap3A_256] {strides = array<i32>} : memref<120xi32, #tpu.memory_space<vmem>>, vector<16xi32>,
    %swap3A_258 = vector.shape_cast %swap3A_257 : vector<16xi32> to vector<16xi32>
    %swap3A_259 = vector.shape_cast %add3A_255 : vector<16xi32> to vector<16xi32>
    tpu.vector_store %arg13[%swap3A_256], %swap3A_259 {strides = array<i32>} : memref<120xi32, #tpu.memory_space<vmem>>, vector<16xi32>,
    %get3A_260 = arith.constant 64 : index
    %get3A_261 = tpu.vector_load %arg10[%get3A_260] {strides = array<i32>} : memref<120xi32, #tpu.memory_space<vmem>>, vector<16xi32>,
    %get3A_262 = vector.shape_cast %get3A_261 : vector<16xi32> to vector<16xi32>
    %mul3A_263 = arith.constant 64 : i32
    %mul3A_264 = arith.muli %arg1, %mul3A_263 : i32
    %add3A_265 = vector.broadcast %mul3A_264 : i32 to vector<16xi32>
    %add3A_266 = arith.addi %get3A_262, %add3A_265 : vector<16xi32>
    %swap3A_267 = arith.constant 64 : index
    %swap3A_268 = tpu.vector_load %arg13[%swap3A_267] {strides = array<i32>} : memref<120xi32, #tpu.memory_space<vmem>>, vector<16xi32>,
    %swap3A_269 = vector.shape_cast %swap3A_268 : vector<16xi32> to vector<16xi32>
    %swap3A_270 = vector.shape_cast %add3A_266 : vector<16xi32> to vector<16xi32>
    tpu.vector_store %arg13[%swap3A_267], %swap3A_270 {strides = array<i32>} : memref<120xi32, #tpu.memory_space<vmem>>, vector<16xi32>,
    %get3A_271 = arith.constant 80 : index
    %get3A_272 = tpu.vector_load %arg10[%get3A_271] {strides = array<i32>} : memref<120xi32, #tpu.memory_space<vmem>>, vector<16xi32>,
    %get3A_273 = vector.shape_cast %get3A_272 : vector<16xi32> to vector<16xi32>
    %mul3A_274 = arith.constant 64 : i32
    %mul3A_275 = arith.muli %arg1, %mul3A_274 : i32
    %add3A_276 = vector.broadcast %mul3A_275 : i32 to vector<16xi32>
    %add3A_277 = arith.addi %get3A_273, %add3A_276 : vector<16xi32>
    %swap3A_278 = arith.constant 80 : index
    %swap3A_279 = tpu.vector_load %arg13[%swap3A_278] {strides = array<i32>} : memref<120xi32, #tpu.memory_space<vmem>>, vector<16xi32>,
    %swap3A_280 = vector.shape_cast %swap3A_279 : vector<16xi32> to vector<16xi32>
    %swap3A_281 = vector.shape_cast %add3A_277 : vector<16xi32> to vector<16xi32>
    tpu.vector_store %arg13[%swap3A_278], %swap3A_281 {strides = array<i32>} : memref<120xi32, #tpu.memory_space<vmem>>, vector<16xi32>,
    %get3A_282 = arith.constant 96 : index
    %get3A_283 = tpu.vector_load %arg10[%get3A_282] {strides = array<i32>} : memref<120xi32, #tpu.memory_space<vmem>>, vector<16xi32>,
    %get3A_284 = vector.shape_cast %get3A_283 : vector<16xi32> to vector<16xi32>
    %mul3A_285 = arith.constant 64 : i32
    %mul3A_286 = arith.muli %arg1, %mul3A_285 : i32
    %add3A_287 = vector.broadcast %mul3A_286 : i32 to vector<16xi32>
    %add3A_288 = arith.addi %get3A_284, %add3A_287 : vector<16xi32>
    %swap3A_289 = arith.constant 96 : index
    %swap3A_290 = tpu.vector_load %arg13[%swap3A_289] {strides = array<i32>} : memref<120xi32, #tpu.memory_space<vmem>>, vector<16xi32>,
    %swap3A_291 = vector.shape_cast %swap3A_290 : vector<16xi32> to vector<16xi32>
    %swap3A_292 = vector.shape_cast %add3A_288 : vector<16xi32> to vector<16xi32>
    tpu.vector_store %arg13[%swap3A_289], %swap3A_292 {strides = array<i32>} : memref<120xi32, #tpu.memory_space<vmem>>, vector<16xi32>,
    %get3A_293 = arith.constant 104 : index
    %get3A_294 = tpu.vector_load %arg10[%get3A_293] {strides = array<i32>} : memref<120xi32, #tpu.memory_space<vmem>>, vector<16xi32>,
    %get3A_295 = vector.shape_cast %get3A_294 : vector<16xi32> to vector<16xi32>
    %mul3A_296 = arith.constant 64 : i32
    %mul3A_297 = arith.muli %arg1, %mul3A_296 : i32
    %add3A_298 = vector.broadcast %mul3A_297 : i32 to vector<16xi32>
    %add3A_299 = arith.addi %get3A_295, %add3A_298 : vector<16xi32>
    %swap3A_300 = arith.constant 104 : index
    %swap3A_301 = tpu.vector_load %arg13[%swap3A_300] {strides = array<i32>} : memref<120xi32, #tpu.memory_space<vmem>>, vector<16xi32>,
    %swap3A_302 = vector.shape_cast %swap3A_301 : vector<16xi32> to vector<16xi32>
    %swap3A_303 = vector.shape_cast %add3A_299 : vector<16xi32> to vector<16xi32>
    tpu.vector_store %arg13[%swap3A_300], %swap3A_303 {strides = array<i32>} : memref<120xi32, #tpu.memory_space<vmem>>, vector<16xi32>,
    "tpu.region"() ({
      %run_scoped3A = tpu.sem_alloc : memref<!tpu.dma_semaphore, #tpu.memory_space<semaphore_mem>>
      %dma_start3A_1464 = arith.constant 0 : i32
      %dma_start3A_1465 = arith.constant 0 : i32
      %dma_start3A_1466 = tpu.memref_slice %arg25[%dma_start3A_1464, %dma_start3A_1465] : memref<1024x128xf32, #tpu.memory_space<vmem_shared>> -> memref<1024x128xf32, #tpu.memory_space<vmem_shared>>
      tpu.enqueue_indirect_dma source(%arg17 : memref<120x128xf32, #tpu.memory_space<vmem>>) target(%dma_start3A_1466 : memref<1024x128xf32, #tpu.memory_space<vmem_shared>>) offsets(%arg13 : memref<120xi32, #tpu.memory_space<vmem>>) semaphore(%run_scoped3A : memref<!tpu.dma_semaphore, #tpu.memory_space<semaphore_mem>>) {add = true}
      %dma_wait3A_1467 = arith.constant 0 : i32
      %dma_wait3A_1468 = arith.constant 0 : i32
      %dma_wait3A_1469 = tpu.memref_slice %arg25[%dma_wait3A_1467, %dma_wait3A_1468] : memref<1024x128xf32, #tpu.memory_space<vmem_shared>> -> memref<1024x128xf32, #tpu.memory_space<vmem_shared>>
      tpu.wait_indirect_dma semaphore(%run_scoped3A : memref<!tpu.dma_semaphore, #tpu.memory_space<semaphore_mem>>) src(%arg17 : memref<120x128xf32, #tpu.memory_space<vmem>>) dst(%dma_wait3A_1469 : memref<1024x128xf32, #tpu.memory_space<vmem_shared>>)
      tpu.yield
    }) : () -> ()
    "tpu.region"() ({
      %run_scoped3A = tpu.sem_alloc : memref<!tpu.dma_semaphore, #tpu.memory_space<semaphore_mem>>
      %dma_start3A_1464 = arith.constant 0 : i32
      %dma_start3A_1465 = tpu.memref_slice %arg26[%dma_start3A_1464] : memref<1024xf32, #tpu.memory_space<vmem_shared>> -> memref<1024xf32, #tpu.memory_space<vmem_shared>>
      tpu.enqueue_indirect_dma source(%arg15 : memref<120xf32, #tpu.memory_space<vmem>>) target(%dma_start3A_1465 : memref<1024xf32, #tpu.memory_space<vmem_shared>>) offsets(%arg13 : memref<120xi32, #tpu.memory_space<vmem>>) semaphore(%run_scoped3A : memref<!tpu.dma_semaphore, #tpu.memory_space<semaphore_mem>>) {add = true}
      %dma_wait3A_1466 = arith.constant 0 : i32
      %dma_wait3A_1467 = tpu.memref_slice %arg26[%dma_wait3A_1466] : memref<1024xf32, #tpu.memory_space<vmem_shared>> -> memref<1024xf32, #tpu.memory_space<vmem_shared>>
      tpu.wait_indirect_dma semaphore(%run_scoped3A : memref<!tpu.dma_semaphore, #tpu.memory_space<semaphore_mem>>) src(%arg15 : memref<120xf32, #tpu.memory_space<vmem>>) dst(%dma_wait3A_1467 : memref<1024xf32, #tpu.memory_space<vmem_shared>>)
      tpu.yield
    }) : () -> ()
    %dma_start3A_304 = arith.constant 480 : i32
    %dma_start3A_305 = tpu.memref_slice %arg8[%dma_start3A_304] : memref<1560xi32, #tpu.memory_space<vmem>> -> memref<120xi32, #tpu.memory_space<vmem>>
    %dma_start3A_306 = arith.constant 0 : i32
    %dma_start3A_307 = tpu.memref_slice %arg3[%dma_start3A_306] : memref<100000xi32, #tpu.memory_space<hbm>> -> memref<100000xi32, #tpu.memory_space<hbm>>
    tpu.enqueue_indirect_dma source(%dma_start3A_307 : memref<100000xi32, #tpu.memory_space<hbm>>) target(%arg10 : memref<120xi32, #tpu.memory_space<vmem>>) offsets(%dma_start3A_305 : memref<120xi32, #tpu.memory_space<vmem>>) semaphore(%arg28 : memref<!tpu.dma_semaphore, #tpu.memory_space<semaphore_mem>>)
    %dma_start3A_308 = arith.constant 480 : i32
    %dma_start3A_309 = tpu.memref_slice %arg8[%dma_start3A_308] : memref<1560xi32, #tpu.memory_space<vmem>> -> memref<120xi32, #tpu.memory_space<vmem>>
    %dma_start3A_310 = arith.constant 0 : i32
    %dma_start3A_311 = arith.constant 0 : i32
    %dma_start3A_312 = tpu.memref_slice %arg4[%dma_start3A_310, %dma_start3A_311] : memref<100000x128xf32, #tpu.memory_space<hbm>> -> memref<100000x128xf32, #tpu.memory_space<hbm>>
    tpu.enqueue_indirect_dma source(%dma_start3A_312 : memref<100000x128xf32, #tpu.memory_space<hbm>>) target(%arg17 : memref<120x128xf32, #tpu.memory_space<vmem>>) offsets(%dma_start3A_309 : memref<120xi32, #tpu.memory_space<vmem>>) semaphore(%arg31 : memref<!tpu.dma_semaphore, #tpu.memory_space<semaphore_mem>>)
    %dma_wait3A_313 = arith.constant 240 : i32
    %dma_wait3A_314 = tpu.memref_slice %arg8[%dma_wait3A_313] : memref<1560xi32, #tpu.memory_space<vmem>> -> memref<120xi32, #tpu.memory_space<vmem>>
    %dma_wait3A_315 = arith.constant 0 : i32
    %dma_wait3A_316 = tpu.memref_slice %arg3[%dma_wait3A_315] : memref<100000xi32, #tpu.memory_space<hbm>> -> memref<100000xi32, #tpu.memory_space<hbm>>
    tpu.wait_indirect_dma semaphore(%arg29 : memref<!tpu.dma_semaphore, #tpu.memory_space<semaphore_mem>>) src(%dma_wait3A_316 : memref<100000xi32, #tpu.memory_space<hbm>>) dst(%arg11 : memref<120xi32, #tpu.memory_space<vmem>>)
    %dma_wait3A_317 = arith.constant 240 : i32
    %dma_wait3A_318 = tpu.memref_slice %arg8[%dma_wait3A_317] : memref<1560xi32, #tpu.memory_space<vmem>> -> memref<120xi32, #tpu.memory_space<vmem>>
    %dma_wait3A_319 = arith.constant 0 : i32
    %dma_wait3A_320 = arith.constant 0 : i32
    %dma_wait3A_321 = tpu.memref_slice %arg4[%dma_wait3A_319, %dma_wait3A_320] : memref<100000x128xf32, #tpu.memory_space<hbm>> -> memref<100000x128xf32, #tpu.memory_space<hbm>>
    tpu.wait_indirect_dma semaphore(%arg32 : memref<!tpu.dma_semaphore, #tpu.memory_space<semaphore_mem>>) src(%dma_wait3A_321 : memref<100000x128xf32, #tpu.memory_space<hbm>>) dst(%arg18 : memref<120x128xf32, #tpu.memory_space<vmem>>)
    %get3A_322 = arith.constant 0 : index
    %get3A_323 = tpu.vector_load %arg11[%get3A_322] {strides = array<i32>} : memref<120xi32, #tpu.memory_space<vmem>>, vector<16xi32>,
    %get3A_324 = vector.shape_cast %get3A_323 : vector<16xi32> to vector<16xi32>
    %mul3A_325 = arith.constant 64 : i32
    %mul3A_326 = arith.muli %arg1, %mul3A_325 : i32
    %add3A_327 = vector.broadcast %mul3A_326 : i32 to vector<16xi32>
    %add3A_328 = arith.addi %get3A_324, %add3A_327 : vector<16xi32>
    %swap3A_329 = arith.constant 0 : index
    %swap3A_330 = tpu.vector_load %arg14[%swap3A_329] {strides = array<i32>} : memref<120xi32, #tpu.memory_space<vmem>>, vector<16xi32>,
    %swap3A_331 = vector.shape_cast %swap3A_330 : vector<16xi32> to vector<16xi32>
    %swap3A_332 = vector.shape_cast %add3A_328 : vector<16xi32> to vector<16xi32>
    tpu.vector_store %arg14[%swap3A_329], %swap3A_332 {strides = array<i32>} : memref<120xi32, #tpu.memory_space<vmem>>, vector<16xi32>,
    %get3A_333 = arith.constant 16 : index
    %get3A_334 = tpu.vector_load %arg11[%get3A_333] {strides = array<i32>} : memref<120xi32, #tpu.memory_space<vmem>>, vector<16xi32>,
    %get3A_335 = vector.shape_cast %get3A_334 : vector<16xi32> to vector<16xi32>
    %mul3A_336 = arith.constant 64 : i32
    %mul3A_337 = arith.muli %arg1, %mul3A_336 : i32
    %add3A_338 = vector.broadcast %mul3A_337 : i32 to vector<16xi32>
    %add3A_339 = arith.addi %get3A_335, %add3A_338 : vector<16xi32>
    %swap3A_340 = arith.constant 16 : index
    %swap3A_341 = tpu.vector_load %arg14[%swap3A_340] {strides = array<i32>} : memref<120xi32, #tpu.memory_space<vmem>>, vector<16xi32>,
    %swap3A_342 = vector.shape_cast %swap3A_341 : vector<16xi32> to vector<16xi32>
    %swap3A_343 = vector.shape_cast %add3A_339 : vector<16xi32> to vector<16xi32>
    tpu.vector_store %arg14[%swap3A_340], %swap3A_343 {strides = array<i32>} : memref<120xi32, #tpu.memory_space<vmem>>, vector<16xi32>,
    %get3A_344 = arith.constant 32 : index
    %get3A_345 = tpu.vector_load %arg11[%get3A_344] {strides = array<i32>} : memref<120xi32, #tpu.memory_space<vmem>>, vector<16xi32>,
    %get3A_346 = vector.shape_cast %get3A_345 : vector<16xi32> to vector<16xi32>
    %mul3A_347 = arith.constant 64 : i32
    %mul3A_348 = arith.muli %arg1, %mul3A_347 : i32
    %add3A_349 = vector.broadcast %mul3A_348 : i32 to vector<16xi32>
    %add3A_350 = arith.addi %get3A_346, %add3A_349 : vector<16xi32>
    %swap3A_351 = arith.constant 32 : index
    %swap3A_352 = tpu.vector_load %arg14[%swap3A_351] {strides = array<i32>} : memref<120xi32, #tpu.memory_space<vmem>>, vector<16xi32>,
    %swap3A_353 = vector.shape_cast %swap3A_352 : vector<16xi32> to vector<16xi32>
    %swap3A_354 = vector.shape_cast %add3A_350 : vector<16xi32> to vector<16xi32>
    tpu.vector_store %arg14[%swap3A_351], %swap3A_354 {strides = array<i32>} : memref<120xi32, #tpu.memory_space<vmem>>, vector<16xi32>,
    %get3A_355 = arith.constant 48 : index
    %get3A_356 = tpu.vector_load %arg11[%get3A_355] {strides = array<i32>} : memref<120xi32, #tpu.memory_space<vmem>>, vector<16xi32>,
    %get3A_357 = vector.shape_cast %get3A_356 : vector<16xi32> to vector<16xi32>
    %mul3A_358 = arith.constant 64 : i32
    %mul3A_359 = arith.muli %arg1, %mul3A_358 : i32
    %add3A_360 = vector.broadcast %mul3A_359 : i32 to vector<16xi32>
    %add3A_361 = arith.addi %get3A_357, %add3A_360 : vector<16xi32>
    %swap3A_362 = arith.constant 48 : index
    %swap3A_363 = tpu.vector_load %arg14[%swap3A_362] {strides = array<i32>} : memref<120xi32, #tpu.memory_space<vmem>>, vector<16xi32>,
    %swap3A_364 = vector.shape_cast %swap3A_363 : vector<16xi32> to vector<16xi32>
    %swap3A_365 = vector.shape_cast %add3A_361 : vector<16xi32> to vector<16xi32>
    tpu.vector_store %arg14[%swap3A_362], %swap3A_365 {strides = array<i32>} : memref<120xi32, #tpu.memory_space<vmem>>, vector<16xi32>,
    %get3A_366 = arith.constant 64 : index
    %get3A_367 = tpu.vector_load %arg11[%get3A_366] {strides = array<i32>} : memref<120xi32, #tpu.memory_space<vmem>>, vector<16xi32>,
    %get3A_368 = vector.shape_cast %get3A_367 : vector<16xi32> to vector<16xi32>
    %mul3A_369 = arith.constant 64 : i32
    %mul3A_370 = arith.muli %arg1, %mul3A_369 : i32
    %add3A_371 = vector.broadcast %mul3A_370 : i32 to vector<16xi32>
    %add3A_372 = arith.addi %get3A_368, %add3A_371 : vector<16xi32>
    %swap3A_373 = arith.constant 64 : index
    %swap3A_374 = tpu.vector_load %arg14[%swap3A_373] {strides = array<i32>} : memref<120xi32, #tpu.memory_space<vmem>>, vector<16xi32>,
    %swap3A_375 = vector.shape_cast %swap3A_374 : vector<16xi32> to vector<16xi32>
    %swap3A_376 = vector.shape_cast %add3A_372 : vector<16xi32> to vector<16xi32>
    tpu.vector_store %arg14[%swap3A_373], %swap3A_376 {strides = array<i32>} : memref<120xi32, #tpu.memory_space<vmem>>, vector<16xi32>,
    %get3A_377 = arith.constant 80 : index
    %get3A_378 = tpu.vector_load %arg11[%get3A_377] {strides = array<i32>} : memref<120xi32, #tpu.memory_space<vmem>>, vector<16xi32>,
    %get3A_379 = vector.shape_cast %get3A_378 : vector<16xi32> to vector<16xi32>
    %mul3A_380 = arith.constant 64 : i32
    %mul3A_381 = arith.muli %arg1, %mul3A_380 : i32
    %add3A_382 = vector.broadcast %mul3A_381 : i32 to vector<16xi32>
    %add3A_383 = arith.addi %get3A_379, %add3A_382 : vector<16xi32>
    %swap3A_384 = arith.constant 80 : index
    %swap3A_385 = tpu.vector_load %arg14[%swap3A_384] {strides = array<i32>} : memref<120xi32, #tpu.memory_space<vmem>>, vector<16xi32>,
    %swap3A_386 = vector.shape_cast %swap3A_385 : vector<16xi32> to vector<16xi32>
    %swap3A_387 = vector.shape_cast %add3A_383 : vector<16xi32> to vector<16xi32>
    tpu.vector_store %arg14[%swap3A_384], %swap3A_387 {strides = array<i32>} : memref<120xi32, #tpu.memory_space<vmem>>, vector<16xi32>,
    %get3A_388 = arith.constant 96 : index
    %get3A_389 = tpu.vector_load %arg11[%get3A_388] {strides = array<i32>} : memref<120xi32, #tpu.memory_space<vmem>>, vector<16xi32>,
    %get3A_390 = vector.shape_cast %get3A_389 : vector<16xi32> to vector<16xi32>
    %mul3A_391 = arith.constant 64 : i32
    %mul3A_392 = arith.muli %arg1, %mul3A_391 : i32
    %add3A_393 = vector.broadcast %mul3A_392 : i32 to vector<16xi32>
    %add3A_394 = arith.addi %get3A_390, %add3A_393 : vector<16xi32>
    %swap3A_395 = arith.constant 96 : index
    %swap3A_396 = tpu.vector_load %arg14[%swap3A_395] {strides = array<i32>} : memref<120xi32, #tpu.memory_space<vmem>>, vector<16xi32>,
    %swap3A_397 = vector.shape_cast %swap3A_396 : vector<16xi32> to vector<16xi32>
    %swap3A_398 = vector.shape_cast %add3A_394 : vector<16xi32> to vector<16xi32>
    tpu.vector_store %arg14[%swap3A_395], %swap3A_398 {strides = array<i32>} : memref<120xi32, #tpu.memory_space<vmem>>, vector<16xi32>,
    %get3A_399 = arith.constant 104 : index
    %get3A_400 = tpu.vector_load %arg11[%get3A_399] {strides = array<i32>} : memref<120xi32, #tpu.memory_space<vmem>>, vector<16xi32>,
    %get3A_401 = vector.shape_cast %get3A_400 : vector<16xi32> to vector<16xi32>
    %mul3A_402 = arith.constant 64 : i32
    %mul3A_403 = arith.muli %arg1, %mul3A_402 : i32
    %add3A_404 = vector.broadcast %mul3A_403 : i32 to vector<16xi32>
    %add3A_405 = arith.addi %get3A_401, %add3A_404 : vector<16xi32>
    %swap3A_406 = arith.constant 104 : index
    %swap3A_407 = tpu.vector_load %arg14[%swap3A_406] {strides = array<i32>} : memref<120xi32, #tpu.memory_space<vmem>>, vector<16xi32>,
    %swap3A_408 = vector.shape_cast %swap3A_407 : vector<16xi32> to vector<16xi32>
    %swap3A_409 = vector.shape_cast %add3A_405 : vector<16xi32> to vector<16xi32>
    tpu.vector_store %arg14[%swap3A_406], %swap3A_409 {strides = array<i32>} : memref<120xi32, #tpu.memory_space<vmem>>, vector<16xi32>,
    "tpu.region"() ({
      %run_scoped3A = tpu.sem_alloc : memref<!tpu.dma_semaphore, #tpu.memory_space<semaphore_mem>>
      %dma_start3A_1464 = arith.constant 0 : i32
      %dma_start3A_1465 = arith.constant 0 : i32
      %dma_start3A_1466 = tpu.memref_slice %arg25[%dma_start3A_1464, %dma_start3A_1465] : memref<1024x128xf32, #tpu.memory_space<vmem_shared>> -> memref<1024x128xf32, #tpu.memory_space<vmem_shared>>
      tpu.enqueue_indirect_dma source(%arg18 : memref<120x128xf32, #tpu.memory_space<vmem>>) target(%dma_start3A_1466 : memref<1024x128xf32, #tpu.memory_space<vmem_shared>>) offsets(%arg14 : memref<120xi32, #tpu.memory_space<vmem>>) semaphore(%run_scoped3A : memref<!tpu.dma_semaphore, #tpu.memory_space<semaphore_mem>>) {add = true}
      %dma_wait3A_1467 = arith.constant 0 : i32
      %dma_wait3A_1468 = arith.constant 0 : i32
      %dma_wait3A_1469 = tpu.memref_slice %arg25[%dma_wait3A_1467, %dma_wait3A_1468] : memref<1024x128xf32, #tpu.memory_space<vmem_shared>> -> memref<1024x128xf32, #tpu.memory_space<vmem_shared>>
      tpu.wait_indirect_dma semaphore(%run_scoped3A : memref<!tpu.dma_semaphore, #tpu.memory_space<semaphore_mem>>) src(%arg18 : memref<120x128xf32, #tpu.memory_space<vmem>>) dst(%dma_wait3A_1469 : memref<1024x128xf32, #tpu.memory_space<vmem_shared>>)
      tpu.yield
    }) : () -> ()
    "tpu.region"() ({
      %run_scoped3A = tpu.sem_alloc : memref<!tpu.dma_semaphore, #tpu.memory_space<semaphore_mem>>
      %dma_start3A_1464 = arith.constant 0 : i32
      %dma_start3A_1465 = tpu.memref_slice %arg26[%dma_start3A_1464] : memref<1024xf32, #tpu.memory_space<vmem_shared>> -> memref<1024xf32, #tpu.memory_space<vmem_shared>>
      tpu.enqueue_indirect_dma source(%arg15 : memref<120xf32, #tpu.memory_space<vmem>>) target(%dma_start3A_1465 : memref<1024xf32, #tpu.memory_space<vmem_shared>>) offsets(%arg14 : memref<120xi32, #tpu.memory_space<vmem>>) semaphore(%run_scoped3A : memref<!tpu.dma_semaphore, #tpu.memory_space<semaphore_mem>>) {add = true}
      %dma_wait3A_1466 = arith.constant 0 : i32
      %dma_wait3A_1467 = tpu.memref_slice %arg26[%dma_wait3A_1466] : memref<1024xf32, #tpu.memory_space<vmem_shared>> -> memref<1024xf32, #tpu.memory_space<vmem_shared>>
      tpu.wait_indirect_dma semaphore(%run_scoped3A : memref<!tpu.dma_semaphore, #tpu.memory_space<semaphore_mem>>) src(%arg15 : memref<120xf32, #tpu.memory_space<vmem>>) dst(%dma_wait3A_1467 : memref<1024xf32, #tpu.memory_space<vmem_shared>>)
      tpu.yield
    }) : () -> ()
    %dma_start3A_410 = arith.constant 600 : i32
    %dma_start3A_411 = tpu.memref_slice %arg8[%dma_start3A_410] : memref<1560xi32, #tpu.memory_space<vmem>> -> memref<120xi32, #tpu.memory_space<vmem>>
    %dma_start3A_412 = arith.constant 0 : i32
    %dma_start3A_413 = tpu.memref_slice %arg3[%dma_start3A_412] : memref<100000xi32, #tpu.memory_space<hbm>> -> memref<100000xi32, #tpu.memory_space<hbm>>
    tpu.enqueue_indirect_dma source(%dma_start3A_413 : memref<100000xi32, #tpu.memory_space<hbm>>) target(%arg11 : memref<120xi32, #tpu.memory_space<vmem>>) offsets(%dma_start3A_411 : memref<120xi32, #tpu.memory_space<vmem>>) semaphore(%arg29 : memref<!tpu.dma_semaphore, #tpu.memory_space<semaphore_mem>>)
    %dma_start3A_414 = arith.constant 600 : i32
    %dma_start3A_415 = tpu.memref_slice %arg8[%dma_start3A_414] : memref<1560xi32, #tpu.memory_space<vmem>> -> memref<120xi32, #tpu.memory_space<vmem>>
    %dma_start3A_416 = arith.constant 0 : i32
    %dma_start3A_417 = arith.constant 0 : i32
    %dma_start3A_418 = tpu.memref_slice %arg4[%dma_start3A_416, %dma_start3A_417] : memref<100000x128xf32, #tpu.memory_space<hbm>> -> memref<100000x128xf32, #tpu.memory_space<hbm>>
    tpu.enqueue_indirect_dma source(%dma_start3A_418 : memref<100000x128xf32, #tpu.memory_space<hbm>>) target(%arg18 : memref<120x128xf32, #tpu.memory_space<vmem>>) offsets(%dma_start3A_415 : memref<120xi32, #tpu.memory_space<vmem>>) semaphore(%arg32 : memref<!tpu.dma_semaphore, #tpu.memory_space<semaphore_mem>>)
    %dma_wait3A_419 = arith.constant 360 : i32
    %dma_wait3A_420 = tpu.memref_slice %arg8[%dma_wait3A_419] : memref<1560xi32, #tpu.memory_space<vmem>> -> memref<120xi32, #tpu.memory_space<vmem>>
    %dma_wait3A_421 = arith.constant 0 : i32
    %dma_wait3A_422 = tpu.memref_slice %arg3[%dma_wait3A_421] : memref<100000xi32, #tpu.memory_space<hbm>> -> memref<100000xi32, #tpu.memory_space<hbm>>
    tpu.wait_indirect_dma semaphore(%arg27 : memref<!tpu.dma_semaphore, #tpu.memory_space<semaphore_mem>>) src(%dma_wait3A_422 : memref<100000xi32, #tpu.memory_space<hbm>>) dst(%arg9 : memref<120xi32, #tpu.memory_space<vmem>>)
    %dma_wait3A_423 = arith.constant 360 : i32
    %dma_wait3A_424 = tpu.memref_slice %arg8[%dma_wait3A_423] : memref<1560xi32, #tpu.memory_space<vmem>> -> memref<120xi32, #tpu.memory_space<vmem>>
    %dma_wait3A_425 = arith.constant 0 : i32
    %dma_wait3A_426 = arith.constant 0 : i32
    %dma_wait3A_427 = tpu.memref_slice %arg4[%dma_wait3A_425, %dma_wait3A_426] : memref<100000x128xf32, #tpu.memory_space<hbm>> -> memref<100000x128xf32, #tpu.memory_space<hbm>>
    tpu.wait_indirect_dma semaphore(%arg30 : memref<!tpu.dma_semaphore, #tpu.memory_space<semaphore_mem>>) src(%dma_wait3A_427 : memref<100000x128xf32, #tpu.memory_space<hbm>>) dst(%arg16 : memref<120x128xf32, #tpu.memory_space<vmem>>)
    %get3A_428 = arith.constant 0 : index
    %get3A_429 = tpu.vector_load %arg9[%get3A_428] {strides = array<i32>} : memref<120xi32, #tpu.memory_space<vmem>>, vector<16xi32>,
    %get3A_430 = vector.shape_cast %get3A_429 : vector<16xi32> to vector<16xi32>
    %mul3A_431 = arith.constant 64 : i32
    %mul3A_432 = arith.muli %arg1, %mul3A_431 : i32
    %add3A_433 = vector.broadcast %mul3A_432 : i32 to vector<16xi32>
    %add3A_434 = arith.addi %get3A_430, %add3A_433 : vector<16xi32>
    %swap3A_435 = arith.constant 0 : index
    %swap3A_436 = tpu.vector_load %arg12[%swap3A_435] {strides = array<i32>} : memref<120xi32, #tpu.memory_space<vmem>>, vector<16xi32>,
    %swap3A_437 = vector.shape_cast %swap3A_436 : vector<16xi32> to vector<16xi32>
    %swap3A_438 = vector.shape_cast %add3A_434 : vector<16xi32> to vector<16xi32>
    tpu.vector_store %arg12[%swap3A_435], %swap3A_438 {strides = array<i32>} : memref<120xi32, #tpu.memory_space<vmem>>, vector<16xi32>,
    %get3A_439 = arith.constant 16 : index
    %get3A_440 = tpu.vector_load %arg9[%get3A_439] {strides = array<i32>} : memref<120xi32, #tpu.memory_space<vmem>>, vector<16xi32>,
    %get3A_441 = vector.shape_cast %get3A_440 : vector<16xi32> to vector<16xi32>
    %mul3A_442 = arith.constant 64 : i32
    %mul3A_443 = arith.muli %arg1, %mul3A_442 : i32
    %add3A_444 = vector.broadcast %mul3A_443 : i32 to vector<16xi32>
    %add3A_445 = arith.addi %get3A_441, %add3A_444 : vector<16xi32>
    %swap3A_446 = arith.constant 16 : index
    %swap3A_447 = tpu.vector_load %arg12[%swap3A_446] {strides = array<i32>} : memref<120xi32, #tpu.memory_space<vmem>>, vector<16xi32>,
    %swap3A_448 = vector.shape_cast %swap3A_447 : vector<16xi32> to vector<16xi32>
    %swap3A_449 = vector.shape_cast %add3A_445 : vector<16xi32> to vector<16xi32>
    tpu.vector_store %arg12[%swap3A_446], %swap3A_449 {strides = array<i32>} : memref<120xi32, #tpu.memory_space<vmem>>, vector<16xi32>,
    %get3A_450 = arith.constant 32 : index
    %get3A_451 = tpu.vector_load %arg9[%get3A_450] {strides = array<i32>} : memref<120xi32, #tpu.memory_space<vmem>>, vector<16xi32>,
    %get3A_452 = vector.shape_cast %get3A_451 : vector<16xi32> to vector<16xi32>
    %mul3A_453 = arith.constant 64 : i32
    %mul3A_454 = arith.muli %arg1, %mul3A_453 : i32
    %add3A_455 = vector.broadcast %mul3A_454 : i32 to vector<16xi32>
    %add3A_456 = arith.addi %get3A_452, %add3A_455 : vector<16xi32>
    %swap3A_457 = arith.constant 32 : index
    %swap3A_458 = tpu.vector_load %arg12[%swap3A_457] {strides = array<i32>} : memref<120xi32, #tpu.memory_space<vmem>>, vector<16xi32>,
    %swap3A_459 = vector.shape_cast %swap3A_458 : vector<16xi32> to vector<16xi32>
    %swap3A_460 = vector.shape_cast %add3A_456 : vector<16xi32> to vector<16xi32>
    tpu.vector_store %arg12[%swap3A_457], %swap3A_460 {strides = array<i32>} : memref<120xi32, #tpu.memory_space<vmem>>, vector<16xi32>,
    %get3A_461 = arith.constant 48 : index
    %get3A_462 = tpu.vector_load %arg9[%get3A_461] {strides = array<i32>} : memref<120xi32, #tpu.memory_space<vmem>>, vector<16xi32>,
    %get3A_463 = vector.shape_cast %get3A_462 : vector<16xi32> to vector<16xi32>
    %mul3A_464 = arith.constant 64 : i32
    %mul3A_465 = arith.muli %arg1, %mul3A_464 : i32
    %add3A_466 = vector.broadcast %mul3A_465 : i32 to vector<16xi32>
    %add3A_467 = arith.addi %get3A_463, %add3A_466 : vector<16xi32>
    %swap3A_468 = arith.constant 48 : index
    %swap3A_469 = tpu.vector_load %arg12[%swap3A_468] {strides = array<i32>} : memref<120xi32, #tpu.memory_space<vmem>>, vector<16xi32>,
    %swap3A_470 = vector.shape_cast %swap3A_469 : vector<16xi32> to vector<16xi32>
    %swap3A_471 = vector.shape_cast %add3A_467 : vector<16xi32> to vector<16xi32>
    tpu.vector_store %arg12[%swap3A_468], %swap3A_471 {strides = array<i32>} : memref<120xi32, #tpu.memory_space<vmem>>, vector<16xi32>,
    %get3A_472 = arith.constant 64 : index
    %get3A_473 = tpu.vector_load %arg9[%get3A_472] {strides = array<i32>} : memref<120xi32, #tpu.memory_space<vmem>>, vector<16xi32>,
    %get3A_474 = vector.shape_cast %get3A_473 : vector<16xi32> to vector<16xi32>
    %mul3A_475 = arith.constant 64 : i32
    %mul3A_476 = arith.muli %arg1, %mul3A_475 : i32
    %add3A_477 = vector.broadcast %mul3A_476 : i32 to vector<16xi32>
    %add3A_478 = arith.addi %get3A_474, %add3A_477 : vector<16xi32>
    %swap3A_479 = arith.constant 64 : index
    %swap3A_480 = tpu.vector_load %arg12[%swap3A_479] {strides = array<i32>} : memref<120xi32, #tpu.memory_space<vmem>>, vector<16xi32>,
    %swap3A_481 = vector.shape_cast %swap3A_480 : vector<16xi32> to vector<16xi32>
    %swap3A_482 = vector.shape_cast %add3A_478 : vector<16xi32> to vector<16xi32>
    tpu.vector_store %arg12[%swap3A_479], %swap3A_482 {strides = array<i32>} : memref<120xi32, #tpu.memory_space<vmem>>, vector<16xi32>,
    %get3A_483 = arith.constant 80 : index
    %get3A_484 = tpu.vector_load %arg9[%get3A_483] {strides = array<i32>} : memref<120xi32, #tpu.memory_space<vmem>>, vector<16xi32>,
    %get3A_485 = vector.shape_cast %get3A_484 : vector<16xi32> to vector<16xi32>
    %mul3A_486 = arith.constant 64 : i32
    %mul3A_487 = arith.muli %arg1, %mul3A_486 : i32
    %add3A_488 = vector.broadcast %mul3A_487 : i32 to vector<16xi32>
    %add3A_489 = arith.addi %get3A_485, %add3A_488 : vector<16xi32>
    %swap3A_490 = arith.constant 80 : index
    %swap3A_491 = tpu.vector_load %arg12[%swap3A_490] {strides = array<i32>} : memref<120xi32, #tpu.memory_space<vmem>>, vector<16xi32>,
    %swap3A_492 = vector.shape_cast %swap3A_491 : vector<16xi32> to vector<16xi32>
    %swap3A_493 = vector.shape_cast %add3A_489 : vector<16xi32> to vector<16xi32>
    tpu.vector_store %arg12[%swap3A_490], %swap3A_493 {strides = array<i32>} : memref<120xi32, #tpu.memory_space<vmem>>, vector<16xi32>,
    %get3A_494 = arith.constant 96 : index
    %get3A_495 = tpu.vector_load %arg9[%get3A_494] {strides = array<i32>} : memref<120xi32, #tpu.memory_space<vmem>>, vector<16xi32>,
    %get3A_496 = vector.shape_cast %get3A_495 : vector<16xi32> to vector<16xi32>
    %mul3A_497 = arith.constant 64 : i32
    %mul3A_498 = arith.muli %arg1, %mul3A_497 : i32
    %add3A_499 = vector.broadcast %mul3A_498 : i32 to vector<16xi32>
    %add3A_500 = arith.addi %get3A_496, %add3A_499 : vector<16xi32>
    %swap3A_501 = arith.constant 96 : index
    %swap3A_502 = tpu.vector_load %arg12[%swap3A_501] {strides = array<i32>} : memref<120xi32, #tpu.memory_space<vmem>>, vector<16xi32>,
    %swap3A_503 = vector.shape_cast %swap3A_502 : vector<16xi32> to vector<16xi32>
    %swap3A_504 = vector.shape_cast %add3A_500 : vector<16xi32> to vector<16xi32>
    tpu.vector_store %arg12[%swap3A_501], %swap3A_504 {strides = array<i32>} : memref<120xi32, #tpu.memory_space<vmem>>, vector<16xi32>,
    %get3A_505 = arith.constant 104 : index
    %get3A_506 = tpu.vector_load %arg9[%get3A_505] {strides = array<i32>} : memref<120xi32, #tpu.memory_space<vmem>>, vector<16xi32>,
    %get3A_507 = vector.shape_cast %get3A_506 : vector<16xi32> to vector<16xi32>
    %mul3A_508 = arith.constant 64 : i32
    %mul3A_509 = arith.muli %arg1, %mul3A_508 : i32
    %add3A_510 = vector.broadcast %mul3A_509 : i32 to vector<16xi32>
    %add3A_511 = arith.addi %get3A_507, %add3A_510 : vector<16xi32>
    %swap3A_512 = arith.constant 104 : index
    %swap3A_513 = tpu.vector_load %arg12[%swap3A_512] {strides = array<i32>} : memref<120xi32, #tpu.memory_space<vmem>>, vector<16xi32>,
    %swap3A_514 = vector.shape_cast %swap3A_513 : vector<16xi32> to vector<16xi32>
    %swap3A_515 = vector.shape_cast %add3A_511 : vector<16xi32> to vector<16xi32>
    tpu.vector_store %arg12[%swap3A_512], %swap3A_515 {strides = array<i32>} : memref<120xi32, #tpu.memory_space<vmem>>, vector<16xi32>,
    "tpu.region"() ({
      %run_scoped3A = tpu.sem_alloc : memref<!tpu.dma_semaphore, #tpu.memory_space<semaphore_mem>>
      %dma_start3A_1464 = arith.constant 0 : i32
      %dma_start3A_1465 = arith.constant 0 : i32
      %dma_start3A_1466 = tpu.memref_slice %arg25[%dma_start3A_1464, %dma_start3A_1465] : memref<1024x128xf32, #tpu.memory_space<vmem_shared>> -> memref<1024x128xf32, #tpu.memory_space<vmem_shared>>
      tpu.enqueue_indirect_dma source(%arg16 : memref<120x128xf32, #tpu.memory_space<vmem>>) target(%dma_start3A_1466 : memref<1024x128xf32, #tpu.memory_space<vmem_shared>>) offsets(%arg12 : memref<120xi32, #tpu.memory_space<vmem>>) semaphore(%run_scoped3A : memref<!tpu.dma_semaphore, #tpu.memory_space<semaphore_mem>>) {add = true}
      %dma_wait3A_1467 = arith.constant 0 : i32
      %dma_wait3A_1468 = arith.constant 0 : i32
      %dma_wait3A_1469 = tpu.memref_slice %arg25[%dma_wait3A_1467, %dma_wait3A_1468] : memref<1024x128xf32, #tpu.memory_space<vmem_shared>> -> memref<1024x128xf32, #tpu.memory_space<vmem_shared>>
      tpu.wait_indirect_dma semaphore(%run_scoped3A : memref<!tpu.dma_semaphore, #tpu.memory_space<semaphore_mem>>) src(%arg16 : memref<120x128xf32, #tpu.memory_space<vmem>>) dst(%dma_wait3A_1469 : memref<1024x128xf32, #tpu.memory_space<vmem_shared>>)
      tpu.yield
    }) : () -> ()
    "tpu.region"() ({
      %run_scoped3A = tpu.sem_alloc : memref<!tpu.dma_semaphore, #tpu.memory_space<semaphore_mem>>
      %dma_start3A_1464 = arith.constant 0 : i32
      %dma_start3A_1465 = tpu.memref_slice %arg26[%dma_start3A_1464] : memref<1024xf32, #tpu.memory_space<vmem_shared>> -> memref<1024xf32, #tpu.memory_space<vmem_shared>>
      tpu.enqueue_indirect_dma source(%arg15 : memref<120xf32, #tpu.memory_space<vmem>>) target(%dma_start3A_1465 : memref<1024xf32, #tpu.memory_space<vmem_shared>>) offsets(%arg12 : memref<120xi32, #tpu.memory_space<vmem>>) semaphore(%run_scoped3A : memref<!tpu.dma_semaphore, #tpu.memory_space<semaphore_mem>>) {add = true}
      %dma_wait3A_1466 = arith.constant 0 : i32
      %dma_wait3A_1467 = tpu.memref_slice %arg26[%dma_wait3A_1466] : memref<1024xf32, #tpu.memory_space<vmem_shared>> -> memref<1024xf32, #tpu.memory_space<vmem_shared>>
      tpu.wait_indirect_dma semaphore(%run_scoped3A : memref<!tpu.dma_semaphore, #tpu.memory_space<semaphore_mem>>) src(%arg15 : memref<120xf32, #tpu.memory_space<vmem>>) dst(%dma_wait3A_1467 : memref<1024xf32, #tpu.memory_space<vmem_shared>>)
      tpu.yield
    }) : () -> ()
    %dma_start3A_516 = arith.constant 720 : i32
    %dma_start3A_517 = tpu.memref_slice %arg8[%dma_start3A_516] : memref<1560xi32, #tpu.memory_space<vmem>> -> memref<120xi32, #tpu.memory_space<vmem>>
    %dma_start3A_518 = arith.constant 0 : i32
    %dma_start3A_519 = tpu.memref_slice %arg3[%dma_start3A_518] : memref<100000xi32, #tpu.memory_space<hbm>> -> memref<100000xi32, #tpu.memory_space<hbm>>
    tpu.enqueue_indirect_dma source(%dma_start3A_519 : memref<100000xi32, #tpu.memory_space<hbm>>) target(%arg9 : memref<120xi32, #tpu.memory_space<vmem>>) offsets(%dma_start3A_517 : memref<120xi32, #tpu.memory_space<vmem>>) semaphore(%arg27 : memref<!tpu.dma_semaphore, #tpu.memory_space<semaphore_mem>>)
    %dma_start3A_520 = arith.constant 720 : i32
    %dma_start3A_521 = tpu.memref_slice %arg8[%dma_start3A_520] : memref<1560xi32, #tpu.memory_space<vmem>> -> memref<120xi32, #tpu.memory_space<vmem>>
    %dma_start3A_522 = arith.constant 0 : i32
    %dma_start3A_523 = arith.constant 0 : i32
    %dma_start3A_524 = tpu.memref_slice %arg4[%dma_start3A_522, %dma_start3A_523] : memref<100000x128xf32, #tpu.memory_space<hbm>> -> memref<100000x128xf32, #tpu.memory_space<hbm>>
    tpu.enqueue_indirect_dma source(%dma_start3A_524 : memref<100000x128xf32, #tpu.memory_space<hbm>>) target(%arg16 : memref<120x128xf32, #tpu.memory_space<vmem>>) offsets(%dma_start3A_521 : memref<120xi32, #tpu.memory_space<vmem>>) semaphore(%arg30 : memref<!tpu.dma_semaphore, #tpu.memory_space<semaphore_mem>>)
    %dma_wait3A_525 = arith.constant 480 : i32
    %dma_wait3A_526 = tpu.memref_slice %arg8[%dma_wait3A_525] : memref<1560xi32, #tpu.memory_space<vmem>> -> memref<120xi32, #tpu.memory_space<vmem>>
    %dma_wait3A_527 = arith.constant 0 : i32
    %dma_wait3A_528 = tpu.memref_slice %arg3[%dma_wait3A_527] : memref<100000xi32, #tpu.memory_space<hbm>> -> memref<100000xi32, #tpu.memory_space<hbm>>
    tpu.wait_indirect_dma semaphore(%arg28 : memref<!tpu.dma_semaphore, #tpu.memory_space<semaphore_mem>>) src(%dma_wait3A_528 : memref<100000xi32, #tpu.memory_space<hbm>>) dst(%arg10 : memref<120xi32, #tpu.memory_space<vmem>>)
    %dma_wait3A_529 = arith.constant 480 : i32
    %dma_wait3A_530 = tpu.memref_slice %arg8[%dma_wait3A_529] : memref<1560xi32, #tpu.memory_space<vmem>> -> memref<120xi32, #tpu.memory_space<vmem>>
    %dma_wait3A_531 = arith.constant 0 : i32
    %dma_wait3A_532 = arith.constant 0 : i32
    %dma_wait3A_533 = tpu.memref_slice %arg4[%dma_wait3A_531, %dma_wait3A_532] : memref<100000x128xf32, #tpu.memory_space<hbm>> -> memref<100000x128xf32, #tpu.memory_space<hbm>>
    tpu.wait_indirect_dma semaphore(%arg31 : memref<!tpu.dma_semaphore, #tpu.memory_space<semaphore_mem>>) src(%dma_wait3A_533 : memref<100000x128xf32, #tpu.memory_space<hbm>>) dst(%arg17 : memref<120x128xf32, #tpu.memory_space<vmem>>)
    %get3A_534 = arith.constant 0 : index
    %get3A_535 = tpu.vector_load %arg10[%get3A_534] {strides = array<i32>} : memref<120xi32, #tpu.memory_space<vmem>>, vector<16xi32>,
    %get3A_536 = vector.shape_cast %get3A_535 : vector<16xi32> to vector<16xi32>
    %mul3A_537 = arith.constant 64 : i32
    %mul3A_538 = arith.muli %arg1, %mul3A_537 : i32
    %add3A_539 = vector.broadcast %mul3A_538 : i32 to vector<16xi32>
    %add3A_540 = arith.addi %get3A_536, %add3A_539 : vector<16xi32>
    %swap3A_541 = arith.constant 0 : index
    %swap3A_542 = tpu.vector_load %arg13[%swap3A_541] {strides = array<i32>} : memref<120xi32, #tpu.memory_space<vmem>>, vector<16xi32>,
    %swap3A_543 = vector.shape_cast %swap3A_542 : vector<16xi32> to vector<16xi32>
    %swap3A_544 = vector.shape_cast %add3A_540 : vector<16xi32> to vector<16xi32>
    tpu.vector_store %arg13[%swap3A_541], %swap3A_544 {strides = array<i32>} : memref<120xi32, #tpu.memory_space<vmem>>, vector<16xi32>,
    %get3A_545 = arith.constant 16 : index
    %get3A_546 = tpu.vector_load %arg10[%get3A_545] {strides = array<i32>} : memref<120xi32, #tpu.memory_space<vmem>>, vector<16xi32>,
    %get3A_547 = vector.shape_cast %get3A_546 : vector<16xi32> to vector<16xi32>
    %mul3A_548 = arith.constant 64 : i32
    %mul3A_549 = arith.muli %arg1, %mul3A_548 : i32
    %add3A_550 = vector.broadcast %mul3A_549 : i32 to vector<16xi32>
    %add3A_551 = arith.addi %get3A_547, %add3A_550 : vector<16xi32>
    %swap3A_552 = arith.constant 16 : index
    %swap3A_553 = tpu.vector_load %arg13[%swap3A_552] {strides = array<i32>} : memref<120xi32, #tpu.memory_space<vmem>>, vector<16xi32>,
    %swap3A_554 = vector.shape_cast %swap3A_553 : vector<16xi32> to vector<16xi32>
    %swap3A_555 = vector.shape_cast %add3A_551 : vector<16xi32> to vector<16xi32>
    tpu.vector_store %arg13[%swap3A_552], %swap3A_555 {strides = array<i32>} : memref<120xi32, #tpu.memory_space<vmem>>, vector<16xi32>,
    %get3A_556 = arith.constant 32 : index
    %get3A_557 = tpu.vector_load %arg10[%get3A_556] {strides = array<i32>} : memref<120xi32, #tpu.memory_space<vmem>>, vector<16xi32>,
    %get3A_558 = vector.shape_cast %get3A_557 : vector<16xi32> to vector<16xi32>
    %mul3A_559 = arith.constant 64 : i32
    %mul3A_560 = arith.muli %arg1, %mul3A_559 : i32
    %add3A_561 = vector.broadcast %mul3A_560 : i32 to vector<16xi32>
    %add3A_562 = arith.addi %get3A_558, %add3A_561 : vector<16xi32>
    %swap3A_563 = arith.constant 32 : index
    %swap3A_564 = tpu.vector_load %arg13[%swap3A_563] {strides = array<i32>} : memref<120xi32, #tpu.memory_space<vmem>>, vector<16xi32>,
    %swap3A_565 = vector.shape_cast %swap3A_564 : vector<16xi32> to vector<16xi32>
    %swap3A_566 = vector.shape_cast %add3A_562 : vector<16xi32> to vector<16xi32>
    tpu.vector_store %arg13[%swap3A_563], %swap3A_566 {strides = array<i32>} : memref<120xi32, #tpu.memory_space<vmem>>, vector<16xi32>,
    %get3A_567 = arith.constant 48 : index
    %get3A_568 = tpu.vector_load %arg10[%get3A_567] {strides = array<i32>} : memref<120xi32, #tpu.memory_space<vmem>>, vector<16xi32>,
    %get3A_569 = vector.shape_cast %get3A_568 : vector<16xi32> to vector<16xi32>
    %mul3A_570 = arith.constant 64 : i32
    %mul3A_571 = arith.muli %arg1, %mul3A_570 : i32
    %add3A_572 = vector.broadcast %mul3A_571 : i32 to vector<16xi32>
    %add3A_573 = arith.addi %get3A_569, %add3A_572 : vector<16xi32>
    %swap3A_574 = arith.constant 48 : index
    %swap3A_575 = tpu.vector_load %arg13[%swap3A_574] {strides = array<i32>} : memref<120xi32, #tpu.memory_space<vmem>>, vector<16xi32>,
    %swap3A_576 = vector.shape_cast %swap3A_575 : vector<16xi32> to vector<16xi32>
    %swap3A_577 = vector.shape_cast %add3A_573 : vector<16xi32> to vector<16xi32>
    tpu.vector_store %arg13[%swap3A_574], %swap3A_577 {strides = array<i32>} : memref<120xi32, #tpu.memory_space<vmem>>, vector<16xi32>,
    %get3A_578 = arith.constant 64 : index
    %get3A_579 = tpu.vector_load %arg10[%get3A_578] {strides = array<i32>} : memref<120xi32, #tpu.memory_space<vmem>>, vector<16xi32>,
    %get3A_580 = vector.shape_cast %get3A_579 : vector<16xi32> to vector<16xi32>
    %mul3A_581 = arith.constant 64 : i32
    %mul3A_582 = arith.muli %arg1, %mul3A_581 : i32
    %add3A_583 = vector.broadcast %mul3A_582 : i32 to vector<16xi32>
    %add3A_584 = arith.addi %get3A_580, %add3A_583 : vector<16xi32>
    %swap3A_585 = arith.constant 64 : index
    %swap3A_586 = tpu.vector_load %arg13[%swap3A_585] {strides = array<i32>} : memref<120xi32, #tpu.memory_space<vmem>>, vector<16xi32>,
    %swap3A_587 = vector.shape_cast %swap3A_586 : vector<16xi32> to vector<16xi32>
    %swap3A_588 = vector.shape_cast %add3A_584 : vector<16xi32> to vector<16xi32>
    tpu.vector_store %arg13[%swap3A_585], %swap3A_588 {strides = array<i32>} : memref<120xi32, #tpu.memory_space<vmem>>, vector<16xi32>,
    %get3A_589 = arith.constant 80 : index
    %get3A_590 = tpu.vector_load %arg10[%get3A_589] {strides = array<i32>} : memref<120xi32, #tpu.memory_space<vmem>>, vector<16xi32>,
    %get3A_591 = vector.shape_cast %get3A_590 : vector<16xi32> to vector<16xi32>
    %mul3A_592 = arith.constant 64 : i32
    %mul3A_593 = arith.muli %arg1, %mul3A_592 : i32
    %add3A_594 = vector.broadcast %mul3A_593 : i32 to vector<16xi32>
    %add3A_595 = arith.addi %get3A_591, %add3A_594 : vector<16xi32>
    %swap3A_596 = arith.constant 80 : index
    %swap3A_597 = tpu.vector_load %arg13[%swap3A_596] {strides = array<i32>} : memref<120xi32, #tpu.memory_space<vmem>>, vector<16xi32>,
    %swap3A_598 = vector.shape_cast %swap3A_597 : vector<16xi32> to vector<16xi32>
    %swap3A_599 = vector.shape_cast %add3A_595 : vector<16xi32> to vector<16xi32>
    tpu.vector_store %arg13[%swap3A_596], %swap3A_599 {strides = array<i32>} : memref<120xi32, #tpu.memory_space<vmem>>, vector<16xi32>,
    %get3A_600 = arith.constant 96 : index
    %get3A_601 = tpu.vector_load %arg10[%get3A_600] {strides = array<i32>} : memref<120xi32, #tpu.memory_space<vmem>>, vector<16xi32>,
    %get3A_602 = vector.shape_cast %get3A_601 : vector<16xi32> to vector<16xi32>
    %mul3A_603 = arith.constant 64 : i32
    %mul3A_604 = arith.muli %arg1, %mul3A_603 : i32
    %add3A_605 = vector.broadcast %mul3A_604 : i32 to vector<16xi32>
    %add3A_606 = arith.addi %get3A_602, %add3A_605 : vector<16xi32>
    %swap3A_607 = arith.constant 96 : index
    %swap3A_608 = tpu.vector_load %arg13[%swap3A_607] {strides = array<i32>} : memref<120xi32, #tpu.memory_space<vmem>>, vector<16xi32>,
    %swap3A_609 = vector.shape_cast %swap3A_608 : vector<16xi32> to vector<16xi32>
    %swap3A_610 = vector.shape_cast %add3A_606 : vector<16xi32> to vector<16xi32>
    tpu.vector_store %arg13[%swap3A_607], %swap3A_610 {strides = array<i32>} : memref<120xi32, #tpu.memory_space<vmem>>, vector<16xi32>,
    %get3A_611 = arith.constant 104 : index
    %get3A_612 = tpu.vector_load %arg10[%get3A_611] {strides = array<i32>} : memref<120xi32, #tpu.memory_space<vmem>>, vector<16xi32>,
    %get3A_613 = vector.shape_cast %get3A_612 : vector<16xi32> to vector<16xi32>
    %mul3A_614 = arith.constant 64 : i32
    %mul3A_615 = arith.muli %arg1, %mul3A_614 : i32
    %add3A_616 = vector.broadcast %mul3A_615 : i32 to vector<16xi32>
    %add3A_617 = arith.addi %get3A_613, %add3A_616 : vector<16xi32>
    %swap3A_618 = arith.constant 104 : index
    %swap3A_619 = tpu.vector_load %arg13[%swap3A_618] {strides = array<i32>} : memref<120xi32, #tpu.memory_space<vmem>>, vector<16xi32>,
    %swap3A_620 = vector.shape_cast %swap3A_619 : vector<16xi32> to vector<16xi32>
    %swap3A_621 = vector.shape_cast %add3A_617 : vector<16xi32> to vector<16xi32>
    tpu.vector_store %arg13[%swap3A_618], %swap3A_621 {strides = array<i32>} : memref<120xi32, #tpu.memory_space<vmem>>, vector<16xi32>,
    "tpu.region"() ({
      %run_scoped3A = tpu.sem_alloc : memref<!tpu.dma_semaphore, #tpu.memory_space<semaphore_mem>>
      %dma_start3A_1464 = arith.constant 0 : i32
      %dma_start3A_1465 = arith.constant 0 : i32
      %dma_start3A_1466 = tpu.memref_slice %arg25[%dma_start3A_1464, %dma_start3A_1465] : memref<1024x128xf32, #tpu.memory_space<vmem_shared>> -> memref<1024x128xf32, #tpu.memory_space<vmem_shared>>
      tpu.enqueue_indirect_dma source(%arg17 : memref<120x128xf32, #tpu.memory_space<vmem>>) target(%dma_start3A_1466 : memref<1024x128xf32, #tpu.memory_space<vmem_shared>>) offsets(%arg13 : memref<120xi32, #tpu.memory_space<vmem>>) semaphore(%run_scoped3A : memref<!tpu.dma_semaphore, #tpu.memory_space<semaphore_mem>>) {add = true}
      %dma_wait3A_1467 = arith.constant 0 : i32
      %dma_wait3A_1468 = arith.constant 0 : i32
      %dma_wait3A_1469 = tpu.memref_slice %arg25[%dma_wait3A_1467, %dma_wait3A_1468] : memref<1024x128xf32, #tpu.memory_space<vmem_shared>> -> memref<1024x128xf32, #tpu.memory_space<vmem_shared>>
      tpu.wait_indirect_dma semaphore(%run_scoped3A : memref<!tpu.dma_semaphore, #tpu.memory_space<semaphore_mem>>) src(%arg17 : memref<120x128xf32, #tpu.memory_space<vmem>>) dst(%dma_wait3A_1469 : memref<1024x128xf32, #tpu.memory_space<vmem_shared>>)
      tpu.yield
    }) : () -> ()
    "tpu.region"() ({
      %run_scoped3A = tpu.sem_alloc : memref<!tpu.dma_semaphore, #tpu.memory_space<semaphore_mem>>
      %dma_start3A_1464 = arith.constant 0 : i32
      %dma_start3A_1465 = tpu.memref_slice %arg26[%dma_start3A_1464] : memref<1024xf32, #tpu.memory_space<vmem_shared>> -> memref<1024xf32, #tpu.memory_space<vmem_shared>>
      tpu.enqueue_indirect_dma source(%arg15 : memref<120xf32, #tpu.memory_space<vmem>>) target(%dma_start3A_1465 : memref<1024xf32, #tpu.memory_space<vmem_shared>>) offsets(%arg13 : memref<120xi32, #tpu.memory_space<vmem>>) semaphore(%run_scoped3A : memref<!tpu.dma_semaphore, #tpu.memory_space<semaphore_mem>>) {add = true}
      %dma_wait3A_1466 = arith.constant 0 : i32
      %dma_wait3A_1467 = tpu.memref_slice %arg26[%dma_wait3A_1466] : memref<1024xf32, #tpu.memory_space<vmem_shared>> -> memref<1024xf32, #tpu.memory_space<vmem_shared>>
      tpu.wait_indirect_dma semaphore(%run_scoped3A : memref<!tpu.dma_semaphore, #tpu.memory_space<semaphore_mem>>) src(%arg15 : memref<120xf32, #tpu.memory_space<vmem>>) dst(%dma_wait3A_1467 : memref<1024xf32, #tpu.memory_space<vmem_shared>>)
      tpu.yield
    }) : () -> ()
    %dma_start3A_622 = arith.constant 840 : i32
    %dma_start3A_623 = tpu.memref_slice %arg8[%dma_start3A_622] : memref<1560xi32, #tpu.memory_space<vmem>> -> memref<120xi32, #tpu.memory_space<vmem>>
    %dma_start3A_624 = arith.constant 0 : i32
    %dma_start3A_625 = tpu.memref_slice %arg3[%dma_start3A_624] : memref<100000xi32, #tpu.memory_space<hbm>> -> memref<100000xi32, #tpu.memory_space<hbm>>
    tpu.enqueue_indirect_dma source(%dma_start3A_625 : memref<100000xi32, #tpu.memory_space<hbm>>) target(%arg10 : memref<120xi32, #tpu.memory_space<vmem>>) offsets(%dma_start3A_623 : memref<120xi32, #tpu.memory_space<vmem>>) semaphore(%arg28 : memref<!tpu.dma_semaphore, #tpu.memory_space<semaphore_mem>>)
    %dma_start3A_626 = arith.constant 840 : i32
    %dma_start3A_627 = tpu.memref_slice %arg8[%dma_start3A_626] : memref<1560xi32, #tpu.memory_space<vmem>> -> memref<120xi32, #tpu.memory_space<vmem>>
    %dma_start3A_628 = arith.constant 0 : i32
    %dma_start3A_629 = arith.constant 0 : i32
    %dma_start3A_630 = tpu.memref_slice %arg4[%dma_start3A_628, %dma_start3A_629] : memref<100000x128xf32, #tpu.memory_space<hbm>> -> memref<100000x128xf32, #tpu.memory_space<hbm>>
    tpu.enqueue_indirect_dma source(%dma_start3A_630 : memref<100000x128xf32, #tpu.memory_space<hbm>>) target(%arg17 : memref<120x128xf32, #tpu.memory_space<vmem>>) offsets(%dma_start3A_627 : memref<120xi32, #tpu.memory_space<vmem>>) semaphore(%arg31 : memref<!tpu.dma_semaphore, #tpu.memory_space<semaphore_mem>>)
    %dma_wait3A_631 = arith.constant 600 : i32
    %dma_wait3A_632 = tpu.memref_slice %arg8[%dma_wait3A_631] : memref<1560xi32, #tpu.memory_space<vmem>> -> memref<120xi32, #tpu.memory_space<vmem>>
    %dma_wait3A_633 = arith.constant 0 : i32
    %dma_wait3A_634 = tpu.memref_slice %arg3[%dma_wait3A_633] : memref<100000xi32, #tpu.memory_space<hbm>> -> memref<100000xi32, #tpu.memory_space<hbm>>
    tpu.wait_indirect_dma semaphore(%arg29 : memref<!tpu.dma_semaphore, #tpu.memory_space<semaphore_mem>>) src(%dma_wait3A_634 : memref<100000xi32, #tpu.memory_space<hbm>>) dst(%arg11 : memref<120xi32, #tpu.memory_space<vmem>>)
    %dma_wait3A_635 = arith.constant 600 : i32
    %dma_wait3A_636 = tpu.memref_slice %arg8[%dma_wait3A_635] : memref<1560xi32, #tpu.memory_space<vmem>> -> memref<120xi32, #tpu.memory_space<vmem>>
    %dma_wait3A_637 = arith.constant 0 : i32
    %dma_wait3A_638 = arith.constant 0 : i32
    %dma_wait3A_639 = tpu.memref_slice %arg4[%dma_wait3A_637, %dma_wait3A_638] : memref<100000x128xf32, #tpu.memory_space<hbm>> -> memref<100000x128xf32, #tpu.memory_space<hbm>>
    tpu.wait_indirect_dma semaphore(%arg32 : memref<!tpu.dma_semaphore, #tpu.memory_space<semaphore_mem>>) src(%dma_wait3A_639 : memref<100000x128xf32, #tpu.memory_space<hbm>>) dst(%arg18 : memref<120x128xf32, #tpu.memory_space<vmem>>)
    %get3A_640 = arith.constant 0 : index
    %get3A_641 = tpu.vector_load %arg11[%get3A_640] {strides = array<i32>} : memref<120xi32, #tpu.memory_space<vmem>>, vector<16xi32>,
    %get3A_642 = vector.shape_cast %get3A_641 : vector<16xi32> to vector<16xi32>
    %mul3A_643 = arith.constant 64 : i32
    %mul3A_644 = arith.muli %arg1, %mul3A_643 : i32
    %add3A_645 = vector.broadcast %mul3A_644 : i32 to vector<16xi32>
    %add3A_646 = arith.addi %get3A_642, %add3A_645 : vector<16xi32>
    %swap3A_647 = arith.constant 0 : index
    %swap3A_648 = tpu.vector_load %arg14[%swap3A_647] {strides = array<i32>} : memref<120xi32, #tpu.memory_space<vmem>>, vector<16xi32>,
    %swap3A_649 = vector.shape_cast %swap3A_648 : vector<16xi32> to vector<16xi32>
    %swap3A_650 = vector.shape_cast %add3A_646 : vector<16xi32> to vector<16xi32>
    tpu.vector_store %arg14[%swap3A_647], %swap3A_650 {strides = array<i32>} : memref<120xi32, #tpu.memory_space<vmem>>, vector<16xi32>,
    %get3A_651 = arith.constant 16 : index
    %get3A_652 = tpu.vector_load %arg11[%get3A_651] {strides = array<i32>} : memref<120xi32, #tpu.memory_space<vmem>>, vector<16xi32>,
    %get3A_653 = vector.shape_cast %get3A_652 : vector<16xi32> to vector<16xi32>
    %mul3A_654 = arith.constant 64 : i32
    %mul3A_655 = arith.muli %arg1, %mul3A_654 : i32
    %add3A_656 = vector.broadcast %mul3A_655 : i32 to vector<16xi32>
    %add3A_657 = arith.addi %get3A_653, %add3A_656 : vector<16xi32>
    %swap3A_658 = arith.constant 16 : index
    %swap3A_659 = tpu.vector_load %arg14[%swap3A_658] {strides = array<i32>} : memref<120xi32, #tpu.memory_space<vmem>>, vector<16xi32>,
    %swap3A_660 = vector.shape_cast %swap3A_659 : vector<16xi32> to vector<16xi32>
    %swap3A_661 = vector.shape_cast %add3A_657 : vector<16xi32> to vector<16xi32>
    tpu.vector_store %arg14[%swap3A_658], %swap3A_661 {strides = array<i32>} : memref<120xi32, #tpu.memory_space<vmem>>, vector<16xi32>,
    %get3A_662 = arith.constant 32 : index
    %get3A_663 = tpu.vector_load %arg11[%get3A_662] {strides = array<i32>} : memref<120xi32, #tpu.memory_space<vmem>>, vector<16xi32>,
    %get3A_664 = vector.shape_cast %get3A_663 : vector<16xi32> to vector<16xi32>
    %mul3A_665 = arith.constant 64 : i32
    %mul3A_666 = arith.muli %arg1, %mul3A_665 : i32
    %add3A_667 = vector.broadcast %mul3A_666 : i32 to vector<16xi32>
    %add3A_668 = arith.addi %get3A_664, %add3A_667 : vector<16xi32>
    %swap3A_669 = arith.constant 32 : index
    %swap3A_670 = tpu.vector_load %arg14[%swap3A_669] {strides = array<i32>} : memref<120xi32, #tpu.memory_space<vmem>>, vector<16xi32>,
    %swap3A_671 = vector.shape_cast %swap3A_670 : vector<16xi32> to vector<16xi32>
    %swap3A_672 = vector.shape_cast %add3A_668 : vector<16xi32> to vector<16xi32>
    tpu.vector_store %arg14[%swap3A_669], %swap3A_672 {strides = array<i32>} : memref<120xi32, #tpu.memory_space<vmem>>, vector<16xi32>,
    %get3A_673 = arith.constant 48 : index
    %get3A_674 = tpu.vector_load %arg11[%get3A_673] {strides = array<i32>} : memref<120xi32, #tpu.memory_space<vmem>>, vector<16xi32>,
    %get3A_675 = vector.shape_cast %get3A_674 : vector<16xi32> to vector<16xi32>
    %mul3A_676 = arith.constant 64 : i32
    %mul3A_677 = arith.muli %arg1, %mul3A_676 : i32
    %add3A_678 = vector.broadcast %mul3A_677 : i32 to vector<16xi32>
    %add3A_679 = arith.addi %get3A_675, %add3A_678 : vector<16xi32>
    %swap3A_680 = arith.constant 48 : index
    %swap3A_681 = tpu.vector_load %arg14[%swap3A_680] {strides = array<i32>} : memref<120xi32, #tpu.memory_space<vmem>>, vector<16xi32>,
    %swap3A_682 = vector.shape_cast %swap3A_681 : vector<16xi32> to vector<16xi32>
    %swap3A_683 = vector.shape_cast %add3A_679 : vector<16xi32> to vector<16xi32>
    tpu.vector_store %arg14[%swap3A_680], %swap3A_683 {strides = array<i32>} : memref<120xi32, #tpu.memory_space<vmem>>, vector<16xi32>,
    %get3A_684 = arith.constant 64 : index
    %get3A_685 = tpu.vector_load %arg11[%get3A_684] {strides = array<i32>} : memref<120xi32, #tpu.memory_space<vmem>>, vector<16xi32>,
    %get3A_686 = vector.shape_cast %get3A_685 : vector<16xi32> to vector<16xi32>
    %mul3A_687 = arith.constant 64 : i32
    %mul3A_688 = arith.muli %arg1, %mul3A_687 : i32
    %add3A_689 = vector.broadcast %mul3A_688 : i32 to vector<16xi32>
    %add3A_690 = arith.addi %get3A_686, %add3A_689 : vector<16xi32>
    %swap3A_691 = arith.constant 64 : index
    %swap3A_692 = tpu.vector_load %arg14[%swap3A_691] {strides = array<i32>} : memref<120xi32, #tpu.memory_space<vmem>>, vector<16xi32>,
    %swap3A_693 = vector.shape_cast %swap3A_692 : vector<16xi32> to vector<16xi32>
    %swap3A_694 = vector.shape_cast %add3A_690 : vector<16xi32> to vector<16xi32>
    tpu.vector_store %arg14[%swap3A_691], %swap3A_694 {strides = array<i32>} : memref<120xi32, #tpu.memory_space<vmem>>, vector<16xi32>,
    %get3A_695 = arith.constant 80 : index
    %get3A_696 = tpu.vector_load %arg11[%get3A_695] {strides = array<i32>} : memref<120xi32, #tpu.memory_space<vmem>>, vector<16xi32>,
    %get3A_697 = vector.shape_cast %get3A_696 : vector<16xi32> to vector<16xi32>
    %mul3A_698 = arith.constant 64 : i32
    %mul3A_699 = arith.muli %arg1, %mul3A_698 : i32
    %add3A_700 = vector.broadcast %mul3A_699 : i32 to vector<16xi32>
    %add3A_701 = arith.addi %get3A_697, %add3A_700 : vector<16xi32>
    %swap3A_702 = arith.constant 80 : index
    %swap3A_703 = tpu.vector_load %arg14[%swap3A_702] {strides = array<i32>} : memref<120xi32, #tpu.memory_space<vmem>>, vector<16xi32>,
    %swap3A_704 = vector.shape_cast %swap3A_703 : vector<16xi32> to vector<16xi32>
    %swap3A_705 = vector.shape_cast %add3A_701 : vector<16xi32> to vector<16xi32>
    tpu.vector_store %arg14[%swap3A_702], %swap3A_705 {strides = array<i32>} : memref<120xi32, #tpu.memory_space<vmem>>, vector<16xi32>,
    %get3A_706 = arith.constant 96 : index
    %get3A_707 = tpu.vector_load %arg11[%get3A_706] {strides = array<i32>} : memref<120xi32, #tpu.memory_space<vmem>>, vector<16xi32>,
    %get3A_708 = vector.shape_cast %get3A_707 : vector<16xi32> to vector<16xi32>
    %mul3A_709 = arith.constant 64 : i32
    %mul3A_710 = arith.muli %arg1, %mul3A_709 : i32
    %add3A_711 = vector.broadcast %mul3A_710 : i32 to vector<16xi32>
    %add3A_712 = arith.addi %get3A_708, %add3A_711 : vector<16xi32>
    %swap3A_713 = arith.constant 96 : index
    %swap3A_714 = tpu.vector_load %arg14[%swap3A_713] {strides = array<i32>} : memref<120xi32, #tpu.memory_space<vmem>>, vector<16xi32>,
    %swap3A_715 = vector.shape_cast %swap3A_714 : vector<16xi32> to vector<16xi32>
    %swap3A_716 = vector.shape_cast %add3A_712 : vector<16xi32> to vector<16xi32>
    tpu.vector_store %arg14[%swap3A_713], %swap3A_716 {strides = array<i32>} : memref<120xi32, #tpu.memory_space<vmem>>, vector<16xi32>,
    %get3A_717 = arith.constant 104 : index
    %get3A_718 = tpu.vector_load %arg11[%get3A_717] {strides = array<i32>} : memref<120xi32, #tpu.memory_space<vmem>>, vector<16xi32>,
    %get3A_719 = vector.shape_cast %get3A_718 : vector<16xi32> to vector<16xi32>
    %mul3A_720 = arith.constant 64 : i32
    %mul3A_721 = arith.muli %arg1, %mul3A_720 : i32
    %add3A_722 = vector.broadcast %mul3A_721 : i32 to vector<16xi32>
    %add3A_723 = arith.addi %get3A_719, %add3A_722 : vector<16xi32>
    %swap3A_724 = arith.constant 104 : index
    %swap3A_725 = tpu.vector_load %arg14[%swap3A_724] {strides = array<i32>} : memref<120xi32, #tpu.memory_space<vmem>>, vector<16xi32>,
    %swap3A_726 = vector.shape_cast %swap3A_725 : vector<16xi32> to vector<16xi32>
    %swap3A_727 = vector.shape_cast %add3A_723 : vector<16xi32> to vector<16xi32>
    tpu.vector_store %arg14[%swap3A_724], %swap3A_727 {strides = array<i32>} : memref<120xi32, #tpu.memory_space<vmem>>, vector<16xi32>,
    "tpu.region"() ({
      %run_scoped3A = tpu.sem_alloc : memref<!tpu.dma_semaphore, #tpu.memory_space<semaphore_mem>>
      %dma_start3A_1464 = arith.constant 0 : i32
      %dma_start3A_1465 = arith.constant 0 : i32
      %dma_start3A_1466 = tpu.memref_slice %arg25[%dma_start3A_1464, %dma_start3A_1465] : memref<1024x128xf32, #tpu.memory_space<vmem_shared>> -> memref<1024x128xf32, #tpu.memory_space<vmem_shared>>
      tpu.enqueue_indirect_dma source(%arg18 : memref<120x128xf32, #tpu.memory_space<vmem>>) target(%dma_start3A_1466 : memref<1024x128xf32, #tpu.memory_space<vmem_shared>>) offsets(%arg14 : memref<120xi32, #tpu.memory_space<vmem>>) semaphore(%run_scoped3A : memref<!tpu.dma_semaphore, #tpu.memory_space<semaphore_mem>>) {add = true}
      %dma_wait3A_1467 = arith.constant 0 : i32
      %dma_wait3A_1468 = arith.constant 0 : i32
      %dma_wait3A_1469 = tpu.memref_slice %arg25[%dma_wait3A_1467, %dma_wait3A_1468] : memref<1024x128xf32, #tpu.memory_space<vmem_shared>> -> memref<1024x128xf32, #tpu.memory_space<vmem_shared>>
      tpu.wait_indirect_dma semaphore(%run_scoped3A : memref<!tpu.dma_semaphore, #tpu.memory_space<semaphore_mem>>) src(%arg18 : memref<120x128xf32, #tpu.memory_space<vmem>>) dst(%dma_wait3A_1469 : memref<1024x128xf32, #tpu.memory_space<vmem_shared>>)
      tpu.yield
    }) : () -> ()
    "tpu.region"() ({
      %run_scoped3A = tpu.sem_alloc : memref<!tpu.dma_semaphore, #tpu.memory_space<semaphore_mem>>
      %dma_start3A_1464 = arith.constant 0 : i32
      %dma_start3A_1465 = tpu.memref_slice %arg26[%dma_start3A_1464] : memref<1024xf32, #tpu.memory_space<vmem_shared>> -> memref<1024xf32, #tpu.memory_space<vmem_shared>>
      tpu.enqueue_indirect_dma source(%arg15 : memref<120xf32, #tpu.memory_space<vmem>>) target(%dma_start3A_1465 : memref<1024xf32, #tpu.memory_space<vmem_shared>>) offsets(%arg14 : memref<120xi32, #tpu.memory_space<vmem>>) semaphore(%run_scoped3A : memref<!tpu.dma_semaphore, #tpu.memory_space<semaphore_mem>>) {add = true}
      %dma_wait3A_1466 = arith.constant 0 : i32
      %dma_wait3A_1467 = tpu.memref_slice %arg26[%dma_wait3A_1466] : memref<1024xf32, #tpu.memory_space<vmem_shared>> -> memref<1024xf32, #tpu.memory_space<vmem_shared>>
      tpu.wait_indirect_dma semaphore(%run_scoped3A : memref<!tpu.dma_semaphore, #tpu.memory_space<semaphore_mem>>) src(%arg15 : memref<120xf32, #tpu.memory_space<vmem>>) dst(%dma_wait3A_1467 : memref<1024xf32, #tpu.memory_space<vmem_shared>>)
      tpu.yield
    }) : () -> ()
    %dma_start3A_728 = arith.constant 960 : i32
    %dma_start3A_729 = tpu.memref_slice %arg8[%dma_start3A_728] : memref<1560xi32, #tpu.memory_space<vmem>> -> memref<120xi32, #tpu.memory_space<vmem>>
    %dma_start3A_730 = arith.constant 0 : i32
    %dma_start3A_731 = tpu.memref_slice %arg3[%dma_start3A_730] : memref<100000xi32, #tpu.memory_space<hbm>> -> memref<100000xi32, #tpu.memory_space<hbm>>
    tpu.enqueue_indirect_dma source(%dma_start3A_731 : memref<100000xi32, #tpu.memory_space<hbm>>) target(%arg11 : memref<120xi32, #tpu.memory_space<vmem>>) offsets(%dma_start3A_729 : memref<120xi32, #tpu.memory_space<vmem>>) semaphore(%arg29 : memref<!tpu.dma_semaphore, #tpu.memory_space<semaphore_mem>>)
    %dma_start3A_732 = arith.constant 960 : i32
    %dma_start3A_733 = tpu.memref_slice %arg8[%dma_start3A_732] : memref<1560xi32, #tpu.memory_space<vmem>> -> memref<120xi32, #tpu.memory_space<vmem>>
    %dma_start3A_734 = arith.constant 0 : i32
    %dma_start3A_735 = arith.constant 0 : i32
    %dma_start3A_736 = tpu.memref_slice %arg4[%dma_start3A_734, %dma_start3A_735] : memref<100000x128xf32, #tpu.memory_space<hbm>> -> memref<100000x128xf32, #tpu.memory_space<hbm>>
    tpu.enqueue_indirect_dma source(%dma_start3A_736 : memref<100000x128xf32, #tpu.memory_space<hbm>>) target(%arg18 : memref<120x128xf32, #tpu.memory_space<vmem>>) offsets(%dma_start3A_733 : memref<120xi32, #tpu.memory_space<vmem>>) semaphore(%arg32 : memref<!tpu.dma_semaphore, #tpu.memory_space<semaphore_mem>>)
    %dma_wait3A_737 = arith.constant 720 : i32
    %dma_wait3A_738 = tpu.memref_slice %arg8[%dma_wait3A_737] : memref<1560xi32, #tpu.memory_space<vmem>> -> memref<120xi32, #tpu.memory_space<vmem>>
    %dma_wait3A_739 = arith.constant 0 : i32
    %dma_wait3A_740 = tpu.memref_slice %arg3[%dma_wait3A_739] : memref<100000xi32, #tpu.memory_space<hbm>> -> memref<100000xi32, #tpu.memory_space<hbm>>
    tpu.wait_indirect_dma semaphore(%arg27 : memref<!tpu.dma_semaphore, #tpu.memory_space<semaphore_mem>>) src(%dma_wait3A_740 : memref<100000xi32, #tpu.memory_space<hbm>>) dst(%arg9 : memref<120xi32, #tpu.memory_space<vmem>>)
    %dma_wait3A_741 = arith.constant 720 : i32
    %dma_wait3A_742 = tpu.memref_slice %arg8[%dma_wait3A_741] : memref<1560xi32, #tpu.memory_space<vmem>> -> memref<120xi32, #tpu.memory_space<vmem>>
    %dma_wait3A_743 = arith.constant 0 : i32
    %dma_wait3A_744 = arith.constant 0 : i32
    %dma_wait3A_745 = tpu.memref_slice %arg4[%dma_wait3A_743, %dma_wait3A_744] : memref<100000x128xf32, #tpu.memory_space<hbm>> -> memref<100000x128xf32, #tpu.memory_space<hbm>>
    tpu.wait_indirect_dma semaphore(%arg30 : memref<!tpu.dma_semaphore, #tpu.memory_space<semaphore_mem>>) src(%dma_wait3A_745 : memref<100000x128xf32, #tpu.memory_space<hbm>>) dst(%arg16 : memref<120x128xf32, #tpu.memory_space<vmem>>)
    %get3A_746 = arith.constant 0 : index
    %get3A_747 = tpu.vector_load %arg9[%get3A_746] {strides = array<i32>} : memref<120xi32, #tpu.memory_space<vmem>>, vector<16xi32>,
    %get3A_748 = vector.shape_cast %get3A_747 : vector<16xi32> to vector<16xi32>
    %mul3A_749 = arith.constant 64 : i32
    %mul3A_750 = arith.muli %arg1, %mul3A_749 : i32
    %add3A_751 = vector.broadcast %mul3A_750 : i32 to vector<16xi32>
    %add3A_752 = arith.addi %get3A_748, %add3A_751 : vector<16xi32>
    %swap3A_753 = arith.constant 0 : index
    %swap3A_754 = tpu.vector_load %arg12[%swap3A_753] {strides = array<i32>} : memref<120xi32, #tpu.memory_space<vmem>>, vector<16xi32>,
    %swap3A_755 = vector.shape_cast %swap3A_754 : vector<16xi32> to vector<16xi32>
    %swap3A_756 = vector.shape_cast %add3A_752 : vector<16xi32> to vector<16xi32>
    tpu.vector_store %arg12[%swap3A_753], %swap3A_756 {strides = array<i32>} : memref<120xi32, #tpu.memory_space<vmem>>, vector<16xi32>,
    %get3A_757 = arith.constant 16 : index
    %get3A_758 = tpu.vector_load %arg9[%get3A_757] {strides = array<i32>} : memref<120xi32, #tpu.memory_space<vmem>>, vector<16xi32>,
    %get3A_759 = vector.shape_cast %get3A_758 : vector<16xi32> to vector<16xi32>
    %mul3A_760 = arith.constant 64 : i32
    %mul3A_761 = arith.muli %arg1, %mul3A_760 : i32
    %add3A_762 = vector.broadcast %mul3A_761 : i32 to vector<16xi32>
    %add3A_763 = arith.addi %get3A_759, %add3A_762 : vector<16xi32>
    %swap3A_764 = arith.constant 16 : index
    %swap3A_765 = tpu.vector_load %arg12[%swap3A_764] {strides = array<i32>} : memref<120xi32, #tpu.memory_space<vmem>>, vector<16xi32>,
    %swap3A_766 = vector.shape_cast %swap3A_765 : vector<16xi32> to vector<16xi32>
    %swap3A_767 = vector.shape_cast %add3A_763 : vector<16xi32> to vector<16xi32>
    tpu.vector_store %arg12[%swap3A_764], %swap3A_767 {strides = array<i32>} : memref<120xi32, #tpu.memory_space<vmem>>, vector<16xi32>,
    %get3A_768 = arith.constant 32 : index
    %get3A_769 = tpu.vector_load %arg9[%get3A_768] {strides = array<i32>} : memref<120xi32, #tpu.memory_space<vmem>>, vector<16xi32>,
    %get3A_770 = vector.shape_cast %get3A_769 : vector<16xi32> to vector<16xi32>
    %mul3A_771 = arith.constant 64 : i32
    %mul3A_772 = arith.muli %arg1, %mul3A_771 : i32
    %add3A_773 = vector.broadcast %mul3A_772 : i32 to vector<16xi32>
    %add3A_774 = arith.addi %get3A_770, %add3A_773 : vector<16xi32>
    %swap3A_775 = arith.constant 32 : index
    %swap3A_776 = tpu.vector_load %arg12[%swap3A_775] {strides = array<i32>} : memref<120xi32, #tpu.memory_space<vmem>>, vector<16xi32>,
    %swap3A_777 = vector.shape_cast %swap3A_776 : vector<16xi32> to vector<16xi32>
    %swap3A_778 = vector.shape_cast %add3A_774 : vector<16xi32> to vector<16xi32>
    tpu.vector_store %arg12[%swap3A_775], %swap3A_778 {strides = array<i32>} : memref<120xi32, #tpu.memory_space<vmem>>, vector<16xi32>,
    %get3A_779 = arith.constant 48 : index
    %get3A_780 = tpu.vector_load %arg9[%get3A_779] {strides = array<i32>} : memref<120xi32, #tpu.memory_space<vmem>>, vector<16xi32>,
    %get3A_781 = vector.shape_cast %get3A_780 : vector<16xi32> to vector<16xi32>
    %mul3A_782 = arith.constant 64 : i32
    %mul3A_783 = arith.muli %arg1, %mul3A_782 : i32
    %add3A_784 = vector.broadcast %mul3A_783 : i32 to vector<16xi32>
    %add3A_785 = arith.addi %get3A_781, %add3A_784 : vector<16xi32>
    %swap3A_786 = arith.constant 48 : index
    %swap3A_787 = tpu.vector_load %arg12[%swap3A_786] {strides = array<i32>} : memref<120xi32, #tpu.memory_space<vmem>>, vector<16xi32>,
    %swap3A_788 = vector.shape_cast %swap3A_787 : vector<16xi32> to vector<16xi32>
    %swap3A_789 = vector.shape_cast %add3A_785 : vector<16xi32> to vector<16xi32>
    tpu.vector_store %arg12[%swap3A_786], %swap3A_789 {strides = array<i32>} : memref<120xi32, #tpu.memory_space<vmem>>, vector<16xi32>,
    %get3A_790 = arith.constant 64 : index
    %get3A_791 = tpu.vector_load %arg9[%get3A_790] {strides = array<i32>} : memref<120xi32, #tpu.memory_space<vmem>>, vector<16xi32>,
    %get3A_792 = vector.shape_cast %get3A_791 : vector<16xi32> to vector<16xi32>
    %mul3A_793 = arith.constant 64 : i32
    %mul3A_794 = arith.muli %arg1, %mul3A_793 : i32
    %add3A_795 = vector.broadcast %mul3A_794 : i32 to vector<16xi32>
    %add3A_796 = arith.addi %get3A_792, %add3A_795 : vector<16xi32>
    %swap3A_797 = arith.constant 64 : index
    %swap3A_798 = tpu.vector_load %arg12[%swap3A_797] {strides = array<i32>} : memref<120xi32, #tpu.memory_space<vmem>>, vector<16xi32>,
    %swap3A_799 = vector.shape_cast %swap3A_798 : vector<16xi32> to vector<16xi32>
    %swap3A_800 = vector.shape_cast %add3A_796 : vector<16xi32> to vector<16xi32>
    tpu.vector_store %arg12[%swap3A_797], %swap3A_800 {strides = array<i32>} : memref<120xi32, #tpu.memory_space<vmem>>, vector<16xi32>,
    %get3A_801 = arith.constant 80 : index
    %get3A_802 = tpu.vector_load %arg9[%get3A_801] {strides = array<i32>} : memref<120xi32, #tpu.memory_space<vmem>>, vector<16xi32>,
    %get3A_803 = vector.shape_cast %get3A_802 : vector<16xi32> to vector<16xi32>
    %mul3A_804 = arith.constant 64 : i32
    %mul3A_805 = arith.muli %arg1, %mul3A_804 : i32
    %add3A_806 = vector.broadcast %mul3A_805 : i32 to vector<16xi32>
    %add3A_807 = arith.addi %get3A_803, %add3A_806 : vector<16xi32>
    %swap3A_808 = arith.constant 80 : index
    %swap3A_809 = tpu.vector_load %arg12[%swap3A_808] {strides = array<i32>} : memref<120xi32, #tpu.memory_space<vmem>>, vector<16xi32>,
    %swap3A_810 = vector.shape_cast %swap3A_809 : vector<16xi32> to vector<16xi32>
    %swap3A_811 = vector.shape_cast %add3A_807 : vector<16xi32> to vector<16xi32>
    tpu.vector_store %arg12[%swap3A_808], %swap3A_811 {strides = array<i32>} : memref<120xi32, #tpu.memory_space<vmem>>, vector<16xi32>,
    %get3A_812 = arith.constant 96 : index
    %get3A_813 = tpu.vector_load %arg9[%get3A_812] {strides = array<i32>} : memref<120xi32, #tpu.memory_space<vmem>>, vector<16xi32>,
    %get3A_814 = vector.shape_cast %get3A_813 : vector<16xi32> to vector<16xi32>
    %mul3A_815 = arith.constant 64 : i32
    %mul3A_816 = arith.muli %arg1, %mul3A_815 : i32
    %add3A_817 = vector.broadcast %mul3A_816 : i32 to vector<16xi32>
    %add3A_818 = arith.addi %get3A_814, %add3A_817 : vector<16xi32>
    %swap3A_819 = arith.constant 96 : index
    %swap3A_820 = tpu.vector_load %arg12[%swap3A_819] {strides = array<i32>} : memref<120xi32, #tpu.memory_space<vmem>>, vector<16xi32>,
    %swap3A_821 = vector.shape_cast %swap3A_820 : vector<16xi32> to vector<16xi32>
    %swap3A_822 = vector.shape_cast %add3A_818 : vector<16xi32> to vector<16xi32>
    tpu.vector_store %arg12[%swap3A_819], %swap3A_822 {strides = array<i32>} : memref<120xi32, #tpu.memory_space<vmem>>, vector<16xi32>,
    %get3A_823 = arith.constant 104 : index
    %get3A_824 = tpu.vector_load %arg9[%get3A_823] {strides = array<i32>} : memref<120xi32, #tpu.memory_space<vmem>>, vector<16xi32>,
    %get3A_825 = vector.shape_cast %get3A_824 : vector<16xi32> to vector<16xi32>
    %mul3A_826 = arith.constant 64 : i32
    %mul3A_827 = arith.muli %arg1, %mul3A_826 : i32
    %add3A_828 = vector.broadcast %mul3A_827 : i32 to vector<16xi32>
    %add3A_829 = arith.addi %get3A_825, %add3A_828 : vector<16xi32>
    %swap3A_830 = arith.constant 104 : index
    %swap3A_831 = tpu.vector_load %arg12[%swap3A_830] {strides = array<i32>} : memref<120xi32, #tpu.memory_space<vmem>>, vector<16xi32>,
    %swap3A_832 = vector.shape_cast %swap3A_831 : vector<16xi32> to vector<16xi32>
    %swap3A_833 = vector.shape_cast %add3A_829 : vector<16xi32> to vector<16xi32>
    tpu.vector_store %arg12[%swap3A_830], %swap3A_833 {strides = array<i32>} : memref<120xi32, #tpu.memory_space<vmem>>, vector<16xi32>,
    "tpu.region"() ({
      %run_scoped3A = tpu.sem_alloc : memref<!tpu.dma_semaphore, #tpu.memory_space<semaphore_mem>>
      %dma_start3A_1464 = arith.constant 0 : i32
      %dma_start3A_1465 = arith.constant 0 : i32
      %dma_start3A_1466 = tpu.memref_slice %arg25[%dma_start3A_1464, %dma_start3A_1465] : memref<1024x128xf32, #tpu.memory_space<vmem_shared>> -> memref<1024x128xf32, #tpu.memory_space<vmem_shared>>
      tpu.enqueue_indirect_dma source(%arg16 : memref<120x128xf32, #tpu.memory_space<vmem>>) target(%dma_start3A_1466 : memref<1024x128xf32, #tpu.memory_space<vmem_shared>>) offsets(%arg12 : memref<120xi32, #tpu.memory_space<vmem>>) semaphore(%run_scoped3A : memref<!tpu.dma_semaphore, #tpu.memory_space<semaphore_mem>>) {add = true}
      %dma_wait3A_1467 = arith.constant 0 : i32
      %dma_wait3A_1468 = arith.constant 0 : i32
      %dma_wait3A_1469 = tpu.memref_slice %arg25[%dma_wait3A_1467, %dma_wait3A_1468] : memref<1024x128xf32, #tpu.memory_space<vmem_shared>> -> memref<1024x128xf32, #tpu.memory_space<vmem_shared>>
      tpu.wait_indirect_dma semaphore(%run_scoped3A : memref<!tpu.dma_semaphore, #tpu.memory_space<semaphore_mem>>) src(%arg16 : memref<120x128xf32, #tpu.memory_space<vmem>>) dst(%dma_wait3A_1469 : memref<1024x128xf32, #tpu.memory_space<vmem_shared>>)
      tpu.yield
    }) : () -> ()
    "tpu.region"() ({
      %run_scoped3A = tpu.sem_alloc : memref<!tpu.dma_semaphore, #tpu.memory_space<semaphore_mem>>
      %dma_start3A_1464 = arith.constant 0 : i32
      %dma_start3A_1465 = tpu.memref_slice %arg26[%dma_start3A_1464] : memref<1024xf32, #tpu.memory_space<vmem_shared>> -> memref<1024xf32, #tpu.memory_space<vmem_shared>>
      tpu.enqueue_indirect_dma source(%arg15 : memref<120xf32, #tpu.memory_space<vmem>>) target(%dma_start3A_1465 : memref<1024xf32, #tpu.memory_space<vmem_shared>>) offsets(%arg12 : memref<120xi32, #tpu.memory_space<vmem>>) semaphore(%run_scoped3A : memref<!tpu.dma_semaphore, #tpu.memory_space<semaphore_mem>>) {add = true}
      %dma_wait3A_1466 = arith.constant 0 : i32
      %dma_wait3A_1467 = tpu.memref_slice %arg26[%dma_wait3A_1466] : memref<1024xf32, #tpu.memory_space<vmem_shared>> -> memref<1024xf32, #tpu.memory_space<vmem_shared>>
      tpu.wait_indirect_dma semaphore(%run_scoped3A : memref<!tpu.dma_semaphore, #tpu.memory_space<semaphore_mem>>) src(%arg15 : memref<120xf32, #tpu.memory_space<vmem>>) dst(%dma_wait3A_1467 : memref<1024xf32, #tpu.memory_space<vmem_shared>>)
      tpu.yield
    }) : () -> ()
    %dma_start3A_834 = arith.constant 1080 : i32
    %dma_start3A_835 = tpu.memref_slice %arg8[%dma_start3A_834] : memref<1560xi32, #tpu.memory_space<vmem>> -> memref<120xi32, #tpu.memory_space<vmem>>
    %dma_start3A_836 = arith.constant 0 : i32
    %dma_start3A_837 = tpu.memref_slice %arg3[%dma_start3A_836] : memref<100000xi32, #tpu.memory_space<hbm>> -> memref<100000xi32, #tpu.memory_space<hbm>>
    tpu.enqueue_indirect_dma source(%dma_start3A_837 : memref<100000xi32, #tpu.memory_space<hbm>>) target(%arg9 : memref<120xi32, #tpu.memory_space<vmem>>) offsets(%dma_start3A_835 : memref<120xi32, #tpu.memory_space<vmem>>) semaphore(%arg27 : memref<!tpu.dma_semaphore, #tpu.memory_space<semaphore_mem>>)
    %dma_start3A_838 = arith.constant 1080 : i32
    %dma_start3A_839 = tpu.memref_slice %arg8[%dma_start3A_838] : memref<1560xi32, #tpu.memory_space<vmem>> -> memref<120xi32, #tpu.memory_space<vmem>>
    %dma_start3A_840 = arith.constant 0 : i32
    %dma_start3A_841 = arith.constant 0 : i32
    %dma_start3A_842 = tpu.memref_slice %arg4[%dma_start3A_840, %dma_start3A_841] : memref<100000x128xf32, #tpu.memory_space<hbm>> -> memref<100000x128xf32, #tpu.memory_space<hbm>>
    tpu.enqueue_indirect_dma source(%dma_start3A_842 : memref<100000x128xf32, #tpu.memory_space<hbm>>) target(%arg16 : memref<120x128xf32, #tpu.memory_space<vmem>>) offsets(%dma_start3A_839 : memref<120xi32, #tpu.memory_space<vmem>>) semaphore(%arg30 : memref<!tpu.dma_semaphore, #tpu.memory_space<semaphore_mem>>)
    %dma_wait3A_843 = arith.constant 840 : i32
    %dma_wait3A_844 = tpu.memref_slice %arg8[%dma_wait3A_843] : memref<1560xi32, #tpu.memory_space<vmem>> -> memref<120xi32, #tpu.memory_space<vmem>>
    %dma_wait3A_845 = arith.constant 0 : i32
    %dma_wait3A_846 = tpu.memref_slice %arg3[%dma_wait3A_845] : memref<100000xi32, #tpu.memory_space<hbm>> -> memref<100000xi32, #tpu.memory_space<hbm>>
    tpu.wait_indirect_dma semaphore(%arg28 : memref<!tpu.dma_semaphore, #tpu.memory_space<semaphore_mem>>) src(%dma_wait3A_846 : memref<100000xi32, #tpu.memory_space<hbm>>) dst(%arg10 : memref<120xi32, #tpu.memory_space<vmem>>)
    %dma_wait3A_847 = arith.constant 840 : i32
    %dma_wait3A_848 = tpu.memref_slice %arg8[%dma_wait3A_847] : memref<1560xi32, #tpu.memory_space<vmem>> -> memref<120xi32, #tpu.memory_space<vmem>>
    %dma_wait3A_849 = arith.constant 0 : i32
    %dma_wait3A_850 = arith.constant 0 : i32
    %dma_wait3A_851 = tpu.memref_slice %arg4[%dma_wait3A_849, %dma_wait3A_850] : memref<100000x128xf32, #tpu.memory_space<hbm>> -> memref<100000x128xf32, #tpu.memory_space<hbm>>
    tpu.wait_indirect_dma semaphore(%arg31 : memref<!tpu.dma_semaphore, #tpu.memory_space<semaphore_mem>>) src(%dma_wait3A_851 : memref<100000x128xf32, #tpu.memory_space<hbm>>) dst(%arg17 : memref<120x128xf32, #tpu.memory_space<vmem>>)
    %get3A_852 = arith.constant 0 : index
    %get3A_853 = tpu.vector_load %arg10[%get3A_852] {strides = array<i32>} : memref<120xi32, #tpu.memory_space<vmem>>, vector<16xi32>,
    %get3A_854 = vector.shape_cast %get3A_853 : vector<16xi32> to vector<16xi32>
    %mul3A_855 = arith.constant 64 : i32
    %mul3A_856 = arith.muli %arg1, %mul3A_855 : i32
    %add3A_857 = vector.broadcast %mul3A_856 : i32 to vector<16xi32>
    %add3A_858 = arith.addi %get3A_854, %add3A_857 : vector<16xi32>
    %swap3A_859 = arith.constant 0 : index
    %swap3A_860 = tpu.vector_load %arg13[%swap3A_859] {strides = array<i32>} : memref<120xi32, #tpu.memory_space<vmem>>, vector<16xi32>,
    %swap3A_861 = vector.shape_cast %swap3A_860 : vector<16xi32> to vector<16xi32>
    %swap3A_862 = vector.shape_cast %add3A_858 : vector<16xi32> to vector<16xi32>
    tpu.vector_store %arg13[%swap3A_859], %swap3A_862 {strides = array<i32>} : memref<120xi32, #tpu.memory_space<vmem>>, vector<16xi32>,
    %get3A_863 = arith.constant 16 : index
    %get3A_864 = tpu.vector_load %arg10[%get3A_863] {strides = array<i32>} : memref<120xi32, #tpu.memory_space<vmem>>, vector<16xi32>,
    %get3A_865 = vector.shape_cast %get3A_864 : vector<16xi32> to vector<16xi32>
    %mul3A_866 = arith.constant 64 : i32
    %mul3A_867 = arith.muli %arg1, %mul3A_866 : i32
    %add3A_868 = vector.broadcast %mul3A_867 : i32 to vector<16xi32>
    %add3A_869 = arith.addi %get3A_865, %add3A_868 : vector<16xi32>
    %swap3A_870 = arith.constant 16 : index
    %swap3A_871 = tpu.vector_load %arg13[%swap3A_870] {strides = array<i32>} : memref<120xi32, #tpu.memory_space<vmem>>, vector<16xi32>,
    %swap3A_872 = vector.shape_cast %swap3A_871 : vector<16xi32> to vector<16xi32>
    %swap3A_873 = vector.shape_cast %add3A_869 : vector<16xi32> to vector<16xi32>
    tpu.vector_store %arg13[%swap3A_870], %swap3A_873 {strides = array<i32>} : memref<120xi32, #tpu.memory_space<vmem>>, vector<16xi32>,
    %get3A_874 = arith.constant 32 : index
    %get3A_875 = tpu.vector_load %arg10[%get3A_874] {strides = array<i32>} : memref<120xi32, #tpu.memory_space<vmem>>, vector<16xi32>,
    %get3A_876 = vector.shape_cast %get3A_875 : vector<16xi32> to vector<16xi32>
    %mul3A_877 = arith.constant 64 : i32
    %mul3A_878 = arith.muli %arg1, %mul3A_877 : i32
    %add3A_879 = vector.broadcast %mul3A_878 : i32 to vector<16xi32>
    %add3A_880 = arith.addi %get3A_876, %add3A_879 : vector<16xi32>
    %swap3A_881 = arith.constant 32 : index
    %swap3A_882 = tpu.vector_load %arg13[%swap3A_881] {strides = array<i32>} : memref<120xi32, #tpu.memory_space<vmem>>, vector<16xi32>,
    %swap3A_883 = vector.shape_cast %swap3A_882 : vector<16xi32> to vector<16xi32>
    %swap3A_884 = vector.shape_cast %add3A_880 : vector<16xi32> to vector<16xi32>
    tpu.vector_store %arg13[%swap3A_881], %swap3A_884 {strides = array<i32>} : memref<120xi32, #tpu.memory_space<vmem>>, vector<16xi32>,
    %get3A_885 = arith.constant 48 : index
    %get3A_886 = tpu.vector_load %arg10[%get3A_885] {strides = array<i32>} : memref<120xi32, #tpu.memory_space<vmem>>, vector<16xi32>,
    %get3A_887 = vector.shape_cast %get3A_886 : vector<16xi32> to vector<16xi32>
    %mul3A_888 = arith.constant 64 : i32
    %mul3A_889 = arith.muli %arg1, %mul3A_888 : i32
    %add3A_890 = vector.broadcast %mul3A_889 : i32 to vector<16xi32>
    %add3A_891 = arith.addi %get3A_887, %add3A_890 : vector<16xi32>
    %swap3A_892 = arith.constant 48 : index
    %swap3A_893 = tpu.vector_load %arg13[%swap3A_892] {strides = array<i32>} : memref<120xi32, #tpu.memory_space<vmem>>, vector<16xi32>,
    %swap3A_894 = vector.shape_cast %swap3A_893 : vector<16xi32> to vector<16xi32>
    %swap3A_895 = vector.shape_cast %add3A_891 : vector<16xi32> to vector<16xi32>
    tpu.vector_store %arg13[%swap3A_892], %swap3A_895 {strides = array<i32>} : memref<120xi32, #tpu.memory_space<vmem>>, vector<16xi32>,
    %get3A_896 = arith.constant 64 : index
    %get3A_897 = tpu.vector_load %arg10[%get3A_896] {strides = array<i32>} : memref<120xi32, #tpu.memory_space<vmem>>, vector<16xi32>,
    %get3A_898 = vector.shape_cast %get3A_897 : vector<16xi32> to vector<16xi32>
    %mul3A_899 = arith.constant 64 : i32
    %mul3A_900 = arith.muli %arg1, %mul3A_899 : i32
    %add3A_901 = vector.broadcast %mul3A_900 : i32 to vector<16xi32>
    %add3A_902 = arith.addi %get3A_898, %add3A_901 : vector<16xi32>
    %swap3A_903 = arith.constant 64 : index
    %swap3A_904 = tpu.vector_load %arg13[%swap3A_903] {strides = array<i32>} : memref<120xi32, #tpu.memory_space<vmem>>, vector<16xi32>,
    %swap3A_905 = vector.shape_cast %swap3A_904 : vector<16xi32> to vector<16xi32>
    %swap3A_906 = vector.shape_cast %add3A_902 : vector<16xi32> to vector<16xi32>
    tpu.vector_store %arg13[%swap3A_903], %swap3A_906 {strides = array<i32>} : memref<120xi32, #tpu.memory_space<vmem>>, vector<16xi32>,
    %get3A_907 = arith.constant 80 : index
    %get3A_908 = tpu.vector_load %arg10[%get3A_907] {strides = array<i32>} : memref<120xi32, #tpu.memory_space<vmem>>, vector<16xi32>,
    %get3A_909 = vector.shape_cast %get3A_908 : vector<16xi32> to vector<16xi32>
    %mul3A_910 = arith.constant 64 : i32
    %mul3A_911 = arith.muli %arg1, %mul3A_910 : i32
    %add3A_912 = vector.broadcast %mul3A_911 : i32 to vector<16xi32>
    %add3A_913 = arith.addi %get3A_909, %add3A_912 : vector<16xi32>
    %swap3A_914 = arith.constant 80 : index
    %swap3A_915 = tpu.vector_load %arg13[%swap3A_914] {strides = array<i32>} : memref<120xi32, #tpu.memory_space<vmem>>, vector<16xi32>,
    %swap3A_916 = vector.shape_cast %swap3A_915 : vector<16xi32> to vector<16xi32>
    %swap3A_917 = vector.shape_cast %add3A_913 : vector<16xi32> to vector<16xi32>
    tpu.vector_store %arg13[%swap3A_914], %swap3A_917 {strides = array<i32>} : memref<120xi32, #tpu.memory_space<vmem>>, vector<16xi32>,
    %get3A_918 = arith.constant 96 : index
    %get3A_919 = tpu.vector_load %arg10[%get3A_918] {strides = array<i32>} : memref<120xi32, #tpu.memory_space<vmem>>, vector<16xi32>,
    %get3A_920 = vector.shape_cast %get3A_919 : vector<16xi32> to vector<16xi32>
    %mul3A_921 = arith.constant 64 : i32
    %mul3A_922 = arith.muli %arg1, %mul3A_921 : i32
    %add3A_923 = vector.broadcast %mul3A_922 : i32 to vector<16xi32>
    %add3A_924 = arith.addi %get3A_920, %add3A_923 : vector<16xi32>
    %swap3A_925 = arith.constant 96 : index
    %swap3A_926 = tpu.vector_load %arg13[%swap3A_925] {strides = array<i32>} : memref<120xi32, #tpu.memory_space<vmem>>, vector<16xi32>,
    %swap3A_927 = vector.shape_cast %swap3A_926 : vector<16xi32> to vector<16xi32>
    %swap3A_928 = vector.shape_cast %add3A_924 : vector<16xi32> to vector<16xi32>
    tpu.vector_store %arg13[%swap3A_925], %swap3A_928 {strides = array<i32>} : memref<120xi32, #tpu.memory_space<vmem>>, vector<16xi32>,
    %get3A_929 = arith.constant 104 : index
    %get3A_930 = tpu.vector_load %arg10[%get3A_929] {strides = array<i32>} : memref<120xi32, #tpu.memory_space<vmem>>, vector<16xi32>,
    %get3A_931 = vector.shape_cast %get3A_930 : vector<16xi32> to vector<16xi32>
    %mul3A_932 = arith.constant 64 : i32
    %mul3A_933 = arith.muli %arg1, %mul3A_932 : i32
    %add3A_934 = vector.broadcast %mul3A_933 : i32 to vector<16xi32>
    %add3A_935 = arith.addi %get3A_931, %add3A_934 : vector<16xi32>
    %swap3A_936 = arith.constant 104 : index
    %swap3A_937 = tpu.vector_load %arg13[%swap3A_936] {strides = array<i32>} : memref<120xi32, #tpu.memory_space<vmem>>, vector<16xi32>,
    %swap3A_938 = vector.shape_cast %swap3A_937 : vector<16xi32> to vector<16xi32>
    %swap3A_939 = vector.shape_cast %add3A_935 : vector<16xi32> to vector<16xi32>
    tpu.vector_store %arg13[%swap3A_936], %swap3A_939 {strides = array<i32>} : memref<120xi32, #tpu.memory_space<vmem>>, vector<16xi32>,
    "tpu.region"() ({
      %run_scoped3A = tpu.sem_alloc : memref<!tpu.dma_semaphore, #tpu.memory_space<semaphore_mem>>
      %dma_start3A_1464 = arith.constant 0 : i32
      %dma_start3A_1465 = arith.constant 0 : i32
      %dma_start3A_1466 = tpu.memref_slice %arg25[%dma_start3A_1464, %dma_start3A_1465] : memref<1024x128xf32, #tpu.memory_space<vmem_shared>> -> memref<1024x128xf32, #tpu.memory_space<vmem_shared>>
      tpu.enqueue_indirect_dma source(%arg17 : memref<120x128xf32, #tpu.memory_space<vmem>>) target(%dma_start3A_1466 : memref<1024x128xf32, #tpu.memory_space<vmem_shared>>) offsets(%arg13 : memref<120xi32, #tpu.memory_space<vmem>>) semaphore(%run_scoped3A : memref<!tpu.dma_semaphore, #tpu.memory_space<semaphore_mem>>) {add = true}
      %dma_wait3A_1467 = arith.constant 0 : i32
      %dma_wait3A_1468 = arith.constant 0 : i32
      %dma_wait3A_1469 = tpu.memref_slice %arg25[%dma_wait3A_1467, %dma_wait3A_1468] : memref<1024x128xf32, #tpu.memory_space<vmem_shared>> -> memref<1024x128xf32, #tpu.memory_space<vmem_shared>>
      tpu.wait_indirect_dma semaphore(%run_scoped3A : memref<!tpu.dma_semaphore, #tpu.memory_space<semaphore_mem>>) src(%arg17 : memref<120x128xf32, #tpu.memory_space<vmem>>) dst(%dma_wait3A_1469 : memref<1024x128xf32, #tpu.memory_space<vmem_shared>>)
      tpu.yield
    }) : () -> ()
    "tpu.region"() ({
      %run_scoped3A = tpu.sem_alloc : memref<!tpu.dma_semaphore, #tpu.memory_space<semaphore_mem>>
      %dma_start3A_1464 = arith.constant 0 : i32
      %dma_start3A_1465 = tpu.memref_slice %arg26[%dma_start3A_1464] : memref<1024xf32, #tpu.memory_space<vmem_shared>> -> memref<1024xf32, #tpu.memory_space<vmem_shared>>
      tpu.enqueue_indirect_dma source(%arg15 : memref<120xf32, #tpu.memory_space<vmem>>) target(%dma_start3A_1465 : memref<1024xf32, #tpu.memory_space<vmem_shared>>) offsets(%arg13 : memref<120xi32, #tpu.memory_space<vmem>>) semaphore(%run_scoped3A : memref<!tpu.dma_semaphore, #tpu.memory_space<semaphore_mem>>) {add = true}
      %dma_wait3A_1466 = arith.constant 0 : i32
      %dma_wait3A_1467 = tpu.memref_slice %arg26[%dma_wait3A_1466] : memref<1024xf32, #tpu.memory_space<vmem_shared>> -> memref<1024xf32, #tpu.memory_space<vmem_shared>>
      tpu.wait_indirect_dma semaphore(%run_scoped3A : memref<!tpu.dma_semaphore, #tpu.memory_space<semaphore_mem>>) src(%arg15 : memref<120xf32, #tpu.memory_space<vmem>>) dst(%dma_wait3A_1467 : memref<1024xf32, #tpu.memory_space<vmem_shared>>)
      tpu.yield
    }) : () -> ()
    %dma_start3A_940 = arith.constant 1200 : i32
    %dma_start3A_941 = tpu.memref_slice %arg8[%dma_start3A_940] : memref<1560xi32, #tpu.memory_space<vmem>> -> memref<120xi32, #tpu.memory_space<vmem>>
    %dma_start3A_942 = arith.constant 0 : i32
    %dma_start3A_943 = tpu.memref_slice %arg3[%dma_start3A_942] : memref<100000xi32, #tpu.memory_space<hbm>> -> memref<100000xi32, #tpu.memory_space<hbm>>
    tpu.enqueue_indirect_dma source(%dma_start3A_943 : memref<100000xi32, #tpu.memory_space<hbm>>) target(%arg10 : memref<120xi32, #tpu.memory_space<vmem>>) offsets(%dma_start3A_941 : memref<120xi32, #tpu.memory_space<vmem>>) semaphore(%arg28 : memref<!tpu.dma_semaphore, #tpu.memory_space<semaphore_mem>>)
    %dma_start3A_944 = arith.constant 1200 : i32
    %dma_start3A_945 = tpu.memref_slice %arg8[%dma_start3A_944] : memref<1560xi32, #tpu.memory_space<vmem>> -> memref<120xi32, #tpu.memory_space<vmem>>
    %dma_start3A_946 = arith.constant 0 : i32
    %dma_start3A_947 = arith.constant 0 : i32
    %dma_start3A_948 = tpu.memref_slice %arg4[%dma_start3A_946, %dma_start3A_947] : memref<100000x128xf32, #tpu.memory_space<hbm>> -> memref<100000x128xf32, #tpu.memory_space<hbm>>
    tpu.enqueue_indirect_dma source(%dma_start3A_948 : memref<100000x128xf32, #tpu.memory_space<hbm>>) target(%arg17 : memref<120x128xf32, #tpu.memory_space<vmem>>) offsets(%dma_start3A_945 : memref<120xi32, #tpu.memory_space<vmem>>) semaphore(%arg31 : memref<!tpu.dma_semaphore, #tpu.memory_space<semaphore_mem>>)
    %dma_wait3A_949 = arith.constant 960 : i32
    %dma_wait3A_950 = tpu.memref_slice %arg8[%dma_wait3A_949] : memref<1560xi32, #tpu.memory_space<vmem>> -> memref<120xi32, #tpu.memory_space<vmem>>
    %dma_wait3A_951 = arith.constant 0 : i32
    %dma_wait3A_952 = tpu.memref_slice %arg3[%dma_wait3A_951] : memref<100000xi32, #tpu.memory_space<hbm>> -> memref<100000xi32, #tpu.memory_space<hbm>>
    tpu.wait_indirect_dma semaphore(%arg29 : memref<!tpu.dma_semaphore, #tpu.memory_space<semaphore_mem>>) src(%dma_wait3A_952 : memref<100000xi32, #tpu.memory_space<hbm>>) dst(%arg11 : memref<120xi32, #tpu.memory_space<vmem>>)
    %dma_wait3A_953 = arith.constant 960 : i32
    %dma_wait3A_954 = tpu.memref_slice %arg8[%dma_wait3A_953] : memref<1560xi32, #tpu.memory_space<vmem>> -> memref<120xi32, #tpu.memory_space<vmem>>
    %dma_wait3A_955 = arith.constant 0 : i32
    %dma_wait3A_956 = arith.constant 0 : i32
    %dma_wait3A_957 = tpu.memref_slice %arg4[%dma_wait3A_955, %dma_wait3A_956] : memref<100000x128xf32, #tpu.memory_space<hbm>> -> memref<100000x128xf32, #tpu.memory_space<hbm>>
    tpu.wait_indirect_dma semaphore(%arg32 : memref<!tpu.dma_semaphore, #tpu.memory_space<semaphore_mem>>) src(%dma_wait3A_957 : memref<100000x128xf32, #tpu.memory_space<hbm>>) dst(%arg18 : memref<120x128xf32, #tpu.memory_space<vmem>>)
    %get3A_958 = arith.constant 0 : index
    %get3A_959 = tpu.vector_load %arg11[%get3A_958] {strides = array<i32>} : memref<120xi32, #tpu.memory_space<vmem>>, vector<16xi32>,
    %get3A_960 = vector.shape_cast %get3A_959 : vector<16xi32> to vector<16xi32>
    %mul3A_961 = arith.constant 64 : i32
    %mul3A_962 = arith.muli %arg1, %mul3A_961 : i32
    %add3A_963 = vector.broadcast %mul3A_962 : i32 to vector<16xi32>
    %add3A_964 = arith.addi %get3A_960, %add3A_963 : vector<16xi32>
    %swap3A_965 = arith.constant 0 : index
    %swap3A_966 = tpu.vector_load %arg14[%swap3A_965] {strides = array<i32>} : memref<120xi32, #tpu.memory_space<vmem>>, vector<16xi32>,
    %swap3A_967 = vector.shape_cast %swap3A_966 : vector<16xi32> to vector<16xi32>
    %swap3A_968 = vector.shape_cast %add3A_964 : vector<16xi32> to vector<16xi32>
    tpu.vector_store %arg14[%swap3A_965], %swap3A_968 {strides = array<i32>} : memref<120xi32, #tpu.memory_space<vmem>>, vector<16xi32>,
    %get3A_969 = arith.constant 16 : index
    %get3A_970 = tpu.vector_load %arg11[%get3A_969] {strides = array<i32>} : memref<120xi32, #tpu.memory_space<vmem>>, vector<16xi32>,
    %get3A_971 = vector.shape_cast %get3A_970 : vector<16xi32> to vector<16xi32>
    %mul3A_972 = arith.constant 64 : i32
    %mul3A_973 = arith.muli %arg1, %mul3A_972 : i32
    %add3A_974 = vector.broadcast %mul3A_973 : i32 to vector<16xi32>
    %add3A_975 = arith.addi %get3A_971, %add3A_974 : vector<16xi32>
    %swap3A_976 = arith.constant 16 : index
    %swap3A_977 = tpu.vector_load %arg14[%swap3A_976] {strides = array<i32>} : memref<120xi32, #tpu.memory_space<vmem>>, vector<16xi32>,
    %swap3A_978 = vector.shape_cast %swap3A_977 : vector<16xi32> to vector<16xi32>
    %swap3A_979 = vector.shape_cast %add3A_975 : vector<16xi32> to vector<16xi32>
    tpu.vector_store %arg14[%swap3A_976], %swap3A_979 {strides = array<i32>} : memref<120xi32, #tpu.memory_space<vmem>>, vector<16xi32>,
    %get3A_980 = arith.constant 32 : index
    %get3A_981 = tpu.vector_load %arg11[%get3A_980] {strides = array<i32>} : memref<120xi32, #tpu.memory_space<vmem>>, vector<16xi32>,
    %get3A_982 = vector.shape_cast %get3A_981 : vector<16xi32> to vector<16xi32>
    %mul3A_983 = arith.constant 64 : i32
    %mul3A_984 = arith.muli %arg1, %mul3A_983 : i32
    %add3A_985 = vector.broadcast %mul3A_984 : i32 to vector<16xi32>
    %add3A_986 = arith.addi %get3A_982, %add3A_985 : vector<16xi32>
    %swap3A_987 = arith.constant 32 : index
    %swap3A_988 = tpu.vector_load %arg14[%swap3A_987] {strides = array<i32>} : memref<120xi32, #tpu.memory_space<vmem>>, vector<16xi32>,
    %swap3A_989 = vector.shape_cast %swap3A_988 : vector<16xi32> to vector<16xi32>
    %swap3A_990 = vector.shape_cast %add3A_986 : vector<16xi32> to vector<16xi32>
    tpu.vector_store %arg14[%swap3A_987], %swap3A_990 {strides = array<i32>} : memref<120xi32, #tpu.memory_space<vmem>>, vector<16xi32>,
    %get3A_991 = arith.constant 48 : index
    %get3A_992 = tpu.vector_load %arg11[%get3A_991] {strides = array<i32>} : memref<120xi32, #tpu.memory_space<vmem>>, vector<16xi32>,
    %get3A_993 = vector.shape_cast %get3A_992 : vector<16xi32> to vector<16xi32>
    %mul3A_994 = arith.constant 64 : i32
    %mul3A_995 = arith.muli %arg1, %mul3A_994 : i32
    %add3A_996 = vector.broadcast %mul3A_995 : i32 to vector<16xi32>
    %add3A_997 = arith.addi %get3A_993, %add3A_996 : vector<16xi32>
    %swap3A_998 = arith.constant 48 : index
    %swap3A_999 = tpu.vector_load %arg14[%swap3A_998] {strides = array<i32>} : memref<120xi32, #tpu.memory_space<vmem>>, vector<16xi32>,
    %swap3A_1000 = vector.shape_cast %swap3A_999 : vector<16xi32> to vector<16xi32>
    %swap3A_1001 = vector.shape_cast %add3A_997 : vector<16xi32> to vector<16xi32>
    tpu.vector_store %arg14[%swap3A_998], %swap3A_1001 {strides = array<i32>} : memref<120xi32, #tpu.memory_space<vmem>>, vector<16xi32>,
    %get3A_1002 = arith.constant 64 : index
    %get3A_1003 = tpu.vector_load %arg11[%get3A_1002] {strides = array<i32>} : memref<120xi32, #tpu.memory_space<vmem>>, vector<16xi32>,
    %get3A_1004 = vector.shape_cast %get3A_1003 : vector<16xi32> to vector<16xi32>
    %mul3A_1005 = arith.constant 64 : i32
    %mul3A_1006 = arith.muli %arg1, %mul3A_1005 : i32
    %add3A_1007 = vector.broadcast %mul3A_1006 : i32 to vector<16xi32>
    %add3A_1008 = arith.addi %get3A_1004, %add3A_1007 : vector<16xi32>
    %swap3A_1009 = arith.constant 64 : index
    %swap3A_1010 = tpu.vector_load %arg14[%swap3A_1009] {strides = array<i32>} : memref<120xi32, #tpu.memory_space<vmem>>, vector<16xi32>,
    %swap3A_1011 = vector.shape_cast %swap3A_1010 : vector<16xi32> to vector<16xi32>
    %swap3A_1012 = vector.shape_cast %add3A_1008 : vector<16xi32> to vector<16xi32>
    tpu.vector_store %arg14[%swap3A_1009], %swap3A_1012 {strides = array<i32>} : memref<120xi32, #tpu.memory_space<vmem>>, vector<16xi32>,
    %get3A_1013 = arith.constant 80 : index
    %get3A_1014 = tpu.vector_load %arg11[%get3A_1013] {strides = array<i32>} : memref<120xi32, #tpu.memory_space<vmem>>, vector<16xi32>,
    %get3A_1015 = vector.shape_cast %get3A_1014 : vector<16xi32> to vector<16xi32>
    %mul3A_1016 = arith.constant 64 : i32
    %mul3A_1017 = arith.muli %arg1, %mul3A_1016 : i32
    %add3A_1018 = vector.broadcast %mul3A_1017 : i32 to vector<16xi32>
    %add3A_1019 = arith.addi %get3A_1015, %add3A_1018 : vector<16xi32>
    %swap3A_1020 = arith.constant 80 : index
    %swap3A_1021 = tpu.vector_load %arg14[%swap3A_1020] {strides = array<i32>} : memref<120xi32, #tpu.memory_space<vmem>>, vector<16xi32>,
    %swap3A_1022 = vector.shape_cast %swap3A_1021 : vector<16xi32> to vector<16xi32>
    %swap3A_1023 = vector.shape_cast %add3A_1019 : vector<16xi32> to vector<16xi32>
    tpu.vector_store %arg14[%swap3A_1020], %swap3A_1023 {strides = array<i32>} : memref<120xi32, #tpu.memory_space<vmem>>, vector<16xi32>,
    %get3A_1024 = arith.constant 96 : index
    %get3A_1025 = tpu.vector_load %arg11[%get3A_1024] {strides = array<i32>} : memref<120xi32, #tpu.memory_space<vmem>>, vector<16xi32>,
    %get3A_1026 = vector.shape_cast %get3A_1025 : vector<16xi32> to vector<16xi32>
    %mul3A_1027 = arith.constant 64 : i32
    %mul3A_1028 = arith.muli %arg1, %mul3A_1027 : i32
    %add3A_1029 = vector.broadcast %mul3A_1028 : i32 to vector<16xi32>
    %add3A_1030 = arith.addi %get3A_1026, %add3A_1029 : vector<16xi32>
    %swap3A_1031 = arith.constant 96 : index
    %swap3A_1032 = tpu.vector_load %arg14[%swap3A_1031] {strides = array<i32>} : memref<120xi32, #tpu.memory_space<vmem>>, vector<16xi32>,
    %swap3A_1033 = vector.shape_cast %swap3A_1032 : vector<16xi32> to vector<16xi32>
    %swap3A_1034 = vector.shape_cast %add3A_1030 : vector<16xi32> to vector<16xi32>
    tpu.vector_store %arg14[%swap3A_1031], %swap3A_1034 {strides = array<i32>} : memref<120xi32, #tpu.memory_space<vmem>>, vector<16xi32>,
    %get3A_1035 = arith.constant 104 : index
    %get3A_1036 = tpu.vector_load %arg11[%get3A_1035] {strides = array<i32>} : memref<120xi32, #tpu.memory_space<vmem>>, vector<16xi32>,
    %get3A_1037 = vector.shape_cast %get3A_1036 : vector<16xi32> to vector<16xi32>
    %mul3A_1038 = arith.constant 64 : i32
    %mul3A_1039 = arith.muli %arg1, %mul3A_1038 : i32
    %add3A_1040 = vector.broadcast %mul3A_1039 : i32 to vector<16xi32>
    %add3A_1041 = arith.addi %get3A_1037, %add3A_1040 : vector<16xi32>
    %swap3A_1042 = arith.constant 104 : index
    %swap3A_1043 = tpu.vector_load %arg14[%swap3A_1042] {strides = array<i32>} : memref<120xi32, #tpu.memory_space<vmem>>, vector<16xi32>,
    %swap3A_1044 = vector.shape_cast %swap3A_1043 : vector<16xi32> to vector<16xi32>
    %swap3A_1045 = vector.shape_cast %add3A_1041 : vector<16xi32> to vector<16xi32>
    tpu.vector_store %arg14[%swap3A_1042], %swap3A_1045 {strides = array<i32>} : memref<120xi32, #tpu.memory_space<vmem>>, vector<16xi32>,
    "tpu.region"() ({
      %run_scoped3A = tpu.sem_alloc : memref<!tpu.dma_semaphore, #tpu.memory_space<semaphore_mem>>
      %dma_start3A_1464 = arith.constant 0 : i32
      %dma_start3A_1465 = arith.constant 0 : i32
      %dma_start3A_1466 = tpu.memref_slice %arg25[%dma_start3A_1464, %dma_start3A_1465] : memref<1024x128xf32, #tpu.memory_space<vmem_shared>> -> memref<1024x128xf32, #tpu.memory_space<vmem_shared>>
      tpu.enqueue_indirect_dma source(%arg18 : memref<120x128xf32, #tpu.memory_space<vmem>>) target(%dma_start3A_1466 : memref<1024x128xf32, #tpu.memory_space<vmem_shared>>) offsets(%arg14 : memref<120xi32, #tpu.memory_space<vmem>>) semaphore(%run_scoped3A : memref<!tpu.dma_semaphore, #tpu.memory_space<semaphore_mem>>) {add = true}
      %dma_wait3A_1467 = arith.constant 0 : i32
      %dma_wait3A_1468 = arith.constant 0 : i32
      %dma_wait3A_1469 = tpu.memref_slice %arg25[%dma_wait3A_1467, %dma_wait3A_1468] : memref<1024x128xf32, #tpu.memory_space<vmem_shared>> -> memref<1024x128xf32, #tpu.memory_space<vmem_shared>>
      tpu.wait_indirect_dma semaphore(%run_scoped3A : memref<!tpu.dma_semaphore, #tpu.memory_space<semaphore_mem>>) src(%arg18 : memref<120x128xf32, #tpu.memory_space<vmem>>) dst(%dma_wait3A_1469 : memref<1024x128xf32, #tpu.memory_space<vmem_shared>>)
      tpu.yield
    }) : () -> ()
    "tpu.region"() ({
      %run_scoped3A = tpu.sem_alloc : memref<!tpu.dma_semaphore, #tpu.memory_space<semaphore_mem>>
      %dma_start3A_1464 = arith.constant 0 : i32
      %dma_start3A_1465 = tpu.memref_slice %arg26[%dma_start3A_1464] : memref<1024xf32, #tpu.memory_space<vmem_shared>> -> memref<1024xf32, #tpu.memory_space<vmem_shared>>
      tpu.enqueue_indirect_dma source(%arg15 : memref<120xf32, #tpu.memory_space<vmem>>) target(%dma_start3A_1465 : memref<1024xf32, #tpu.memory_space<vmem_shared>>) offsets(%arg14 : memref<120xi32, #tpu.memory_space<vmem>>) semaphore(%run_scoped3A : memref<!tpu.dma_semaphore, #tpu.memory_space<semaphore_mem>>) {add = true}
      %dma_wait3A_1466 = arith.constant 0 : i32
      %dma_wait3A_1467 = tpu.memref_slice %arg26[%dma_wait3A_1466] : memref<1024xf32, #tpu.memory_space<vmem_shared>> -> memref<1024xf32, #tpu.memory_space<vmem_shared>>
      tpu.wait_indirect_dma semaphore(%run_scoped3A : memref<!tpu.dma_semaphore, #tpu.memory_space<semaphore_mem>>) src(%arg15 : memref<120xf32, #tpu.memory_space<vmem>>) dst(%dma_wait3A_1467 : memref<1024xf32, #tpu.memory_space<vmem_shared>>)
      tpu.yield
    }) : () -> ()
    %dma_start3A_1046 = arith.constant 1320 : i32
    %dma_start3A_1047 = tpu.memref_slice %arg8[%dma_start3A_1046] : memref<1560xi32, #tpu.memory_space<vmem>> -> memref<120xi32, #tpu.memory_space<vmem>>
    %dma_start3A_1048 = arith.constant 0 : i32
    %dma_start3A_1049 = tpu.memref_slice %arg3[%dma_start3A_1048] : memref<100000xi32, #tpu.memory_space<hbm>> -> memref<100000xi32, #tpu.memory_space<hbm>>
    tpu.enqueue_indirect_dma source(%dma_start3A_1049 : memref<100000xi32, #tpu.memory_space<hbm>>) target(%arg11 : memref<120xi32, #tpu.memory_space<vmem>>) offsets(%dma_start3A_1047 : memref<120xi32, #tpu.memory_space<vmem>>) semaphore(%arg29 : memref<!tpu.dma_semaphore, #tpu.memory_space<semaphore_mem>>)
    %dma_start3A_1050 = arith.constant 1320 : i32
    %dma_start3A_1051 = tpu.memref_slice %arg8[%dma_start3A_1050] : memref<1560xi32, #tpu.memory_space<vmem>> -> memref<120xi32, #tpu.memory_space<vmem>>
    %dma_start3A_1052 = arith.constant 0 : i32
    %dma_start3A_1053 = arith.constant 0 : i32
    %dma_start3A_1054 = tpu.memref_slice %arg4[%dma_start3A_1052, %dma_start3A_1053] : memref<100000x128xf32, #tpu.memory_space<hbm>> -> memref<100000x128xf32, #tpu.memory_space<hbm>>
    tpu.enqueue_indirect_dma source(%dma_start3A_1054 : memref<100000x128xf32, #tpu.memory_space<hbm>>) target(%arg18 : memref<120x128xf32, #tpu.memory_space<vmem>>) offsets(%dma_start3A_1051 : memref<120xi32, #tpu.memory_space<vmem>>) semaphore(%arg32 : memref<!tpu.dma_semaphore, #tpu.memory_space<semaphore_mem>>)
    %dma_wait3A_1055 = arith.constant 1080 : i32
    %dma_wait3A_1056 = tpu.memref_slice %arg8[%dma_wait3A_1055] : memref<1560xi32, #tpu.memory_space<vmem>> -> memref<120xi32, #tpu.memory_space<vmem>>
    %dma_wait3A_1057 = arith.constant 0 : i32
    %dma_wait3A_1058 = tpu.memref_slice %arg3[%dma_wait3A_1057] : memref<100000xi32, #tpu.memory_space<hbm>> -> memref<100000xi32, #tpu.memory_space<hbm>>
    tpu.wait_indirect_dma semaphore(%arg27 : memref<!tpu.dma_semaphore, #tpu.memory_space<semaphore_mem>>) src(%dma_wait3A_1058 : memref<100000xi32, #tpu.memory_space<hbm>>) dst(%arg9 : memref<120xi32, #tpu.memory_space<vmem>>)
    %dma_wait3A_1059 = arith.constant 1080 : i32
    %dma_wait3A_1060 = tpu.memref_slice %arg8[%dma_wait3A_1059] : memref<1560xi32, #tpu.memory_space<vmem>> -> memref<120xi32, #tpu.memory_space<vmem>>
    %dma_wait3A_1061 = arith.constant 0 : i32
    %dma_wait3A_1062 = arith.constant 0 : i32
    %dma_wait3A_1063 = tpu.memref_slice %arg4[%dma_wait3A_1061, %dma_wait3A_1062] : memref<100000x128xf32, #tpu.memory_space<hbm>> -> memref<100000x128xf32, #tpu.memory_space<hbm>>
    tpu.wait_indirect_dma semaphore(%arg30 : memref<!tpu.dma_semaphore, #tpu.memory_space<semaphore_mem>>) src(%dma_wait3A_1063 : memref<100000x128xf32, #tpu.memory_space<hbm>>) dst(%arg16 : memref<120x128xf32, #tpu.memory_space<vmem>>)
    %get3A_1064 = arith.constant 0 : index
    %get3A_1065 = tpu.vector_load %arg9[%get3A_1064] {strides = array<i32>} : memref<120xi32, #tpu.memory_space<vmem>>, vector<16xi32>,
    %get3A_1066 = vector.shape_cast %get3A_1065 : vector<16xi32> to vector<16xi32>
    %mul3A_1067 = arith.constant 64 : i32
    %mul3A_1068 = arith.muli %arg1, %mul3A_1067 : i32
    %add3A_1069 = vector.broadcast %mul3A_1068 : i32 to vector<16xi32>
    %add3A_1070 = arith.addi %get3A_1066, %add3A_1069 : vector<16xi32>
    %swap3A_1071 = arith.constant 0 : index
    %swap3A_1072 = tpu.vector_load %arg12[%swap3A_1071] {strides = array<i32>} : memref<120xi32, #tpu.memory_space<vmem>>, vector<16xi32>,
    %swap3A_1073 = vector.shape_cast %swap3A_1072 : vector<16xi32> to vector<16xi32>
    %swap3A_1074 = vector.shape_cast %add3A_1070 : vector<16xi32> to vector<16xi32>
    tpu.vector_store %arg12[%swap3A_1071], %swap3A_1074 {strides = array<i32>} : memref<120xi32, #tpu.memory_space<vmem>>, vector<16xi32>,
    %get3A_1075 = arith.constant 16 : index
    %get3A_1076 = tpu.vector_load %arg9[%get3A_1075] {strides = array<i32>} : memref<120xi32, #tpu.memory_space<vmem>>, vector<16xi32>,
    %get3A_1077 = vector.shape_cast %get3A_1076 : vector<16xi32> to vector<16xi32>
    %mul3A_1078 = arith.constant 64 : i32
    %mul3A_1079 = arith.muli %arg1, %mul3A_1078 : i32
    %add3A_1080 = vector.broadcast %mul3A_1079 : i32 to vector<16xi32>
    %add3A_1081 = arith.addi %get3A_1077, %add3A_1080 : vector<16xi32>
    %swap3A_1082 = arith.constant 16 : index
    %swap3A_1083 = tpu.vector_load %arg12[%swap3A_1082] {strides = array<i32>} : memref<120xi32, #tpu.memory_space<vmem>>, vector<16xi32>,
    %swap3A_1084 = vector.shape_cast %swap3A_1083 : vector<16xi32> to vector<16xi32>
    %swap3A_1085 = vector.shape_cast %add3A_1081 : vector<16xi32> to vector<16xi32>
    tpu.vector_store %arg12[%swap3A_1082], %swap3A_1085 {strides = array<i32>} : memref<120xi32, #tpu.memory_space<vmem>>, vector<16xi32>,
    %get3A_1086 = arith.constant 32 : index
    %get3A_1087 = tpu.vector_load %arg9[%get3A_1086] {strides = array<i32>} : memref<120xi32, #tpu.memory_space<vmem>>, vector<16xi32>,
    %get3A_1088 = vector.shape_cast %get3A_1087 : vector<16xi32> to vector<16xi32>
    %mul3A_1089 = arith.constant 64 : i32
    %mul3A_1090 = arith.muli %arg1, %mul3A_1089 : i32
    %add3A_1091 = vector.broadcast %mul3A_1090 : i32 to vector<16xi32>
    %add3A_1092 = arith.addi %get3A_1088, %add3A_1091 : vector<16xi32>
    %swap3A_1093 = arith.constant 32 : index
    %swap3A_1094 = tpu.vector_load %arg12[%swap3A_1093] {strides = array<i32>} : memref<120xi32, #tpu.memory_space<vmem>>, vector<16xi32>,
    %swap3A_1095 = vector.shape_cast %swap3A_1094 : vector<16xi32> to vector<16xi32>
    %swap3A_1096 = vector.shape_cast %add3A_1092 : vector<16xi32> to vector<16xi32>
    tpu.vector_store %arg12[%swap3A_1093], %swap3A_1096 {strides = array<i32>} : memref<120xi32, #tpu.memory_space<vmem>>, vector<16xi32>,
    %get3A_1097 = arith.constant 48 : index
    %get3A_1098 = tpu.vector_load %arg9[%get3A_1097] {strides = array<i32>} : memref<120xi32, #tpu.memory_space<vmem>>, vector<16xi32>,
    %get3A_1099 = vector.shape_cast %get3A_1098 : vector<16xi32> to vector<16xi32>
    %mul3A_1100 = arith.constant 64 : i32
    %mul3A_1101 = arith.muli %arg1, %mul3A_1100 : i32
    %add3A_1102 = vector.broadcast %mul3A_1101 : i32 to vector<16xi32>
    %add3A_1103 = arith.addi %get3A_1099, %add3A_1102 : vector<16xi32>
    %swap3A_1104 = arith.constant 48 : index
    %swap3A_1105 = tpu.vector_load %arg12[%swap3A_1104] {strides = array<i32>} : memref<120xi32, #tpu.memory_space<vmem>>, vector<16xi32>,
    %swap3A_1106 = vector.shape_cast %swap3A_1105 : vector<16xi32> to vector<16xi32>
    %swap3A_1107 = vector.shape_cast %add3A_1103 : vector<16xi32> to vector<16xi32>
    tpu.vector_store %arg12[%swap3A_1104], %swap3A_1107 {strides = array<i32>} : memref<120xi32, #tpu.memory_space<vmem>>, vector<16xi32>,
    %get3A_1108 = arith.constant 64 : index
    %get3A_1109 = tpu.vector_load %arg9[%get3A_1108] {strides = array<i32>} : memref<120xi32, #tpu.memory_space<vmem>>, vector<16xi32>,
    %get3A_1110 = vector.shape_cast %get3A_1109 : vector<16xi32> to vector<16xi32>
    %mul3A_1111 = arith.constant 64 : i32
    %mul3A_1112 = arith.muli %arg1, %mul3A_1111 : i32
    %add3A_1113 = vector.broadcast %mul3A_1112 : i32 to vector<16xi32>
    %add3A_1114 = arith.addi %get3A_1110, %add3A_1113 : vector<16xi32>
    %swap3A_1115 = arith.constant 64 : index
    %swap3A_1116 = tpu.vector_load %arg12[%swap3A_1115] {strides = array<i32>} : memref<120xi32, #tpu.memory_space<vmem>>, vector<16xi32>,
    %swap3A_1117 = vector.shape_cast %swap3A_1116 : vector<16xi32> to vector<16xi32>
    %swap3A_1118 = vector.shape_cast %add3A_1114 : vector<16xi32> to vector<16xi32>
    tpu.vector_store %arg12[%swap3A_1115], %swap3A_1118 {strides = array<i32>} : memref<120xi32, #tpu.memory_space<vmem>>, vector<16xi32>,
    %get3A_1119 = arith.constant 80 : index
    %get3A_1120 = tpu.vector_load %arg9[%get3A_1119] {strides = array<i32>} : memref<120xi32, #tpu.memory_space<vmem>>, vector<16xi32>,
    %get3A_1121 = vector.shape_cast %get3A_1120 : vector<16xi32> to vector<16xi32>
    %mul3A_1122 = arith.constant 64 : i32
    %mul3A_1123 = arith.muli %arg1, %mul3A_1122 : i32
    %add3A_1124 = vector.broadcast %mul3A_1123 : i32 to vector<16xi32>
    %add3A_1125 = arith.addi %get3A_1121, %add3A_1124 : vector<16xi32>
    %swap3A_1126 = arith.constant 80 : index
    %swap3A_1127 = tpu.vector_load %arg12[%swap3A_1126] {strides = array<i32>} : memref<120xi32, #tpu.memory_space<vmem>>, vector<16xi32>,
    %swap3A_1128 = vector.shape_cast %swap3A_1127 : vector<16xi32> to vector<16xi32>
    %swap3A_1129 = vector.shape_cast %add3A_1125 : vector<16xi32> to vector<16xi32>
    tpu.vector_store %arg12[%swap3A_1126], %swap3A_1129 {strides = array<i32>} : memref<120xi32, #tpu.memory_space<vmem>>, vector<16xi32>,
    %get3A_1130 = arith.constant 96 : index
    %get3A_1131 = tpu.vector_load %arg9[%get3A_1130] {strides = array<i32>} : memref<120xi32, #tpu.memory_space<vmem>>, vector<16xi32>,
    %get3A_1132 = vector.shape_cast %get3A_1131 : vector<16xi32> to vector<16xi32>
    %mul3A_1133 = arith.constant 64 : i32
    %mul3A_1134 = arith.muli %arg1, %mul3A_1133 : i32
    %add3A_1135 = vector.broadcast %mul3A_1134 : i32 to vector<16xi32>
    %add3A_1136 = arith.addi %get3A_1132, %add3A_1135 : vector<16xi32>
    %swap3A_1137 = arith.constant 96 : index
    %swap3A_1138 = tpu.vector_load %arg12[%swap3A_1137] {strides = array<i32>} : memref<120xi32, #tpu.memory_space<vmem>>, vector<16xi32>,
    %swap3A_1139 = vector.shape_cast %swap3A_1138 : vector<16xi32> to vector<16xi32>
    %swap3A_1140 = vector.shape_cast %add3A_1136 : vector<16xi32> to vector<16xi32>
    tpu.vector_store %arg12[%swap3A_1137], %swap3A_1140 {strides = array<i32>} : memref<120xi32, #tpu.memory_space<vmem>>, vector<16xi32>,
    %get3A_1141 = arith.constant 104 : index
    %get3A_1142 = tpu.vector_load %arg9[%get3A_1141] {strides = array<i32>} : memref<120xi32, #tpu.memory_space<vmem>>, vector<16xi32>,
    %get3A_1143 = vector.shape_cast %get3A_1142 : vector<16xi32> to vector<16xi32>
    %mul3A_1144 = arith.constant 64 : i32
    %mul3A_1145 = arith.muli %arg1, %mul3A_1144 : i32
    %add3A_1146 = vector.broadcast %mul3A_1145 : i32 to vector<16xi32>
    %add3A_1147 = arith.addi %get3A_1143, %add3A_1146 : vector<16xi32>
    %swap3A_1148 = arith.constant 104 : index
    %swap3A_1149 = tpu.vector_load %arg12[%swap3A_1148] {strides = array<i32>} : memref<120xi32, #tpu.memory_space<vmem>>, vector<16xi32>,
    %swap3A_1150 = vector.shape_cast %swap3A_1149 : vector<16xi32> to vector<16xi32>
    %swap3A_1151 = vector.shape_cast %add3A_1147 : vector<16xi32> to vector<16xi32>
    tpu.vector_store %arg12[%swap3A_1148], %swap3A_1151 {strides = array<i32>} : memref<120xi32, #tpu.memory_space<vmem>>, vector<16xi32>,
    "tpu.region"() ({
      %run_scoped3A = tpu.sem_alloc : memref<!tpu.dma_semaphore, #tpu.memory_space<semaphore_mem>>
      %dma_start3A_1464 = arith.constant 0 : i32
      %dma_start3A_1465 = arith.constant 0 : i32
      %dma_start3A_1466 = tpu.memref_slice %arg25[%dma_start3A_1464, %dma_start3A_1465] : memref<1024x128xf32, #tpu.memory_space<vmem_shared>> -> memref<1024x128xf32, #tpu.memory_space<vmem_shared>>
      tpu.enqueue_indirect_dma source(%arg16 : memref<120x128xf32, #tpu.memory_space<vmem>>) target(%dma_start3A_1466 : memref<1024x128xf32, #tpu.memory_space<vmem_shared>>) offsets(%arg12 : memref<120xi32, #tpu.memory_space<vmem>>) semaphore(%run_scoped3A : memref<!tpu.dma_semaphore, #tpu.memory_space<semaphore_mem>>) {add = true}
      %dma_wait3A_1467 = arith.constant 0 : i32
      %dma_wait3A_1468 = arith.constant 0 : i32
      %dma_wait3A_1469 = tpu.memref_slice %arg25[%dma_wait3A_1467, %dma_wait3A_1468] : memref<1024x128xf32, #tpu.memory_space<vmem_shared>> -> memref<1024x128xf32, #tpu.memory_space<vmem_shared>>
      tpu.wait_indirect_dma semaphore(%run_scoped3A : memref<!tpu.dma_semaphore, #tpu.memory_space<semaphore_mem>>) src(%arg16 : memref<120x128xf32, #tpu.memory_space<vmem>>) dst(%dma_wait3A_1469 : memref<1024x128xf32, #tpu.memory_space<vmem_shared>>)
      tpu.yield
    }) : () -> ()
    "tpu.region"() ({
      %run_scoped3A = tpu.sem_alloc : memref<!tpu.dma_semaphore, #tpu.memory_space<semaphore_mem>>
      %dma_start3A_1464 = arith.constant 0 : i32
      %dma_start3A_1465 = tpu.memref_slice %arg26[%dma_start3A_1464] : memref<1024xf32, #tpu.memory_space<vmem_shared>> -> memref<1024xf32, #tpu.memory_space<vmem_shared>>
      tpu.enqueue_indirect_dma source(%arg15 : memref<120xf32, #tpu.memory_space<vmem>>) target(%dma_start3A_1465 : memref<1024xf32, #tpu.memory_space<vmem_shared>>) offsets(%arg12 : memref<120xi32, #tpu.memory_space<vmem>>) semaphore(%run_scoped3A : memref<!tpu.dma_semaphore, #tpu.memory_space<semaphore_mem>>) {add = true}
      %dma_wait3A_1466 = arith.constant 0 : i32
      %dma_wait3A_1467 = tpu.memref_slice %arg26[%dma_wait3A_1466] : memref<1024xf32, #tpu.memory_space<vmem_shared>> -> memref<1024xf32, #tpu.memory_space<vmem_shared>>
      tpu.wait_indirect_dma semaphore(%run_scoped3A : memref<!tpu.dma_semaphore, #tpu.memory_space<semaphore_mem>>) src(%arg15 : memref<120xf32, #tpu.memory_space<vmem>>) dst(%dma_wait3A_1467 : memref<1024xf32, #tpu.memory_space<vmem_shared>>)
      tpu.yield
    }) : () -> ()
    %dma_start3A_1152 = arith.constant 1440 : i32
    %dma_start3A_1153 = tpu.memref_slice %arg8[%dma_start3A_1152] : memref<1560xi32, #tpu.memory_space<vmem>> -> memref<120xi32, #tpu.memory_space<vmem>>
    %dma_start3A_1154 = arith.constant 0 : i32
    %dma_start3A_1155 = tpu.memref_slice %arg3[%dma_start3A_1154] : memref<100000xi32, #tpu.memory_space<hbm>> -> memref<100000xi32, #tpu.memory_space<hbm>>
    tpu.enqueue_indirect_dma source(%dma_start3A_1155 : memref<100000xi32, #tpu.memory_space<hbm>>) target(%arg9 : memref<120xi32, #tpu.memory_space<vmem>>) offsets(%dma_start3A_1153 : memref<120xi32, #tpu.memory_space<vmem>>) semaphore(%arg27 : memref<!tpu.dma_semaphore, #tpu.memory_space<semaphore_mem>>)
    %dma_start3A_1156 = arith.constant 1440 : i32
    %dma_start3A_1157 = tpu.memref_slice %arg8[%dma_start3A_1156] : memref<1560xi32, #tpu.memory_space<vmem>> -> memref<120xi32, #tpu.memory_space<vmem>>
    %dma_start3A_1158 = arith.constant 0 : i32
    %dma_start3A_1159 = arith.constant 0 : i32
    %dma_start3A_1160 = tpu.memref_slice %arg4[%dma_start3A_1158, %dma_start3A_1159] : memref<100000x128xf32, #tpu.memory_space<hbm>> -> memref<100000x128xf32, #tpu.memory_space<hbm>>
    tpu.enqueue_indirect_dma source(%dma_start3A_1160 : memref<100000x128xf32, #tpu.memory_space<hbm>>) target(%arg16 : memref<120x128xf32, #tpu.memory_space<vmem>>) offsets(%dma_start3A_1157 : memref<120xi32, #tpu.memory_space<vmem>>) semaphore(%arg30 : memref<!tpu.dma_semaphore, #tpu.memory_space<semaphore_mem>>)
    %dma_wait3A_1161 = arith.constant 1200 : i32
    %dma_wait3A_1162 = tpu.memref_slice %arg8[%dma_wait3A_1161] : memref<1560xi32, #tpu.memory_space<vmem>> -> memref<120xi32, #tpu.memory_space<vmem>>
    %dma_wait3A_1163 = arith.constant 0 : i32
    %dma_wait3A_1164 = tpu.memref_slice %arg3[%dma_wait3A_1163] : memref<100000xi32, #tpu.memory_space<hbm>> -> memref<100000xi32, #tpu.memory_space<hbm>>
    tpu.wait_indirect_dma semaphore(%arg28 : memref<!tpu.dma_semaphore, #tpu.memory_space<semaphore_mem>>) src(%dma_wait3A_1164 : memref<100000xi32, #tpu.memory_space<hbm>>) dst(%arg10 : memref<120xi32, #tpu.memory_space<vmem>>)
    %dma_wait3A_1165 = arith.constant 1200 : i32
    %dma_wait3A_1166 = tpu.memref_slice %arg8[%dma_wait3A_1165] : memref<1560xi32, #tpu.memory_space<vmem>> -> memref<120xi32, #tpu.memory_space<vmem>>
    %dma_wait3A_1167 = arith.constant 0 : i32
    %dma_wait3A_1168 = arith.constant 0 : i32
    %dma_wait3A_1169 = tpu.memref_slice %arg4[%dma_wait3A_1167, %dma_wait3A_1168] : memref<100000x128xf32, #tpu.memory_space<hbm>> -> memref<100000x128xf32, #tpu.memory_space<hbm>>
    tpu.wait_indirect_dma semaphore(%arg31 : memref<!tpu.dma_semaphore, #tpu.memory_space<semaphore_mem>>) src(%dma_wait3A_1169 : memref<100000x128xf32, #tpu.memory_space<hbm>>) dst(%arg17 : memref<120x128xf32, #tpu.memory_space<vmem>>)
    %get3A_1170 = arith.constant 0 : index
    %get3A_1171 = tpu.vector_load %arg10[%get3A_1170] {strides = array<i32>} : memref<120xi32, #tpu.memory_space<vmem>>, vector<16xi32>,
    %get3A_1172 = vector.shape_cast %get3A_1171 : vector<16xi32> to vector<16xi32>
    %mul3A_1173 = arith.constant 64 : i32
    %mul3A_1174 = arith.muli %arg1, %mul3A_1173 : i32
    %add3A_1175 = vector.broadcast %mul3A_1174 : i32 to vector<16xi32>
    %add3A_1176 = arith.addi %get3A_1172, %add3A_1175 : vector<16xi32>
    %swap3A_1177 = arith.constant 0 : index
    %swap3A_1178 = tpu.vector_load %arg13[%swap3A_1177] {strides = array<i32>} : memref<120xi32, #tpu.memory_space<vmem>>, vector<16xi32>,
    %swap3A_1179 = vector.shape_cast %swap3A_1178 : vector<16xi32> to vector<16xi32>
    %swap3A_1180 = vector.shape_cast %add3A_1176 : vector<16xi32> to vector<16xi32>
    tpu.vector_store %arg13[%swap3A_1177], %swap3A_1180 {strides = array<i32>} : memref<120xi32, #tpu.memory_space<vmem>>, vector<16xi32>,
    %get3A_1181 = arith.constant 16 : index
    %get3A_1182 = tpu.vector_load %arg10[%get3A_1181] {strides = array<i32>} : memref<120xi32, #tpu.memory_space<vmem>>, vector<16xi32>,
    %get3A_1183 = vector.shape_cast %get3A_1182 : vector<16xi32> to vector<16xi32>
    %mul3A_1184 = arith.constant 64 : i32
    %mul3A_1185 = arith.muli %arg1, %mul3A_1184 : i32
    %add3A_1186 = vector.broadcast %mul3A_1185 : i32 to vector<16xi32>
    %add3A_1187 = arith.addi %get3A_1183, %add3A_1186 : vector<16xi32>
    %swap3A_1188 = arith.constant 16 : index
    %swap3A_1189 = tpu.vector_load %arg13[%swap3A_1188] {strides = array<i32>} : memref<120xi32, #tpu.memory_space<vmem>>, vector<16xi32>,
    %swap3A_1190 = vector.shape_cast %swap3A_1189 : vector<16xi32> to vector<16xi32>
    %swap3A_1191 = vector.shape_cast %add3A_1187 : vector<16xi32> to vector<16xi32>
    tpu.vector_store %arg13[%swap3A_1188], %swap3A_1191 {strides = array<i32>} : memref<120xi32, #tpu.memory_space<vmem>>, vector<16xi32>,
    %get3A_1192 = arith.constant 32 : index
    %get3A_1193 = tpu.vector_load %arg10[%get3A_1192] {strides = array<i32>} : memref<120xi32, #tpu.memory_space<vmem>>, vector<16xi32>,
    %get3A_1194 = vector.shape_cast %get3A_1193 : vector<16xi32> to vector<16xi32>
    %mul3A_1195 = arith.constant 64 : i32
    %mul3A_1196 = arith.muli %arg1, %mul3A_1195 : i32
    %add3A_1197 = vector.broadcast %mul3A_1196 : i32 to vector<16xi32>
    %add3A_1198 = arith.addi %get3A_1194, %add3A_1197 : vector<16xi32>
    %swap3A_1199 = arith.constant 32 : index
    %swap3A_1200 = tpu.vector_load %arg13[%swap3A_1199] {strides = array<i32>} : memref<120xi32, #tpu.memory_space<vmem>>, vector<16xi32>,
    %swap3A_1201 = vector.shape_cast %swap3A_1200 : vector<16xi32> to vector<16xi32>
    %swap3A_1202 = vector.shape_cast %add3A_1198 : vector<16xi32> to vector<16xi32>
    tpu.vector_store %arg13[%swap3A_1199], %swap3A_1202 {strides = array<i32>} : memref<120xi32, #tpu.memory_space<vmem>>, vector<16xi32>,
    %get3A_1203 = arith.constant 48 : index
    %get3A_1204 = tpu.vector_load %arg10[%get3A_1203] {strides = array<i32>} : memref<120xi32, #tpu.memory_space<vmem>>, vector<16xi32>,
    %get3A_1205 = vector.shape_cast %get3A_1204 : vector<16xi32> to vector<16xi32>
    %mul3A_1206 = arith.constant 64 : i32
    %mul3A_1207 = arith.muli %arg1, %mul3A_1206 : i32
    %add3A_1208 = vector.broadcast %mul3A_1207 : i32 to vector<16xi32>
    %add3A_1209 = arith.addi %get3A_1205, %add3A_1208 : vector<16xi32>
    %swap3A_1210 = arith.constant 48 : index
    %swap3A_1211 = tpu.vector_load %arg13[%swap3A_1210] {strides = array<i32>} : memref<120xi32, #tpu.memory_space<vmem>>, vector<16xi32>,
    %swap3A_1212 = vector.shape_cast %swap3A_1211 : vector<16xi32> to vector<16xi32>
    %swap3A_1213 = vector.shape_cast %add3A_1209 : vector<16xi32> to vector<16xi32>
    tpu.vector_store %arg13[%swap3A_1210], %swap3A_1213 {strides = array<i32>} : memref<120xi32, #tpu.memory_space<vmem>>, vector<16xi32>,
    %get3A_1214 = arith.constant 64 : index
    %get3A_1215 = tpu.vector_load %arg10[%get3A_1214] {strides = array<i32>} : memref<120xi32, #tpu.memory_space<vmem>>, vector<16xi32>,
    %get3A_1216 = vector.shape_cast %get3A_1215 : vector<16xi32> to vector<16xi32>
    %mul3A_1217 = arith.constant 64 : i32
    %mul3A_1218 = arith.muli %arg1, %mul3A_1217 : i32
    %add3A_1219 = vector.broadcast %mul3A_1218 : i32 to vector<16xi32>
    %add3A_1220 = arith.addi %get3A_1216, %add3A_1219 : vector<16xi32>
    %swap3A_1221 = arith.constant 64 : index
    %swap3A_1222 = tpu.vector_load %arg13[%swap3A_1221] {strides = array<i32>} : memref<120xi32, #tpu.memory_space<vmem>>, vector<16xi32>,
    %swap3A_1223 = vector.shape_cast %swap3A_1222 : vector<16xi32> to vector<16xi32>
    %swap3A_1224 = vector.shape_cast %add3A_1220 : vector<16xi32> to vector<16xi32>
    tpu.vector_store %arg13[%swap3A_1221], %swap3A_1224 {strides = array<i32>} : memref<120xi32, #tpu.memory_space<vmem>>, vector<16xi32>,
    %get3A_1225 = arith.constant 80 : index
    %get3A_1226 = tpu.vector_load %arg10[%get3A_1225] {strides = array<i32>} : memref<120xi32, #tpu.memory_space<vmem>>, vector<16xi32>,
    %get3A_1227 = vector.shape_cast %get3A_1226 : vector<16xi32> to vector<16xi32>
    %mul3A_1228 = arith.constant 64 : i32
    %mul3A_1229 = arith.muli %arg1, %mul3A_1228 : i32
    %add3A_1230 = vector.broadcast %mul3A_1229 : i32 to vector<16xi32>
    %add3A_1231 = arith.addi %get3A_1227, %add3A_1230 : vector<16xi32>
    %swap3A_1232 = arith.constant 80 : index
    %swap3A_1233 = tpu.vector_load %arg13[%swap3A_1232] {strides = array<i32>} : memref<120xi32, #tpu.memory_space<vmem>>, vector<16xi32>,
    %swap3A_1234 = vector.shape_cast %swap3A_1233 : vector<16xi32> to vector<16xi32>
    %swap3A_1235 = vector.shape_cast %add3A_1231 : vector<16xi32> to vector<16xi32>
    tpu.vector_store %arg13[%swap3A_1232], %swap3A_1235 {strides = array<i32>} : memref<120xi32, #tpu.memory_space<vmem>>, vector<16xi32>,
    %get3A_1236 = arith.constant 96 : index
    %get3A_1237 = tpu.vector_load %arg10[%get3A_1236] {strides = array<i32>} : memref<120xi32, #tpu.memory_space<vmem>>, vector<16xi32>,
    %get3A_1238 = vector.shape_cast %get3A_1237 : vector<16xi32> to vector<16xi32>
    %mul3A_1239 = arith.constant 64 : i32
    %mul3A_1240 = arith.muli %arg1, %mul3A_1239 : i32
    %add3A_1241 = vector.broadcast %mul3A_1240 : i32 to vector<16xi32>
    %add3A_1242 = arith.addi %get3A_1238, %add3A_1241 : vector<16xi32>
    %swap3A_1243 = arith.constant 96 : index
    %swap3A_1244 = tpu.vector_load %arg13[%swap3A_1243] {strides = array<i32>} : memref<120xi32, #tpu.memory_space<vmem>>, vector<16xi32>,
    %swap3A_1245 = vector.shape_cast %swap3A_1244 : vector<16xi32> to vector<16xi32>
    %swap3A_1246 = vector.shape_cast %add3A_1242 : vector<16xi32> to vector<16xi32>
    tpu.vector_store %arg13[%swap3A_1243], %swap3A_1246 {strides = array<i32>} : memref<120xi32, #tpu.memory_space<vmem>>, vector<16xi32>,
    %get3A_1247 = arith.constant 104 : index
    %get3A_1248 = tpu.vector_load %arg10[%get3A_1247] {strides = array<i32>} : memref<120xi32, #tpu.memory_space<vmem>>, vector<16xi32>,
    %get3A_1249 = vector.shape_cast %get3A_1248 : vector<16xi32> to vector<16xi32>
    %mul3A_1250 = arith.constant 64 : i32
    %mul3A_1251 = arith.muli %arg1, %mul3A_1250 : i32
    %add3A_1252 = vector.broadcast %mul3A_1251 : i32 to vector<16xi32>
    %add3A_1253 = arith.addi %get3A_1249, %add3A_1252 : vector<16xi32>
    %swap3A_1254 = arith.constant 104 : index
    %swap3A_1255 = tpu.vector_load %arg13[%swap3A_1254] {strides = array<i32>} : memref<120xi32, #tpu.memory_space<vmem>>, vector<16xi32>,
    %swap3A_1256 = vector.shape_cast %swap3A_1255 : vector<16xi32> to vector<16xi32>
    %swap3A_1257 = vector.shape_cast %add3A_1253 : vector<16xi32> to vector<16xi32>
    tpu.vector_store %arg13[%swap3A_1254], %swap3A_1257 {strides = array<i32>} : memref<120xi32, #tpu.memory_space<vmem>>, vector<16xi32>,
    "tpu.region"() ({
      %run_scoped3A = tpu.sem_alloc : memref<!tpu.dma_semaphore, #tpu.memory_space<semaphore_mem>>
      %dma_start3A_1464 = arith.constant 0 : i32
      %dma_start3A_1465 = arith.constant 0 : i32
      %dma_start3A_1466 = tpu.memref_slice %arg25[%dma_start3A_1464, %dma_start3A_1465] : memref<1024x128xf32, #tpu.memory_space<vmem_shared>> -> memref<1024x128xf32, #tpu.memory_space<vmem_shared>>
      tpu.enqueue_indirect_dma source(%arg17 : memref<120x128xf32, #tpu.memory_space<vmem>>) target(%dma_start3A_1466 : memref<1024x128xf32, #tpu.memory_space<vmem_shared>>) offsets(%arg13 : memref<120xi32, #tpu.memory_space<vmem>>) semaphore(%run_scoped3A : memref<!tpu.dma_semaphore, #tpu.memory_space<semaphore_mem>>) {add = true}
      %dma_wait3A_1467 = arith.constant 0 : i32
      %dma_wait3A_1468 = arith.constant 0 : i32
      %dma_wait3A_1469 = tpu.memref_slice %arg25[%dma_wait3A_1467, %dma_wait3A_1468] : memref<1024x128xf32, #tpu.memory_space<vmem_shared>> -> memref<1024x128xf32, #tpu.memory_space<vmem_shared>>
      tpu.wait_indirect_dma semaphore(%run_scoped3A : memref<!tpu.dma_semaphore, #tpu.memory_space<semaphore_mem>>) src(%arg17 : memref<120x128xf32, #tpu.memory_space<vmem>>) dst(%dma_wait3A_1469 : memref<1024x128xf32, #tpu.memory_space<vmem_shared>>)
      tpu.yield
    }) : () -> ()
    "tpu.region"() ({
      %run_scoped3A = tpu.sem_alloc : memref<!tpu.dma_semaphore, #tpu.memory_space<semaphore_mem>>
      %dma_start3A_1464 = arith.constant 0 : i32
      %dma_start3A_1465 = tpu.memref_slice %arg26[%dma_start3A_1464] : memref<1024xf32, #tpu.memory_space<vmem_shared>> -> memref<1024xf32, #tpu.memory_space<vmem_shared>>
      tpu.enqueue_indirect_dma source(%arg15 : memref<120xf32, #tpu.memory_space<vmem>>) target(%dma_start3A_1465 : memref<1024xf32, #tpu.memory_space<vmem_shared>>) offsets(%arg13 : memref<120xi32, #tpu.memory_space<vmem>>) semaphore(%run_scoped3A : memref<!tpu.dma_semaphore, #tpu.memory_space<semaphore_mem>>) {add = true}
      %dma_wait3A_1466 = arith.constant 0 : i32
      %dma_wait3A_1467 = tpu.memref_slice %arg26[%dma_wait3A_1466] : memref<1024xf32, #tpu.memory_space<vmem_shared>> -> memref<1024xf32, #tpu.memory_space<vmem_shared>>
      tpu.wait_indirect_dma semaphore(%run_scoped3A : memref<!tpu.dma_semaphore, #tpu.memory_space<semaphore_mem>>) src(%arg15 : memref<120xf32, #tpu.memory_space<vmem>>) dst(%dma_wait3A_1467 : memref<1024xf32, #tpu.memory_space<vmem_shared>>)
      tpu.yield
    }) : () -> ()
    %dma_wait3A_1258 = arith.constant 1320 : i32
    %dma_wait3A_1259 = tpu.memref_slice %arg8[%dma_wait3A_1258] : memref<1560xi32, #tpu.memory_space<vmem>> -> memref<120xi32, #tpu.memory_space<vmem>>
    %dma_wait3A_1260 = arith.constant 0 : i32
    %dma_wait3A_1261 = tpu.memref_slice %arg3[%dma_wait3A_1260] : memref<100000xi32, #tpu.memory_space<hbm>> -> memref<100000xi32, #tpu.memory_space<hbm>>
    tpu.wait_indirect_dma semaphore(%arg29 : memref<!tpu.dma_semaphore, #tpu.memory_space<semaphore_mem>>) src(%dma_wait3A_1261 : memref<100000xi32, #tpu.memory_space<hbm>>) dst(%arg11 : memref<120xi32, #tpu.memory_space<vmem>>)
    %dma_wait3A_1262 = arith.constant 1320 : i32
    %dma_wait3A_1263 = tpu.memref_slice %arg8[%dma_wait3A_1262] : memref<1560xi32, #tpu.memory_space<vmem>> -> memref<120xi32, #tpu.memory_space<vmem>>
    %dma_wait3A_1264 = arith.constant 0 : i32
    %dma_wait3A_1265 = arith.constant 0 : i32
    %dma_wait3A_1266 = tpu.memref_slice %arg4[%dma_wait3A_1264, %dma_wait3A_1265] : memref<100000x128xf32, #tpu.memory_space<hbm>> -> memref<100000x128xf32, #tpu.memory_space<hbm>>
    tpu.wait_indirect_dma semaphore(%arg32 : memref<!tpu.dma_semaphore, #tpu.memory_space<semaphore_mem>>) src(%dma_wait3A_1266 : memref<100000x128xf32, #tpu.memory_space<hbm>>) dst(%arg18 : memref<120x128xf32, #tpu.memory_space<vmem>>)
    %get3A_1267 = arith.constant 0 : index
    %get3A_1268 = tpu.vector_load %arg11[%get3A_1267] {strides = array<i32>} : memref<120xi32, #tpu.memory_space<vmem>>, vector<16xi32>,
    %get3A_1269 = vector.shape_cast %get3A_1268 : vector<16xi32> to vector<16xi32>
    %mul3A_1270 = arith.constant 64 : i32
    %mul3A_1271 = arith.muli %arg1, %mul3A_1270 : i32
    %add3A_1272 = vector.broadcast %mul3A_1271 : i32 to vector<16xi32>
    %add3A_1273 = arith.addi %get3A_1269, %add3A_1272 : vector<16xi32>
    %swap3A_1274 = arith.constant 0 : index
    %swap3A_1275 = tpu.vector_load %arg14[%swap3A_1274] {strides = array<i32>} : memref<120xi32, #tpu.memory_space<vmem>>, vector<16xi32>,
    %swap3A_1276 = vector.shape_cast %swap3A_1275 : vector<16xi32> to vector<16xi32>
    %swap3A_1277 = vector.shape_cast %add3A_1273 : vector<16xi32> to vector<16xi32>
    tpu.vector_store %arg14[%swap3A_1274], %swap3A_1277 {strides = array<i32>} : memref<120xi32, #tpu.memory_space<vmem>>, vector<16xi32>,
    %get3A_1278 = arith.constant 16 : index
    %get3A_1279 = tpu.vector_load %arg11[%get3A_1278] {strides = array<i32>} : memref<120xi32, #tpu.memory_space<vmem>>, vector<16xi32>,
    %get3A_1280 = vector.shape_cast %get3A_1279 : vector<16xi32> to vector<16xi32>
    %mul3A_1281 = arith.constant 64 : i32
    %mul3A_1282 = arith.muli %arg1, %mul3A_1281 : i32
    %add3A_1283 = vector.broadcast %mul3A_1282 : i32 to vector<16xi32>
    %add3A_1284 = arith.addi %get3A_1280, %add3A_1283 : vector<16xi32>
    %swap3A_1285 = arith.constant 16 : index
    %swap3A_1286 = tpu.vector_load %arg14[%swap3A_1285] {strides = array<i32>} : memref<120xi32, #tpu.memory_space<vmem>>, vector<16xi32>,
    %swap3A_1287 = vector.shape_cast %swap3A_1286 : vector<16xi32> to vector<16xi32>
    %swap3A_1288 = vector.shape_cast %add3A_1284 : vector<16xi32> to vector<16xi32>
    tpu.vector_store %arg14[%swap3A_1285], %swap3A_1288 {strides = array<i32>} : memref<120xi32, #tpu.memory_space<vmem>>, vector<16xi32>,
    %get3A_1289 = arith.constant 32 : index
    %get3A_1290 = tpu.vector_load %arg11[%get3A_1289] {strides = array<i32>} : memref<120xi32, #tpu.memory_space<vmem>>, vector<16xi32>,
    %get3A_1291 = vector.shape_cast %get3A_1290 : vector<16xi32> to vector<16xi32>
    %mul3A_1292 = arith.constant 64 : i32
    %mul3A_1293 = arith.muli %arg1, %mul3A_1292 : i32
    %add3A_1294 = vector.broadcast %mul3A_1293 : i32 to vector<16xi32>
    %add3A_1295 = arith.addi %get3A_1291, %add3A_1294 : vector<16xi32>
    %swap3A_1296 = arith.constant 32 : index
    %swap3A_1297 = tpu.vector_load %arg14[%swap3A_1296] {strides = array<i32>} : memref<120xi32, #tpu.memory_space<vmem>>, vector<16xi32>,
    %swap3A_1298 = vector.shape_cast %swap3A_1297 : vector<16xi32> to vector<16xi32>
    %swap3A_1299 = vector.shape_cast %add3A_1295 : vector<16xi32> to vector<16xi32>
    tpu.vector_store %arg14[%swap3A_1296], %swap3A_1299 {strides = array<i32>} : memref<120xi32, #tpu.memory_space<vmem>>, vector<16xi32>,
    %get3A_1300 = arith.constant 48 : index
    %get3A_1301 = tpu.vector_load %arg11[%get3A_1300] {strides = array<i32>} : memref<120xi32, #tpu.memory_space<vmem>>, vector<16xi32>,
    %get3A_1302 = vector.shape_cast %get3A_1301 : vector<16xi32> to vector<16xi32>
    %mul3A_1303 = arith.constant 64 : i32
    %mul3A_1304 = arith.muli %arg1, %mul3A_1303 : i32
    %add3A_1305 = vector.broadcast %mul3A_1304 : i32 to vector<16xi32>
    %add3A_1306 = arith.addi %get3A_1302, %add3A_1305 : vector<16xi32>
    %swap3A_1307 = arith.constant 48 : index
    %swap3A_1308 = tpu.vector_load %arg14[%swap3A_1307] {strides = array<i32>} : memref<120xi32, #tpu.memory_space<vmem>>, vector<16xi32>,
    %swap3A_1309 = vector.shape_cast %swap3A_1308 : vector<16xi32> to vector<16xi32>
    %swap3A_1310 = vector.shape_cast %add3A_1306 : vector<16xi32> to vector<16xi32>
    tpu.vector_store %arg14[%swap3A_1307], %swap3A_1310 {strides = array<i32>} : memref<120xi32, #tpu.memory_space<vmem>>, vector<16xi32>,
    %get3A_1311 = arith.constant 64 : index
    %get3A_1312 = tpu.vector_load %arg11[%get3A_1311] {strides = array<i32>} : memref<120xi32, #tpu.memory_space<vmem>>, vector<16xi32>,
    %get3A_1313 = vector.shape_cast %get3A_1312 : vector<16xi32> to vector<16xi32>
    %mul3A_1314 = arith.constant 64 : i32
    %mul3A_1315 = arith.muli %arg1, %mul3A_1314 : i32
    %add3A_1316 = vector.broadcast %mul3A_1315 : i32 to vector<16xi32>
    %add3A_1317 = arith.addi %get3A_1313, %add3A_1316 : vector<16xi32>
    %swap3A_1318 = arith.constant 64 : index
    %swap3A_1319 = tpu.vector_load %arg14[%swap3A_1318] {strides = array<i32>} : memref<120xi32, #tpu.memory_space<vmem>>, vector<16xi32>,
    %swap3A_1320 = vector.shape_cast %swap3A_1319 : vector<16xi32> to vector<16xi32>
    %swap3A_1321 = vector.shape_cast %add3A_1317 : vector<16xi32> to vector<16xi32>
    tpu.vector_store %arg14[%swap3A_1318], %swap3A_1321 {strides = array<i32>} : memref<120xi32, #tpu.memory_space<vmem>>, vector<16xi32>,
    %get3A_1322 = arith.constant 80 : index
    %get3A_1323 = tpu.vector_load %arg11[%get3A_1322] {strides = array<i32>} : memref<120xi32, #tpu.memory_space<vmem>>, vector<16xi32>,
    %get3A_1324 = vector.shape_cast %get3A_1323 : vector<16xi32> to vector<16xi32>
    %mul3A_1325 = arith.constant 64 : i32
    %mul3A_1326 = arith.muli %arg1, %mul3A_1325 : i32
    %add3A_1327 = vector.broadcast %mul3A_1326 : i32 to vector<16xi32>
    %add3A_1328 = arith.addi %get3A_1324, %add3A_1327 : vector<16xi32>
    %swap3A_1329 = arith.constant 80 : index
    %swap3A_1330 = tpu.vector_load %arg14[%swap3A_1329] {strides = array<i32>} : memref<120xi32, #tpu.memory_space<vmem>>, vector<16xi32>,
    %swap3A_1331 = vector.shape_cast %swap3A_1330 : vector<16xi32> to vector<16xi32>
    %swap3A_1332 = vector.shape_cast %add3A_1328 : vector<16xi32> to vector<16xi32>
    tpu.vector_store %arg14[%swap3A_1329], %swap3A_1332 {strides = array<i32>} : memref<120xi32, #tpu.memory_space<vmem>>, vector<16xi32>,
    %get3A_1333 = arith.constant 96 : index
    %get3A_1334 = tpu.vector_load %arg11[%get3A_1333] {strides = array<i32>} : memref<120xi32, #tpu.memory_space<vmem>>, vector<16xi32>,
    %get3A_1335 = vector.shape_cast %get3A_1334 : vector<16xi32> to vector<16xi32>
    %mul3A_1336 = arith.constant 64 : i32
    %mul3A_1337 = arith.muli %arg1, %mul3A_1336 : i32
    %add3A_1338 = vector.broadcast %mul3A_1337 : i32 to vector<16xi32>
    %add3A_1339 = arith.addi %get3A_1335, %add3A_1338 : vector<16xi32>
    %swap3A_1340 = arith.constant 96 : index
    %swap3A_1341 = tpu.vector_load %arg14[%swap3A_1340] {strides = array<i32>} : memref<120xi32, #tpu.memory_space<vmem>>, vector<16xi32>,
    %swap3A_1342 = vector.shape_cast %swap3A_1341 : vector<16xi32> to vector<16xi32>
    %swap3A_1343 = vector.shape_cast %add3A_1339 : vector<16xi32> to vector<16xi32>
    tpu.vector_store %arg14[%swap3A_1340], %swap3A_1343 {strides = array<i32>} : memref<120xi32, #tpu.memory_space<vmem>>, vector<16xi32>,
    %get3A_1344 = arith.constant 104 : index
    %get3A_1345 = tpu.vector_load %arg11[%get3A_1344] {strides = array<i32>} : memref<120xi32, #tpu.memory_space<vmem>>, vector<16xi32>,
    %get3A_1346 = vector.shape_cast %get3A_1345 : vector<16xi32> to vector<16xi32>
    %mul3A_1347 = arith.constant 64 : i32
    %mul3A_1348 = arith.muli %arg1, %mul3A_1347 : i32
    %add3A_1349 = vector.broadcast %mul3A_1348 : i32 to vector<16xi32>
    %add3A_1350 = arith.addi %get3A_1346, %add3A_1349 : vector<16xi32>
    %swap3A_1351 = arith.constant 104 : index
    %swap3A_1352 = tpu.vector_load %arg14[%swap3A_1351] {strides = array<i32>} : memref<120xi32, #tpu.memory_space<vmem>>, vector<16xi32>,
    %swap3A_1353 = vector.shape_cast %swap3A_1352 : vector<16xi32> to vector<16xi32>
    %swap3A_1354 = vector.shape_cast %add3A_1350 : vector<16xi32> to vector<16xi32>
    tpu.vector_store %arg14[%swap3A_1351], %swap3A_1354 {strides = array<i32>} : memref<120xi32, #tpu.memory_space<vmem>>, vector<16xi32>,
    "tpu.region"() ({
      %run_scoped3A = tpu.sem_alloc : memref<!tpu.dma_semaphore, #tpu.memory_space<semaphore_mem>>
      %dma_start3A_1464 = arith.constant 0 : i32
      %dma_start3A_1465 = arith.constant 0 : i32
      %dma_start3A_1466 = tpu.memref_slice %arg25[%dma_start3A_1464, %dma_start3A_1465] : memref<1024x128xf32, #tpu.memory_space<vmem_shared>> -> memref<1024x128xf32, #tpu.memory_space<vmem_shared>>
      tpu.enqueue_indirect_dma source(%arg18 : memref<120x128xf32, #tpu.memory_space<vmem>>) target(%dma_start3A_1466 : memref<1024x128xf32, #tpu.memory_space<vmem_shared>>) offsets(%arg14 : memref<120xi32, #tpu.memory_space<vmem>>) semaphore(%run_scoped3A : memref<!tpu.dma_semaphore, #tpu.memory_space<semaphore_mem>>) {add = true}
      %dma_wait3A_1467 = arith.constant 0 : i32
      %dma_wait3A_1468 = arith.constant 0 : i32
      %dma_wait3A_1469 = tpu.memref_slice %arg25[%dma_wait3A_1467, %dma_wait3A_1468] : memref<1024x128xf32, #tpu.memory_space<vmem_shared>> -> memref<1024x128xf32, #tpu.memory_space<vmem_shared>>
      tpu.wait_indirect_dma semaphore(%run_scoped3A : memref<!tpu.dma_semaphore, #tpu.memory_space<semaphore_mem>>) src(%arg18 : memref<120x128xf32, #tpu.memory_space<vmem>>) dst(%dma_wait3A_1469 : memref<1024x128xf32, #tpu.memory_space<vmem_shared>>)
      tpu.yield
    }) : () -> ()
    "tpu.region"() ({
      %run_scoped3A = tpu.sem_alloc : memref<!tpu.dma_semaphore, #tpu.memory_space<semaphore_mem>>
      %dma_start3A_1464 = arith.constant 0 : i32
      %dma_start3A_1465 = tpu.memref_slice %arg26[%dma_start3A_1464] : memref<1024xf32, #tpu.memory_space<vmem_shared>> -> memref<1024xf32, #tpu.memory_space<vmem_shared>>
      tpu.enqueue_indirect_dma source(%arg15 : memref<120xf32, #tpu.memory_space<vmem>>) target(%dma_start3A_1465 : memref<1024xf32, #tpu.memory_space<vmem_shared>>) offsets(%arg14 : memref<120xi32, #tpu.memory_space<vmem>>) semaphore(%run_scoped3A : memref<!tpu.dma_semaphore, #tpu.memory_space<semaphore_mem>>) {add = true}
      %dma_wait3A_1466 = arith.constant 0 : i32
      %dma_wait3A_1467 = tpu.memref_slice %arg26[%dma_wait3A_1466] : memref<1024xf32, #tpu.memory_space<vmem_shared>> -> memref<1024xf32, #tpu.memory_space<vmem_shared>>
      tpu.wait_indirect_dma semaphore(%run_scoped3A : memref<!tpu.dma_semaphore, #tpu.memory_space<semaphore_mem>>) src(%arg15 : memref<120xf32, #tpu.memory_space<vmem>>) dst(%dma_wait3A_1467 : memref<1024xf32, #tpu.memory_space<vmem_shared>>)
      tpu.yield
    }) : () -> ()
    %dma_wait3A_1355 = arith.constant 1440 : i32
    %dma_wait3A_1356 = tpu.memref_slice %arg8[%dma_wait3A_1355] : memref<1560xi32, #tpu.memory_space<vmem>> -> memref<120xi32, #tpu.memory_space<vmem>>
    %dma_wait3A_1357 = arith.constant 0 : i32
    %dma_wait3A_1358 = tpu.memref_slice %arg3[%dma_wait3A_1357] : memref<100000xi32, #tpu.memory_space<hbm>> -> memref<100000xi32, #tpu.memory_space<hbm>>
    tpu.wait_indirect_dma semaphore(%arg27 : memref<!tpu.dma_semaphore, #tpu.memory_space<semaphore_mem>>) src(%dma_wait3A_1358 : memref<100000xi32, #tpu.memory_space<hbm>>) dst(%arg9 : memref<120xi32, #tpu.memory_space<vmem>>)
    %dma_wait3A_1359 = arith.constant 1440 : i32
    %dma_wait3A_1360 = tpu.memref_slice %arg8[%dma_wait3A_1359] : memref<1560xi32, #tpu.memory_space<vmem>> -> memref<120xi32, #tpu.memory_space<vmem>>
    %dma_wait3A_1361 = arith.constant 0 : i32
    %dma_wait3A_1362 = arith.constant 0 : i32
    %dma_wait3A_1363 = tpu.memref_slice %arg4[%dma_wait3A_1361, %dma_wait3A_1362] : memref<100000x128xf32, #tpu.memory_space<hbm>> -> memref<100000x128xf32, #tpu.memory_space<hbm>>
    tpu.wait_indirect_dma semaphore(%arg30 : memref<!tpu.dma_semaphore, #tpu.memory_space<semaphore_mem>>) src(%dma_wait3A_1363 : memref<100000x128xf32, #tpu.memory_space<hbm>>) dst(%arg16 : memref<120x128xf32, #tpu.memory_space<vmem>>)
    %get3A_1364 = arith.constant 0 : index
    %get3A_1365 = tpu.vector_load %arg9[%get3A_1364] {strides = array<i32>} : memref<120xi32, #tpu.memory_space<vmem>>, vector<16xi32>,
    %get3A_1366 = vector.shape_cast %get3A_1365 : vector<16xi32> to vector<16xi32>
    %mul3A_1367 = arith.constant 64 : i32
    %mul3A_1368 = arith.muli %arg1, %mul3A_1367 : i32
    %add3A_1369 = vector.broadcast %mul3A_1368 : i32 to vector<16xi32>
    %add3A_1370 = arith.addi %get3A_1366, %add3A_1369 : vector<16xi32>
    %swap3A_1371 = arith.constant 0 : index
    %swap3A_1372 = tpu.vector_load %arg12[%swap3A_1371] {strides = array<i32>} : memref<120xi32, #tpu.memory_space<vmem>>, vector<16xi32>,
    %swap3A_1373 = vector.shape_cast %swap3A_1372 : vector<16xi32> to vector<16xi32>
    %swap3A_1374 = vector.shape_cast %add3A_1370 : vector<16xi32> to vector<16xi32>
    tpu.vector_store %arg12[%swap3A_1371], %swap3A_1374 {strides = array<i32>} : memref<120xi32, #tpu.memory_space<vmem>>, vector<16xi32>,
    %get3A_1375 = arith.constant 16 : index
    %get3A_1376 = tpu.vector_load %arg9[%get3A_1375] {strides = array<i32>} : memref<120xi32, #tpu.memory_space<vmem>>, vector<16xi32>,
    %get3A_1377 = vector.shape_cast %get3A_1376 : vector<16xi32> to vector<16xi32>
    %mul3A_1378 = arith.constant 64 : i32
    %mul3A_1379 = arith.muli %arg1, %mul3A_1378 : i32
    %add3A_1380 = vector.broadcast %mul3A_1379 : i32 to vector<16xi32>
    %add3A_1381 = arith.addi %get3A_1377, %add3A_1380 : vector<16xi32>
    %swap3A_1382 = arith.constant 16 : index
    %swap3A_1383 = tpu.vector_load %arg12[%swap3A_1382] {strides = array<i32>} : memref<120xi32, #tpu.memory_space<vmem>>, vector<16xi32>,
    %swap3A_1384 = vector.shape_cast %swap3A_1383 : vector<16xi32> to vector<16xi32>
    %swap3A_1385 = vector.shape_cast %add3A_1381 : vector<16xi32> to vector<16xi32>
    tpu.vector_store %arg12[%swap3A_1382], %swap3A_1385 {strides = array<i32>} : memref<120xi32, #tpu.memory_space<vmem>>, vector<16xi32>,
    %get3A_1386 = arith.constant 32 : index
    %get3A_1387 = tpu.vector_load %arg9[%get3A_1386] {strides = array<i32>} : memref<120xi32, #tpu.memory_space<vmem>>, vector<16xi32>,
    %get3A_1388 = vector.shape_cast %get3A_1387 : vector<16xi32> to vector<16xi32>
    %mul3A_1389 = arith.constant 64 : i32
    %mul3A_1390 = arith.muli %arg1, %mul3A_1389 : i32
    %add3A_1391 = vector.broadcast %mul3A_1390 : i32 to vector<16xi32>
    %add3A_1392 = arith.addi %get3A_1388, %add3A_1391 : vector<16xi32>
    %swap3A_1393 = arith.constant 32 : index
    %swap3A_1394 = tpu.vector_load %arg12[%swap3A_1393] {strides = array<i32>} : memref<120xi32, #tpu.memory_space<vmem>>, vector<16xi32>,
    %swap3A_1395 = vector.shape_cast %swap3A_1394 : vector<16xi32> to vector<16xi32>
    %swap3A_1396 = vector.shape_cast %add3A_1392 : vector<16xi32> to vector<16xi32>
    tpu.vector_store %arg12[%swap3A_1393], %swap3A_1396 {strides = array<i32>} : memref<120xi32, #tpu.memory_space<vmem>>, vector<16xi32>,
    %get3A_1397 = arith.constant 48 : index
    %get3A_1398 = tpu.vector_load %arg9[%get3A_1397] {strides = array<i32>} : memref<120xi32, #tpu.memory_space<vmem>>, vector<16xi32>,
    %get3A_1399 = vector.shape_cast %get3A_1398 : vector<16xi32> to vector<16xi32>
    %mul3A_1400 = arith.constant 64 : i32
    %mul3A_1401 = arith.muli %arg1, %mul3A_1400 : i32
    %add3A_1402 = vector.broadcast %mul3A_1401 : i32 to vector<16xi32>
    %add3A_1403 = arith.addi %get3A_1399, %add3A_1402 : vector<16xi32>
    %swap3A_1404 = arith.constant 48 : index
    %swap3A_1405 = tpu.vector_load %arg12[%swap3A_1404] {strides = array<i32>} : memref<120xi32, #tpu.memory_space<vmem>>, vector<16xi32>,
    %swap3A_1406 = vector.shape_cast %swap3A_1405 : vector<16xi32> to vector<16xi32>
    %swap3A_1407 = vector.shape_cast %add3A_1403 : vector<16xi32> to vector<16xi32>
    tpu.vector_store %arg12[%swap3A_1404], %swap3A_1407 {strides = array<i32>} : memref<120xi32, #tpu.memory_space<vmem>>, vector<16xi32>,
    %get3A_1408 = arith.constant 64 : index
    %get3A_1409 = tpu.vector_load %arg9[%get3A_1408] {strides = array<i32>} : memref<120xi32, #tpu.memory_space<vmem>>, vector<16xi32>,
    %get3A_1410 = vector.shape_cast %get3A_1409 : vector<16xi32> to vector<16xi32>
    %mul3A_1411 = arith.constant 64 : i32
    %mul3A_1412 = arith.muli %arg1, %mul3A_1411 : i32
    %add3A_1413 = vector.broadcast %mul3A_1412 : i32 to vector<16xi32>
    %add3A_1414 = arith.addi %get3A_1410, %add3A_1413 : vector<16xi32>
    %swap3A_1415 = arith.constant 64 : index
    %swap3A_1416 = tpu.vector_load %arg12[%swap3A_1415] {strides = array<i32>} : memref<120xi32, #tpu.memory_space<vmem>>, vector<16xi32>,
    %swap3A_1417 = vector.shape_cast %swap3A_1416 : vector<16xi32> to vector<16xi32>
    %swap3A_1418 = vector.shape_cast %add3A_1414 : vector<16xi32> to vector<16xi32>
    tpu.vector_store %arg12[%swap3A_1415], %swap3A_1418 {strides = array<i32>} : memref<120xi32, #tpu.memory_space<vmem>>, vector<16xi32>,
    %get3A_1419 = arith.constant 80 : index
    %get3A_1420 = tpu.vector_load %arg9[%get3A_1419] {strides = array<i32>} : memref<120xi32, #tpu.memory_space<vmem>>, vector<16xi32>,
    %get3A_1421 = vector.shape_cast %get3A_1420 : vector<16xi32> to vector<16xi32>
    %mul3A_1422 = arith.constant 64 : i32
    %mul3A_1423 = arith.muli %arg1, %mul3A_1422 : i32
    %add3A_1424 = vector.broadcast %mul3A_1423 : i32 to vector<16xi32>
    %add3A_1425 = arith.addi %get3A_1421, %add3A_1424 : vector<16xi32>
    %swap3A_1426 = arith.constant 80 : index
    %swap3A_1427 = tpu.vector_load %arg12[%swap3A_1426] {strides = array<i32>} : memref<120xi32, #tpu.memory_space<vmem>>, vector<16xi32>,
    %swap3A_1428 = vector.shape_cast %swap3A_1427 : vector<16xi32> to vector<16xi32>
    %swap3A_1429 = vector.shape_cast %add3A_1425 : vector<16xi32> to vector<16xi32>
    tpu.vector_store %arg12[%swap3A_1426], %swap3A_1429 {strides = array<i32>} : memref<120xi32, #tpu.memory_space<vmem>>, vector<16xi32>,
    %get3A_1430 = arith.constant 96 : index
    %get3A_1431 = tpu.vector_load %arg9[%get3A_1430] {strides = array<i32>} : memref<120xi32, #tpu.memory_space<vmem>>, vector<16xi32>,
    %get3A_1432 = vector.shape_cast %get3A_1431 : vector<16xi32> to vector<16xi32>
    %mul3A_1433 = arith.constant 64 : i32
    %mul3A_1434 = arith.muli %arg1, %mul3A_1433 : i32
    %add3A_1435 = vector.broadcast %mul3A_1434 : i32 to vector<16xi32>
    %add3A_1436 = arith.addi %get3A_1432, %add3A_1435 : vector<16xi32>
    %swap3A_1437 = arith.constant 96 : index
    %swap3A_1438 = tpu.vector_load %arg12[%swap3A_1437] {strides = array<i32>} : memref<120xi32, #tpu.memory_space<vmem>>, vector<16xi32>,
    %swap3A_1439 = vector.shape_cast %swap3A_1438 : vector<16xi32> to vector<16xi32>
    %swap3A_1440 = vector.shape_cast %add3A_1436 : vector<16xi32> to vector<16xi32>
    tpu.vector_store %arg12[%swap3A_1437], %swap3A_1440 {strides = array<i32>} : memref<120xi32, #tpu.memory_space<vmem>>, vector<16xi32>,
    %get3A_1441 = arith.constant 104 : index
    %get3A_1442 = tpu.vector_load %arg9[%get3A_1441] {strides = array<i32>} : memref<120xi32, #tpu.memory_space<vmem>>, vector<16xi32>,
    %get3A_1443 = vector.shape_cast %get3A_1442 : vector<16xi32> to vector<16xi32>
    %mul3A_1444 = arith.constant 64 : i32
    %mul3A_1445 = arith.muli %arg1, %mul3A_1444 : i32
    %add3A_1446 = vector.broadcast %mul3A_1445 : i32 to vector<16xi32>
    %add3A_1447 = arith.addi %get3A_1443, %add3A_1446 : vector<16xi32>
    %swap3A_1448 = arith.constant 104 : index
    %swap3A_1449 = tpu.vector_load %arg12[%swap3A_1448] {strides = array<i32>} : memref<120xi32, #tpu.memory_space<vmem>>, vector<16xi32>,
    %swap3A_1450 = vector.shape_cast %swap3A_1449 : vector<16xi32> to vector<16xi32>
    %swap3A_1451 = vector.shape_cast %add3A_1447 : vector<16xi32> to vector<16xi32>
    tpu.vector_store %arg12[%swap3A_1448], %swap3A_1451 {strides = array<i32>} : memref<120xi32, #tpu.memory_space<vmem>>, vector<16xi32>,
    "tpu.region"() ({
      %run_scoped3A = tpu.sem_alloc : memref<!tpu.dma_semaphore, #tpu.memory_space<semaphore_mem>>
      %dma_start3A_1464 = arith.constant 0 : i32
      %dma_start3A_1465 = arith.constant 0 : i32
      %dma_start3A_1466 = tpu.memref_slice %arg25[%dma_start3A_1464, %dma_start3A_1465] : memref<1024x128xf32, #tpu.memory_space<vmem_shared>> -> memref<1024x128xf32, #tpu.memory_space<vmem_shared>>
      tpu.enqueue_indirect_dma source(%arg16 : memref<120x128xf32, #tpu.memory_space<vmem>>) target(%dma_start3A_1466 : memref<1024x128xf32, #tpu.memory_space<vmem_shared>>) offsets(%arg12 : memref<120xi32, #tpu.memory_space<vmem>>) semaphore(%run_scoped3A : memref<!tpu.dma_semaphore, #tpu.memory_space<semaphore_mem>>) {add = true}
      %dma_wait3A_1467 = arith.constant 0 : i32
      %dma_wait3A_1468 = arith.constant 0 : i32
      %dma_wait3A_1469 = tpu.memref_slice %arg25[%dma_wait3A_1467, %dma_wait3A_1468] : memref<1024x128xf32, #tpu.memory_space<vmem_shared>> -> memref<1024x128xf32, #tpu.memory_space<vmem_shared>>
      tpu.wait_indirect_dma semaphore(%run_scoped3A : memref<!tpu.dma_semaphore, #tpu.memory_space<semaphore_mem>>) src(%arg16 : memref<120x128xf32, #tpu.memory_space<vmem>>) dst(%dma_wait3A_1469 : memref<1024x128xf32, #tpu.memory_space<vmem_shared>>)
      tpu.yield
    }) : () -> ()
    "tpu.region"() ({
      %run_scoped3A = tpu.sem_alloc : memref<!tpu.dma_semaphore, #tpu.memory_space<semaphore_mem>>
      %dma_start3A_1464 = arith.constant 0 : i32
      %dma_start3A_1465 = tpu.memref_slice %arg26[%dma_start3A_1464] : memref<1024xf32, #tpu.memory_space<vmem_shared>> -> memref<1024xf32, #tpu.memory_space<vmem_shared>>
      tpu.enqueue_indirect_dma source(%arg15 : memref<120xf32, #tpu.memory_space<vmem>>) target(%dma_start3A_1465 : memref<1024xf32, #tpu.memory_space<vmem_shared>>) offsets(%arg12 : memref<120xi32, #tpu.memory_space<vmem>>) semaphore(%run_scoped3A : memref<!tpu.dma_semaphore, #tpu.memory_space<semaphore_mem>>) {add = true}
      %dma_wait3A_1466 = arith.constant 0 : i32
      %dma_wait3A_1467 = tpu.memref_slice %arg26[%dma_wait3A_1466] : memref<1024xf32, #tpu.memory_space<vmem_shared>> -> memref<1024xf32, #tpu.memory_space<vmem_shared>>
      tpu.wait_indirect_dma semaphore(%run_scoped3A : memref<!tpu.dma_semaphore, #tpu.memory_space<semaphore_mem>>) src(%arg15 : memref<120xf32, #tpu.memory_space<vmem>>) dst(%dma_wait3A_1467 : memref<1024xf32, #tpu.memory_space<vmem_shared>>)
      tpu.yield
    }) : () -> ()
    %eq3A = arith.constant 0 : i32
    %eq3A_1452 = arith.cmpi eq, %arg0, %eq3A : i32
    %eq3A_1453 = arith.constant 0 : i32
    %eq3A_1454 = arith.cmpi eq, %arg1, %eq3A_1453 : i32
    %and3A = arith.andi %eq3A_1452, %eq3A_1454 : i1
    %convert_element_type3A = arith.extui %and3A : i1 to i32
    %cond3A = arith.constant 0 : i32
    %cond3A_1455 = arith.cmpi ne, %convert_element_type3A, %cond3A : i32
    scf.if %cond3A_1455 {
      "tpu.region"() ({
        %run_scoped3A = tpu.sem_alloc : memref<!tpu.dma_semaphore, #tpu.memory_space<semaphore_mem>>
        %dma_start3A_1509 = arith.constant 49920 : i32
        %dma_start3A_1510 = tpu.memref_slice %arg2[%dma_start3A_1509] : memref<50000xi32, #tpu.memory_space<hbm>> -> memref<80xi32, #tpu.memory_space<hbm>>
        %dma_start3A_1511 = arith.constant 49920 : i32
        %dma_start3A_1512 = tpu.memref_slice %arg2[%dma_start3A_1511] : memref<50000xi32, #tpu.memory_space<hbm>> -> memref<80xi32, #tpu.memory_space<hbm>>
        tpu.enqueue_dma source(%dma_start3A_1512 : memref<80xi32, #tpu.memory_space<hbm>>) target(%arg19 : memref<80xi32, #tpu.memory_space<vmem>>) target_semaphore(%run_scoped3A : memref<!tpu.dma_semaphore, #tpu.memory_space<semaphore_mem>>)
        %dma_wait3A_1513 = arith.constant 49920 : i32
        %dma_wait3A_1514 = tpu.memref_slice %arg2[%dma_wait3A_1513] : memref<50000xi32, #tpu.memory_space<hbm>> -> memref<80xi32, #tpu.memory_space<hbm>>
        %dma_wait3A_1515 = arith.constant 49920 : i32
        %dma_wait3A_1516 = tpu.memref_slice %arg2[%dma_wait3A_1515] : memref<50000xi32, #tpu.memory_space<hbm>> -> memref<80xi32, #tpu.memory_space<hbm>>
        tpu.wait_dma2 semaphore(%run_scoped3A : memref<!tpu.dma_semaphore, #tpu.memory_space<semaphore_mem>>) src(%dma_wait3A_1516 : memref<80xi32, #tpu.memory_space<hbm>>) dst(%arg19 : memref<80xi32, #tpu.memory_space<vmem>>)
        tpu.yield
      }) : () -> ()
      %dma_start3A_1464 = arith.constant 0 : i32
      %dma_start3A_1465 = tpu.memref_slice %arg3[%dma_start3A_1464] : memref<100000xi32, #tpu.memory_space<hbm>> -> memref<100000xi32, #tpu.memory_space<hbm>>
      tpu.enqueue_indirect_dma source(%dma_start3A_1465 : memref<100000xi32, #tpu.memory_space<hbm>>) target(%arg20 : memref<80xi32, #tpu.memory_space<vmem>>) offsets(%arg19 : memref<80xi32, #tpu.memory_space<vmem>>) semaphore(%arg33 : memref<!tpu.dma_semaphore, #tpu.memory_space<semaphore_mem>>)
      %dma_start3A_1466 = arith.constant 0 : i32
      %dma_start3A_1467 = arith.constant 0 : i32
      %dma_start3A_1468 = tpu.memref_slice %arg4[%dma_start3A_1466, %dma_start3A_1467] : memref<100000x128xf32, #tpu.memory_space<hbm>> -> memref<100000x128xf32, #tpu.memory_space<hbm>>
      tpu.enqueue_indirect_dma source(%dma_start3A_1468 : memref<100000x128xf32, #tpu.memory_space<hbm>>) target(%arg22 : memref<80x128xf32, #tpu.memory_space<vmem>>) offsets(%arg19 : memref<80xi32, #tpu.memory_space<vmem>>) semaphore(%arg34 : memref<!tpu.dma_semaphore, #tpu.memory_space<semaphore_mem>>)
      %dma_wait3A_1469 = arith.constant 0 : i32
      %dma_wait3A_1470 = tpu.memref_slice %arg3[%dma_wait3A_1469] : memref<100000xi32, #tpu.memory_space<hbm>> -> memref<100000xi32, #tpu.memory_space<hbm>>
      tpu.wait_indirect_dma semaphore(%arg33 : memref<!tpu.dma_semaphore, #tpu.memory_space<semaphore_mem>>) src(%dma_wait3A_1470 : memref<100000xi32, #tpu.memory_space<hbm>>) dst(%arg20 : memref<80xi32, #tpu.memory_space<vmem>>)
      %dma_wait3A_1471 = arith.constant 0 : i32
      %dma_wait3A_1472 = arith.constant 0 : i32
      %dma_wait3A_1473 = tpu.memref_slice %arg4[%dma_wait3A_1471, %dma_wait3A_1472] : memref<100000x128xf32, #tpu.memory_space<hbm>> -> memref<100000x128xf32, #tpu.memory_space<hbm>>
      tpu.wait_indirect_dma semaphore(%arg34 : memref<!tpu.dma_semaphore, #tpu.memory_space<semaphore_mem>>) src(%dma_wait3A_1473 : memref<100000x128xf32, #tpu.memory_space<hbm>>) dst(%arg22 : memref<80x128xf32, #tpu.memory_space<vmem>>)
      %get3A_1474 = arith.constant 0 : index
      %get3A_1475 = tpu.vector_load %arg20[%get3A_1474] {strides = array<i32>} : memref<80xi32, #tpu.memory_space<vmem>>, vector<16xi32>,
      %get3A_1476 = vector.shape_cast %get3A_1475 : vector<16xi32> to vector<16xi32>
      %swap3A_1477 = arith.constant 0 : index
      %swap3A_1478 = tpu.vector_load %arg21[%swap3A_1477] {strides = array<i32>} : memref<80xi32, #tpu.memory_space<vmem>>, vector<16xi32>,
      %swap3A_1479 = vector.shape_cast %swap3A_1478 : vector<16xi32> to vector<16xi32>
      %swap3A_1480 = vector.shape_cast %get3A_1476 : vector<16xi32> to vector<16xi32>
      tpu.vector_store %arg21[%swap3A_1477], %swap3A_1480 {strides = array<i32>} : memref<80xi32, #tpu.memory_space<vmem>>, vector<16xi32>,
      %get3A_1481 = arith.constant 16 : index
      %get3A_1482 = tpu.vector_load %arg20[%get3A_1481] {strides = array<i32>} : memref<80xi32, #tpu.memory_space<vmem>>, vector<16xi32>,
      %get3A_1483 = vector.shape_cast %get3A_1482 : vector<16xi32> to vector<16xi32>
      %swap3A_1484 = arith.constant 16 : index
      %swap3A_1485 = tpu.vector_load %arg21[%swap3A_1484] {strides = array<i32>} : memref<80xi32, #tpu.memory_space<vmem>>, vector<16xi32>,
      %swap3A_1486 = vector.shape_cast %swap3A_1485 : vector<16xi32> to vector<16xi32>
      %swap3A_1487 = vector.shape_cast %get3A_1483 : vector<16xi32> to vector<16xi32>
      tpu.vector_store %arg21[%swap3A_1484], %swap3A_1487 {strides = array<i32>} : memref<80xi32, #tpu.memory_space<vmem>>, vector<16xi32>,
      %get3A_1488 = arith.constant 32 : index
      %get3A_1489 = tpu.vector_load %arg20[%get3A_1488] {strides = array<i32>} : memref<80xi32, #tpu.memory_space<vmem>>, vector<16xi32>,
      %get3A_1490 = vector.shape_cast %get3A_1489 : vector<16xi32> to vector<16xi32>
      %swap3A_1491 = arith.constant 32 : index
      %swap3A_1492 = tpu.vector_load %arg21[%swap3A_1491] {strides = array<i32>} : memref<80xi32, #tpu.memory_space<vmem>>, vector<16xi32>,
      %swap3A_1493 = vector.shape_cast %swap3A_1492 : vector<16xi32> to vector<16xi32>
      %swap3A_1494 = vector.shape_cast %get3A_1490 : vector<16xi32> to vector<16xi32>
      tpu.vector_store %arg21[%swap3A_1491], %swap3A_1494 {strides = array<i32>} : memref<80xi32, #tpu.memory_space<vmem>>, vector<16xi32>,
      %get3A_1495 = arith.constant 48 : index
      %get3A_1496 = tpu.vector_load %arg20[%get3A_1495] {strides = array<i32>} : memref<80xi32, #tpu.memory_space<vmem>>, vector<16xi32>,
      %get3A_1497 = vector.shape_cast %get3A_1496 : vector<16xi32> to vector<16xi32>
      %swap3A_1498 = arith.constant 48 : index
      %swap3A_1499 = tpu.vector_load %arg21[%swap3A_1498] {strides = array<i32>} : memref<80xi32, #tpu.memory_space<vmem>>, vector<16xi32>,
      %swap3A_1500 = vector.shape_cast %swap3A_1499 : vector<16xi32> to vector<16xi32>
      %swap3A_1501 = vector.shape_cast %get3A_1497 : vector<16xi32> to vector<16xi32>
      tpu.vector_store %arg21[%swap3A_1498], %swap3A_1501 {strides = array<i32>} : memref<80xi32, #tpu.memory_space<vmem>>, vector<16xi32>,
      %get3A_1502 = arith.constant 64 : index
      %get3A_1503 = tpu.vector_load %arg20[%get3A_1502] {strides = array<i32>} : memref<80xi32, #tpu.memory_space<vmem>>, vector<16xi32>,
      %get3A_1504 = vector.shape_cast %get3A_1503 : vector<16xi32> to vector<16xi32>
      %swap3A_1505 = arith.constant 64 : index
      %swap3A_1506 = tpu.vector_load %arg21[%swap3A_1505] {strides = array<i32>} : memref<80xi32, #tpu.memory_space<vmem>>, vector<16xi32>,
      %swap3A_1507 = vector.shape_cast %swap3A_1506 : vector<16xi32> to vector<16xi32>
      %swap3A_1508 = vector.shape_cast %get3A_1504 : vector<16xi32> to vector<16xi32>
      tpu.vector_store %arg21[%swap3A_1505], %swap3A_1508 {strides = array<i32>} : memref<80xi32, #tpu.memory_space<vmem>>, vector<16xi32>,
      "tpu.region"() ({
        %run_scoped3A = tpu.sem_alloc : memref<!tpu.dma_semaphore, #tpu.memory_space<semaphore_mem>>
        %dma_start3A_1509 = arith.constant 0 : i32
        %dma_start3A_1510 = arith.constant 0 : i32
        %dma_start3A_1511 = tpu.memref_slice %arg25[%dma_start3A_1509, %dma_start3A_1510] : memref<1024x128xf32, #tpu.memory_space<vmem_shared>> -> memref<1024x128xf32, #tpu.memory_space<vmem_shared>>
        tpu.enqueue_indirect_dma source(%arg22 : memref<80x128xf32, #tpu.memory_space<vmem>>) target(%dma_start3A_1511 : memref<1024x128xf32, #tpu.memory_space<vmem_shared>>) offsets(%arg21 : memref<80xi32, #tpu.memory_space<vmem>>) semaphore(%run_scoped3A : memref<!tpu.dma_semaphore, #tpu.memory_space<semaphore_mem>>) {add = true}
        %dma_wait3A_1512 = arith.constant 0 : i32
        %dma_wait3A_1513 = arith.constant 0 : i32
        %dma_wait3A_1514 = tpu.memref_slice %arg25[%dma_wait3A_1512, %dma_wait3A_1513] : memref<1024x128xf32, #tpu.memory_space<vmem_shared>> -> memref<1024x128xf32, #tpu.memory_space<vmem_shared>>
        tpu.wait_indirect_dma semaphore(%run_scoped3A : memref<!tpu.dma_semaphore, #tpu.memory_space<semaphore_mem>>) src(%arg22 : memref<80x128xf32, #tpu.memory_space<vmem>>) dst(%dma_wait3A_1514 : memref<1024x128xf32, #tpu.memory_space<vmem_shared>>)
        tpu.yield
      }) : () -> ()
      "tpu.region"() ({
        %run_scoped3A = tpu.sem_alloc : memref<!tpu.dma_semaphore, #tpu.memory_space<semaphore_mem>>
        %dma_start3A_1509 = arith.constant 0 : i32
        %dma_start3A_1510 = tpu.memref_slice %arg15[%dma_start3A_1509] : memref<120xf32, #tpu.memory_space<vmem>> -> memref<80xf32, #tpu.memory_space<vmem>>
        %dma_start3A_1511 = arith.constant 0 : i32
        %dma_start3A_1512 = tpu.memref_slice %arg26[%dma_start3A_1511] : memref<1024xf32, #tpu.memory_space<vmem_shared>> -> memref<1024xf32, #tpu.memory_space<vmem_shared>>
        tpu.enqueue_indirect_dma source(%dma_start3A_1510 : memref<80xf32, #tpu.memory_space<vmem>>) target(%dma_start3A_1512 : memref<1024xf32, #tpu.memory_space<vmem_shared>>) offsets(%arg21 : memref<80xi32, #tpu.memory_space<vmem>>) semaphore(%run_scoped3A : memref<!tpu.dma_semaphore, #tpu.memory_space<semaphore_mem>>) {add = true}
        %dma_wait3A_1513 = arith.constant 0 : i32
        %dma_wait3A_1514 = tpu.memref_slice %arg15[%dma_wait3A_1513] : memref<120xf32, #tpu.memory_space<vmem>> -> memref<80xf32, #tpu.memory_space<vmem>>
        %dma_wait3A_1515 = arith.constant 0 : i32
        %dma_wait3A_1516 = tpu.memref_slice %arg26[%dma_wait3A_1515] : memref<1024xf32, #tpu.memory_space<vmem_shared>> -> memref<1024xf32, #tpu.memory_space<vmem_shared>>
        tpu.wait_indirect_dma semaphore(%run_scoped3A : memref<!tpu.dma_semaphore, #tpu.memory_space<semaphore_mem>>) src(%dma_wait3A_1514 : memref<80xf32, #tpu.memory_space<vmem>>) dst(%dma_wait3A_1516 : memref<1024xf32, #tpu.memory_space<vmem_shared>>)
        tpu.yield
      }) : () -> ()
    } else {
    }
    %mul3A_1456 = arith.constant 64 : i32
    %mul3A_1457 = arith.muli %arg1, %mul3A_1456 : i32
    "tpu.region"() ({
      %run_scoped3A = tpu.sem_alloc : memref<!tpu.dma_semaphore, #tpu.memory_space<semaphore_mem>>
      %dma_start3A_1464 = arith.constant 0 : i32
      %dma_start3A_1465 = tpu.memref_slice %arg25[%mul3A_1457, %dma_start3A_1464] : memref<1024x128xf32, #tpu.memory_space<vmem_shared>> -> memref<64x128xf32, #tpu.memory_space<vmem_shared>>
      %dma_start3A_1466 = arith.constant 0 : i32
      %dma_start3A_1467 = tpu.memref_slice %arg25[%mul3A_1457, %dma_start3A_1466] : memref<1024x128xf32, #tpu.memory_space<vmem_shared>> -> memref<64x128xf32, #tpu.memory_space<vmem_shared>>
      tpu.enqueue_dma source(%dma_start3A_1467 : memref<64x128xf32, #tpu.memory_space<vmem_shared>>) target(%arg23 : memref<64x128xf32, #tpu.memory_space<vmem>>) target_semaphore(%run_scoped3A : memref<!tpu.dma_semaphore, #tpu.memory_space<semaphore_mem>>)
      %dma_wait3A_1468 = arith.constant 0 : i32
      %dma_wait3A_1469 = tpu.memref_slice %arg25[%mul3A_1457, %dma_wait3A_1468] : memref<1024x128xf32, #tpu.memory_space<vmem_shared>> -> memref<64x128xf32, #tpu.memory_space<vmem_shared>>
      %dma_wait3A_1470 = arith.constant 0 : i32
      %dma_wait3A_1471 = tpu.memref_slice %arg25[%mul3A_1457, %dma_wait3A_1470] : memref<1024x128xf32, #tpu.memory_space<vmem_shared>> -> memref<64x128xf32, #tpu.memory_space<vmem_shared>>
      tpu.wait_dma2 semaphore(%run_scoped3A : memref<!tpu.dma_semaphore, #tpu.memory_space<semaphore_mem>>) src(%dma_wait3A_1471 : memref<64x128xf32, #tpu.memory_space<vmem_shared>>) dst(%arg23 : memref<64x128xf32, #tpu.memory_space<vmem>>)
      tpu.yield
    }) : () -> ()
    %mul3A_1458 = arith.constant 64 : i32
    %mul3A_1459 = arith.muli %arg1, %mul3A_1458 : i32
    "tpu.region"() ({
      %run_scoped3A = tpu.sem_alloc : memref<!tpu.dma_semaphore, #tpu.memory_space<semaphore_mem>>
      %dma_start3A_1464 = tpu.memref_slice %arg26[%mul3A_1459] : memref<1024xf32, #tpu.memory_space<vmem_shared>> -> memref<64xf32, #tpu.memory_space<vmem_shared>>
      %dma_start3A_1465 = tpu.memref_slice %arg26[%mul3A_1459] : memref<1024xf32, #tpu.memory_space<vmem_shared>> -> memref<64xf32, #tpu.memory_space<vmem_shared>>
      tpu.enqueue_dma source(%dma_start3A_1465 : memref<64xf32, #tpu.memory_space<vmem_shared>>) target(%arg24 : memref<64xf32, #tpu.memory_space<vmem>>) target_semaphore(%run_scoped3A : memref<!tpu.dma_semaphore, #tpu.memory_space<semaphore_mem>>)
      %dma_wait3A_1466 = tpu.memref_slice %arg26[%mul3A_1459] : memref<1024xf32, #tpu.memory_space<vmem_shared>> -> memref<64xf32, #tpu.memory_space<vmem_shared>>
      %dma_wait3A_1467 = tpu.memref_slice %arg26[%mul3A_1459] : memref<1024xf32, #tpu.memory_space<vmem_shared>> -> memref<64xf32, #tpu.memory_space<vmem_shared>>
      tpu.wait_dma2 semaphore(%run_scoped3A : memref<!tpu.dma_semaphore, #tpu.memory_space<semaphore_mem>>) src(%dma_wait3A_1467 : memref<64xf32, #tpu.memory_space<vmem_shared>>) dst(%arg24 : memref<64xf32, #tpu.memory_space<vmem>>)
      tpu.yield
    }) : () -> ()
    %mul3A_1460 = arith.constant 64 : i32
    %mul3A_1461 = arith.muli %add3A, %mul3A_1460 : i32
    "tpu.region"() ({
      %run_scoped3A = tpu.sem_alloc : memref<!tpu.dma_semaphore, #tpu.memory_space<semaphore_mem>>
      %dma_start3A_1464 = arith.constant 0 : i32
      %dma_start3A_1465 = tpu.memref_slice %arg6[%mul3A_1461, %dma_start3A_1464] : memref<2048x128xf32, #tpu.memory_space<hbm>> -> memref<64x128xf32, #tpu.memory_space<hbm>>
      %dma_start3A_1466 = arith.constant 0 : i32
      %dma_start3A_1467 = tpu.memref_slice %arg6[%mul3A_1461, %dma_start3A_1466] : memref<2048x128xf32, #tpu.memory_space<hbm>> -> memref<64x128xf32, #tpu.memory_space<hbm>>
      tpu.enqueue_dma source(%arg23 : memref<64x128xf32, #tpu.memory_space<vmem>>) target(%dma_start3A_1467 : memref<64x128xf32, #tpu.memory_space<hbm>>) target_semaphore(%run_scoped3A : memref<!tpu.dma_semaphore, #tpu.memory_space<semaphore_mem>>)
      %dma_wait3A_1468 = arith.constant 0 : i32
      %dma_wait3A_1469 = tpu.memref_slice %arg6[%mul3A_1461, %dma_wait3A_1468] : memref<2048x128xf32, #tpu.memory_space<hbm>> -> memref<64x128xf32, #tpu.memory_space<hbm>>
      %dma_wait3A_1470 = arith.constant 0 : i32
      %dma_wait3A_1471 = tpu.memref_slice %arg6[%mul3A_1461, %dma_wait3A_1470] : memref<2048x128xf32, #tpu.memory_space<hbm>> -> memref<64x128xf32, #tpu.memory_space<hbm>>
      tpu.wait_dma2 semaphore(%run_scoped3A : memref<!tpu.dma_semaphore, #tpu.memory_space<semaphore_mem>>) src(%arg23 : memref<64x128xf32, #tpu.memory_space<vmem>>) dst(%dma_wait3A_1471 : memref<64x128xf32, #tpu.memory_space<hbm>>)
      tpu.yield
    }) : () -> ()
    %mul3A_1462 = arith.constant 64 : i32
    %mul3A_1463 = arith.muli %add3A, %mul3A_1462 : i32
    "tpu.region"() ({
      %run_scoped3A = tpu.sem_alloc : memref<!tpu.dma_semaphore, #tpu.memory_space<semaphore_mem>>
      %dma_start3A_1464 = tpu.memref_slice %arg7[%mul3A_1463] : memref<2048xf32, #tpu.memory_space<hbm>> -> memref<64xf32, #tpu.memory_space<hbm>>
      %dma_start3A_1465 = tpu.memref_slice %arg7[%mul3A_1463] : memref<2048xf32, #tpu.memory_space<hbm>> -> memref<64xf32, #tpu.memory_space<hbm>>
      tpu.enqueue_dma source(%arg24 : memref<64xf32, #tpu.memory_space<vmem>>) target(%dma_start3A_1465 : memref<64xf32, #tpu.memory_space<hbm>>) target_semaphore(%run_scoped3A : memref<!tpu.dma_semaphore, #tpu.memory_space<semaphore_mem>>)
      %dma_wait3A_1466 = tpu.memref_slice %arg7[%mul3A_1463] : memref<2048xf32, #tpu.memory_space<hbm>> -> memref<64xf32, #tpu.memory_space<hbm>>
      %dma_wait3A_1467 = tpu.memref_slice %arg7[%mul3A_1463] : memref<2048xf32, #tpu.memory_space<hbm>> -> memref<64xf32, #tpu.memory_space<hbm>>
      tpu.wait_dma2 semaphore(%run_scoped3A : memref<!tpu.dma_semaphore, #tpu.memory_space<semaphore_mem>>) src(%arg24 : memref<64xf32, #tpu.memory_space<vmem>>) dst(%dma_wait3A_1467 : memref<64xf32, #tpu.memory_space<hbm>>)
      tpu.yield
    }) : () -> ()
    return
  }
}

module attributes {stable_mosaic.version = 14 : i64} {
  func.func @_region_body(%arg0: i32, %arg1: memref<1x1x4096xi32, #tpu.memory_space<vmem>>, %arg2: memref<4096x128xf32, #tpu.memory_space<vmem>>, %arg3: memref<64x128xf32, #tpu.memory_space<vmem>>, %arg4: memref<64x1xf32, #tpu.memory_space<vmem>>) attributes {dimension_semantics = [#tpu.dimension_semantics<arbitrary>], iteration_bounds = array<i64: 2>, scalar_prefetch = 0 : i64, scratch_operands = 0 : i64, tpu.core_type = #tpu.core_type<tc>, window_params = [{transform_indices = @transform_0, window_bounds = array<i64: 1, 1, 4096>}, {transform_indices = @transform_1, window_bounds = array<i64: 4096, 128>}, {pipeline_mode = #tpu.pipeline_mode<synchronous>, transform_indices = @transform_2, window_bounds = array<i64: 64, 128>}, {pipeline_mode = #tpu.pipeline_mode<synchronous>, transform_indices = @transform_3, window_bounds = array<i64: 64, 1>}]} {
    %eq3A = arith.constant 0 : i32
    %eq3A_0 = arith.cmpi eq, %arg0, %eq3A : i32
    %convert_element_type3A = arith.extui %eq3A_0 : i1 to i32
    %cond3A = arith.constant 0 : i32
    %cond3A_1 = arith.cmpi ne, %convert_element_type3A, %cond3A : i32
    scf.if %cond3A_1 {
      %broadcast_in_dim3A_27 = arith.constant 0.000000e+00 : f32
      %broadcast_in_dim3A_28 = vector.broadcast %broadcast_in_dim3A_27 : f32 to vector<64x128xf32>
      %swap3A_29 = arith.constant 0 : index
      %swap3A_30 = arith.constant 0 : index
      %swap3A_31 = vector.load %arg3[%swap3A_29, %swap3A_30] : memref<64x128xf32, #tpu.memory_space<vmem>>, vector<64x128xf32>
      tpu.vector_store %arg3[%swap3A_29, %swap3A_30], %broadcast_in_dim3A_28 {strides = array<i32>} : memref<64x128xf32, #tpu.memory_space<vmem>>, vector<64x128xf32>,
      %broadcast_in_dim3A_32 = arith.constant 0.000000e+00 : f32
      %broadcast_in_dim3A_33 = vector.broadcast %broadcast_in_dim3A_32 : f32 to vector<64x1xf32>
      %swap3A_34 = arith.constant 0 : index
      %swap3A_35 = arith.constant 0 : index
      %swap3A_36 = vector.load %arg4[%swap3A_34, %swap3A_35] : memref<64x1xf32, #tpu.memory_space<vmem>>, vector<64x1xf32>
      tpu.vector_store %arg4[%swap3A_34, %swap3A_35], %broadcast_in_dim3A_33 {strides = array<i32>} : memref<64x1xf32, #tpu.memory_space<vmem>>, vector<64x1xf32>,
    } else {
    }
    %get3A = arith.constant 0 : index
    %get3A_2 = arith.constant 0 : index
    %get3A_3 = arith.constant 0 : index
    %get3A_4 = vector.load %arg1[%get3A, %get3A_2, %get3A_3] : memref<1x1x4096xi32, #tpu.memory_space<vmem>>, vector<1x1x4096xi32>
    %get3A_5 = vector.shape_cast %get3A_4 : vector<1x1x4096xi32> to vector<1x4096xi32>
    %iota3A = tpu.iota {dimensions = array<i32: 0>} : vector<64x4096xi32>
    %eq3A_6 = vector.broadcast %get3A_5 : vector<1x4096xi32> to vector<64x4096xi32>
    %eq3A_7 = arith.cmpi eq, %iota3A, %eq3A_6 : vector<64x4096xi32>
    %convert_element_type3A_8 = arith.extui %eq3A_7 : vector<64x4096xi1> to vector<64x4096xi32>
    %convert_element_type3A_9 = arith.sitofp %convert_element_type3A_8 : vector<64x4096xi32> to vector<64x4096xf32>
    %get3A_10 = arith.constant 0 : index
    %get3A_11 = arith.constant 0 : index
    %get3A_12 = vector.load %arg3[%get3A_10, %get3A_11] : memref<64x128xf32, #tpu.memory_space<vmem>>, vector<64x128xf32>
    %get3A_13 = arith.constant 0 : index
    %get3A_14 = arith.constant 0 : index
    %get3A_15 = vector.load %arg2[%get3A_13, %get3A_14] : memref<4096x128xf32, #tpu.memory_space<vmem>>, vector<4096x128xf32>
    %dot_general3A = arith.constant dense<0.000000e+00> : vector<64x128xf32>
    %dot_general3A_16 = tpu.matmul %convert_element_type3A_9, %get3A_15, %dot_general3A {dimension_numbers = #tpu.dot_dimension_numbers<[1], [0], [0], [1], [0, 0, 1, 1], [], []>, precision = #tpu.contract_precision<fp32>, transpose_lhs_hint = false} : vector<64x4096xf32>, vector<4096x128xf32>, vector<64x128xf32> -> vector<64x128xf32>
    %add3A = arith.addf %get3A_12, %dot_general3A_16 : vector<64x128xf32>
    %swap3A = arith.constant 0 : index
    %swap3A_17 = arith.constant 0 : index
    %swap3A_18 = vector.load %arg3[%swap3A, %swap3A_17] : memref<64x128xf32, #tpu.memory_space<vmem>>, vector<64x128xf32>
    tpu.vector_store %arg3[%swap3A, %swap3A_17], %add3A {strides = array<i32>} : memref<64x128xf32, #tpu.memory_space<vmem>>, vector<64x128xf32>,
    %get3A_19 = arith.constant 0 : index
    %get3A_20 = arith.constant 0 : index
    %get3A_21 = vector.load %arg4[%get3A_19, %get3A_20] : memref<64x1xf32, #tpu.memory_space<vmem>>, vector<64x1xf32>
    %reduce_sum3A = arith.constant dense<0.000000e+00> : vector<64xf32>
    %reduce_sum3A_22 = vector.multi_reduction <add>, %convert_element_type3A_9, %reduce_sum3A [1] : vector<64x4096xf32> to vector<64xf32>
    %broadcast_in_dim3A = vector.shape_cast %reduce_sum3A_22 : vector<64xf32> to vector<64x1xf32>
    %add3A_23 = arith.addf %get3A_21, %broadcast_in_dim3A : vector<64x1xf32>
    %swap3A_24 = arith.constant 0 : index
    %swap3A_25 = arith.constant 0 : index
    %swap3A_26 = vector.load %arg4[%swap3A_24, %swap3A_25] : memref<64x1xf32, #tpu.memory_space<vmem>>, vector<64x1xf32>
    tpu.vector_store %arg4[%swap3A_24, %swap3A_25], %add3A_23 {strides = array<i32>} : memref<64x1xf32, #tpu.memory_space<vmem>>, vector<64x1xf32>,
    return
  }
  func.func @transform_0(%arg0: i32) -> (i32, i32, i32) {
    %c0_i32 = arith.constant 0 : i32
    %c0_i32_0 = arith.constant 0 : i32
    %c0_i32_1 = arith.constant 0 : i32
    return %arg0, %c0_i32, %c0_i32_0 : i32, i32, i32
  }
  func.func @transform_1(%arg0: i32) -> (i32, i32) {
    %c0_i32 = arith.constant 0 : i32
    %c0_i32_0 = arith.constant 0 : i32
    return %arg0, %c0_i32 : i32, i32
  }
  func.func @transform_2(%arg0: i32) -> (i32, i32) {
    %c0_i32 = arith.constant 0 : i32
    %c0_i32_0 = arith.constant 0 : i32
    %c0_i32_1 = arith.constant 0 : i32
    return %c0_i32, %c0_i32_0 : i32, i32
  }
  func.func @transform_3(%arg0: i32) -> (i32, i32) {
    %c0_i32 = arith.constant 0 : i32
    %c0_i32_0 = arith.constant 0 : i32
    %c0_i32_1 = arith.constant 0 : i32
    return %c0_i32, %c0_i32_0 : i32, i32
  }
}

module attributes {stable_mosaic.version = 14 : i64} {
  func.func @_combine_body(%arg0: i32, %arg1: memref<2048x128xf32, #tpu.memory_space<vmem>>, %arg2: memref<16x128xf32, #tpu.memory_space<vmem>>, %arg3: memref<64x128xf32, #tpu.memory_space<vmem>>, %arg4: memref<64x1xf32, #tpu.memory_space<vmem>>, %arg5: memref<128x256xf32, #tpu.memory_space<vmem>>, %arg6: memref<1x256xf32, #tpu.memory_space<vmem>>, %arg7: memref<256x128xf32, #tpu.memory_space<vmem>>, %arg8: memref<1x128xf32, #tpu.memory_space<vmem>>, %arg9: memref<128x128xf32, #tpu.memory_space<vmem>>, %arg10: memref<1x128xf32, #tpu.memory_space<vmem>>, %arg11: memref<128x64xf32, #tpu.memory_space<vmem>>, %arg12: memref<1x64xf32, #tpu.memory_space<vmem>>, %arg13: memref<192x128xf32, #tpu.memory_space<vmem>>, %arg14: memref<1x128xf32, #tpu.memory_space<vmem>>, %arg15: memref<128x1xf32, #tpu.memory_space<vmem>>, %arg16: memref<1x1xf32, #tpu.memory_space<vmem>>, %arg17: memref<1x64xf32, #tpu.memory_space<vmem>>) attributes {dimension_semantics = [#tpu.dimension_semantics<arbitrary>], iteration_bounds = array<i64: 1>, scalar_prefetch = 0 : i64, scratch_operands = 0 : i64, tpu.core_type = #tpu.core_type<tc>, window_params = [{pipeline_mode = #tpu.pipeline_mode<synchronous>, transform_indices = @transform_0, window_bounds = array<i64: 2048, 128>}, {pipeline_mode = #tpu.pipeline_mode<synchronous>, transform_indices = @transform_1, window_bounds = array<i64: 16, 128>}, {pipeline_mode = #tpu.pipeline_mode<synchronous>, transform_indices = @transform_2, window_bounds = array<i64: 64, 128>}, {pipeline_mode = #tpu.pipeline_mode<synchronous>, transform_indices = @transform_3, window_bounds = array<i64: 64, 1>}, {pipeline_mode = #tpu.pipeline_mode<synchronous>, transform_indices = @transform_4, window_bounds = array<i64: 128, 256>}, {pipeline_mode = #tpu.pipeline_mode<synchronous>, transform_indices = @transform_5, window_bounds = array<i64: 1, 256>}, {pipeline_mode = #tpu.pipeline_mode<synchronous>, transform_indices = @transform_6, window_bounds = array<i64: 256, 128>}, {pipeline_mode = #tpu.pipeline_mode<synchronous>, transform_indices = @transform_7, window_bounds = array<i64: 1, 128>}, {pipeline_mode = #tpu.pipeline_mode<synchronous>, transform_indices = @transform_8, window_bounds = array<i64: 128, 128>}, {pipeline_mode = #tpu.pipeline_mode<synchronous>, transform_indices = @transform_9, window_bounds = array<i64: 1, 128>}, {pipeline_mode = #tpu.pipeline_mode<synchronous>, transform_indices = @transform_10, window_bounds = array<i64: 128, 64>}, {pipeline_mode = #tpu.pipeline_mode<synchronous>, transform_indices = @transform_11, window_bounds = array<i64: 1, 64>}, {pipeline_mode = #tpu.pipeline_mode<synchronous>, transform_indices = @transform_12, window_bounds = array<i64: 192, 128>}, {pipeline_mode = #tpu.pipeline_mode<synchronous>, transform_indices = @transform_13, window_bounds = array<i64: 1, 128>}, {pipeline_mode = #tpu.pipeline_mode<synchronous>, transform_indices = @transform_14, window_bounds = array<i64: 128, 1>}, {pipeline_mode = #tpu.pipeline_mode<synchronous>, transform_indices = @transform_15, window_bounds = array<i64: 1, 1>}, {pipeline_mode = #tpu.pipeline_mode<synchronous>, transform_indices = @transform_16, window_bounds = array<i64: 1, 64>}]} {
    %get3A = arith.constant 0 : index
    %get3A_0 = arith.constant 0 : index
    %get3A_1 = vector.load %arg1[%get3A, %get3A_0] : memref<2048x128xf32, #tpu.memory_space<vmem>>, vector<64x128xf32>
    %get3A_2 = arith.constant 64 : index
    %get3A_3 = arith.constant 0 : index
    %get3A_4 = vector.load %arg1[%get3A_2, %get3A_3] : memref<2048x128xf32, #tpu.memory_space<vmem>>, vector<64x128xf32>
    %add3A = arith.addf %get3A_1, %get3A_4 : vector<64x128xf32>
    %get3A_5 = arith.constant 128 : index
    %get3A_6 = arith.constant 0 : index
    %get3A_7 = vector.load %arg1[%get3A_5, %get3A_6] : memref<2048x128xf32, #tpu.memory_space<vmem>>, vector<64x128xf32>
    %add3A_8 = arith.addf %add3A, %get3A_7 : vector<64x128xf32>
    %get3A_9 = arith.constant 192 : index
    %get3A_10 = arith.constant 0 : index
    %get3A_11 = vector.load %arg1[%get3A_9, %get3A_10] : memref<2048x128xf32, #tpu.memory_space<vmem>>, vector<64x128xf32>
    %add3A_12 = arith.addf %add3A_8, %get3A_11 : vector<64x128xf32>
    %get3A_13 = arith.constant 256 : index
    %get3A_14 = arith.constant 0 : index
    %get3A_15 = vector.load %arg1[%get3A_13, %get3A_14] : memref<2048x128xf32, #tpu.memory_space<vmem>>, vector<64x128xf32>
    %add3A_16 = arith.addf %add3A_12, %get3A_15 : vector<64x128xf32>
    %get3A_17 = arith.constant 320 : index
    %get3A_18 = arith.constant 0 : index
    %get3A_19 = vector.load %arg1[%get3A_17, %get3A_18] : memref<2048x128xf32, #tpu.memory_space<vmem>>, vector<64x128xf32>
    %add3A_20 = arith.addf %add3A_16, %get3A_19 : vector<64x128xf32>
    %get3A_21 = arith.constant 384 : index
    %get3A_22 = arith.constant 0 : index
    %get3A_23 = vector.load %arg1[%get3A_21, %get3A_22] : memref<2048x128xf32, #tpu.memory_space<vmem>>, vector<64x128xf32>
    %add3A_24 = arith.addf %add3A_20, %get3A_23 : vector<64x128xf32>
    %get3A_25 = arith.constant 448 : index
    %get3A_26 = arith.constant 0 : index
    %get3A_27 = vector.load %arg1[%get3A_25, %get3A_26] : memref<2048x128xf32, #tpu.memory_space<vmem>>, vector<64x128xf32>
    %add3A_28 = arith.addf %add3A_24, %get3A_27 : vector<64x128xf32>
    %get3A_29 = arith.constant 512 : index
    %get3A_30 = arith.constant 0 : index
    %get3A_31 = vector.load %arg1[%get3A_29, %get3A_30] : memref<2048x128xf32, #tpu.memory_space<vmem>>, vector<64x128xf32>
    %add3A_32 = arith.addf %add3A_28, %get3A_31 : vector<64x128xf32>
    %get3A_33 = arith.constant 576 : index
    %get3A_34 = arith.constant 0 : index
    %get3A_35 = vector.load %arg1[%get3A_33, %get3A_34] : memref<2048x128xf32, #tpu.memory_space<vmem>>, vector<64x128xf32>
    %add3A_36 = arith.addf %add3A_32, %get3A_35 : vector<64x128xf32>
    %get3A_37 = arith.constant 640 : index
    %get3A_38 = arith.constant 0 : index
    %get3A_39 = vector.load %arg1[%get3A_37, %get3A_38] : memref<2048x128xf32, #tpu.memory_space<vmem>>, vector<64x128xf32>
    %add3A_40 = arith.addf %add3A_36, %get3A_39 : vector<64x128xf32>
    %get3A_41 = arith.constant 704 : index
    %get3A_42 = arith.constant 0 : index
    %get3A_43 = vector.load %arg1[%get3A_41, %get3A_42] : memref<2048x128xf32, #tpu.memory_space<vmem>>, vector<64x128xf32>
    %add3A_44 = arith.addf %add3A_40, %get3A_43 : vector<64x128xf32>
    %get3A_45 = arith.constant 768 : index
    %get3A_46 = arith.constant 0 : index
    %get3A_47 = vector.load %arg1[%get3A_45, %get3A_46] : memref<2048x128xf32, #tpu.memory_space<vmem>>, vector<64x128xf32>
    %add3A_48 = arith.addf %add3A_44, %get3A_47 : vector<64x128xf32>
    %get3A_49 = arith.constant 832 : index
    %get3A_50 = arith.constant 0 : index
    %get3A_51 = vector.load %arg1[%get3A_49, %get3A_50] : memref<2048x128xf32, #tpu.memory_space<vmem>>, vector<64x128xf32>
    %add3A_52 = arith.addf %add3A_48, %get3A_51 : vector<64x128xf32>
    %get3A_53 = arith.constant 896 : index
    %get3A_54 = arith.constant 0 : index
    %get3A_55 = vector.load %arg1[%get3A_53, %get3A_54] : memref<2048x128xf32, #tpu.memory_space<vmem>>, vector<64x128xf32>
    %add3A_56 = arith.addf %add3A_52, %get3A_55 : vector<64x128xf32>
    %get3A_57 = arith.constant 960 : index
    %get3A_58 = arith.constant 0 : index
    %get3A_59 = vector.load %arg1[%get3A_57, %get3A_58] : memref<2048x128xf32, #tpu.memory_space<vmem>>, vector<64x128xf32>
    %add3A_60 = arith.addf %add3A_56, %get3A_59 : vector<64x128xf32>
    %get3A_61 = arith.constant 1024 : index
    %get3A_62 = arith.constant 0 : index
    %get3A_63 = vector.load %arg1[%get3A_61, %get3A_62] : memref<2048x128xf32, #tpu.memory_space<vmem>>, vector<64x128xf32>
    %add3A_64 = arith.addf %add3A_60, %get3A_63 : vector<64x128xf32>
    %get3A_65 = arith.constant 1088 : index
    %get3A_66 = arith.constant 0 : index
    %get3A_67 = vector.load %arg1[%get3A_65, %get3A_66] : memref<2048x128xf32, #tpu.memory_space<vmem>>, vector<64x128xf32>
    %add3A_68 = arith.addf %add3A_64, %get3A_67 : vector<64x128xf32>
    %get3A_69 = arith.constant 1152 : index
    %get3A_70 = arith.constant 0 : index
    %get3A_71 = vector.load %arg1[%get3A_69, %get3A_70] : memref<2048x128xf32, #tpu.memory_space<vmem>>, vector<64x128xf32>
    %add3A_72 = arith.addf %add3A_68, %get3A_71 : vector<64x128xf32>
    %get3A_73 = arith.constant 1216 : index
    %get3A_74 = arith.constant 0 : index
    %get3A_75 = vector.load %arg1[%get3A_73, %get3A_74] : memref<2048x128xf32, #tpu.memory_space<vmem>>, vector<64x128xf32>
    %add3A_76 = arith.addf %add3A_72, %get3A_75 : vector<64x128xf32>
    %get3A_77 = arith.constant 1280 : index
    %get3A_78 = arith.constant 0 : index
    %get3A_79 = vector.load %arg1[%get3A_77, %get3A_78] : memref<2048x128xf32, #tpu.memory_space<vmem>>, vector<64x128xf32>
    %add3A_80 = arith.addf %add3A_76, %get3A_79 : vector<64x128xf32>
    %get3A_81 = arith.constant 1344 : index
    %get3A_82 = arith.constant 0 : index
    %get3A_83 = vector.load %arg1[%get3A_81, %get3A_82] : memref<2048x128xf32, #tpu.memory_space<vmem>>, vector<64x128xf32>
    %add3A_84 = arith.addf %add3A_80, %get3A_83 : vector<64x128xf32>
    %get3A_85 = arith.constant 1408 : index
    %get3A_86 = arith.constant 0 : index
    %get3A_87 = vector.load %arg1[%get3A_85, %get3A_86] : memref<2048x128xf32, #tpu.memory_space<vmem>>, vector<64x128xf32>
    %add3A_88 = arith.addf %add3A_84, %get3A_87 : vector<64x128xf32>
    %get3A_89 = arith.constant 1472 : index
    %get3A_90 = arith.constant 0 : index
    %get3A_91 = vector.load %arg1[%get3A_89, %get3A_90] : memref<2048x128xf32, #tpu.memory_space<vmem>>, vector<64x128xf32>
    %add3A_92 = arith.addf %add3A_88, %get3A_91 : vector<64x128xf32>
    %get3A_93 = arith.constant 1536 : index
    %get3A_94 = arith.constant 0 : index
    %get3A_95 = vector.load %arg1[%get3A_93, %get3A_94] : memref<2048x128xf32, #tpu.memory_space<vmem>>, vector<64x128xf32>
    %add3A_96 = arith.addf %add3A_92, %get3A_95 : vector<64x128xf32>
    %get3A_97 = arith.constant 1600 : index
    %get3A_98 = arith.constant 0 : index
    %get3A_99 = vector.load %arg1[%get3A_97, %get3A_98] : memref<2048x128xf32, #tpu.memory_space<vmem>>, vector<64x128xf32>
    %add3A_100 = arith.addf %add3A_96, %get3A_99 : vector<64x128xf32>
    %get3A_101 = arith.constant 1664 : index
    %get3A_102 = arith.constant 0 : index
    %get3A_103 = vector.load %arg1[%get3A_101, %get3A_102] : memref<2048x128xf32, #tpu.memory_space<vmem>>, vector<64x128xf32>
    %add3A_104 = arith.addf %add3A_100, %get3A_103 : vector<64x128xf32>
    %get3A_105 = arith.constant 1728 : index
    %get3A_106 = arith.constant 0 : index
    %get3A_107 = vector.load %arg1[%get3A_105, %get3A_106] : memref<2048x128xf32, #tpu.memory_space<vmem>>, vector<64x128xf32>
    %add3A_108 = arith.addf %add3A_104, %get3A_107 : vector<64x128xf32>
    %get3A_109 = arith.constant 1792 : index
    %get3A_110 = arith.constant 0 : index
    %get3A_111 = vector.load %arg1[%get3A_109, %get3A_110] : memref<2048x128xf32, #tpu.memory_space<vmem>>, vector<64x128xf32>
    %add3A_112 = arith.addf %add3A_108, %get3A_111 : vector<64x128xf32>
    %get3A_113 = arith.constant 1856 : index
    %get3A_114 = arith.constant 0 : index
    %get3A_115 = vector.load %arg1[%get3A_113, %get3A_114] : memref<2048x128xf32, #tpu.memory_space<vmem>>, vector<64x128xf32>
    %add3A_116 = arith.addf %add3A_112, %get3A_115 : vector<64x128xf32>
    %get3A_117 = arith.constant 1920 : index
    %get3A_118 = arith.constant 0 : index
    %get3A_119 = vector.load %arg1[%get3A_117, %get3A_118] : memref<2048x128xf32, #tpu.memory_space<vmem>>, vector<64x128xf32>
    %add3A_120 = arith.addf %add3A_116, %get3A_119 : vector<64x128xf32>
    %get3A_121 = arith.constant 1984 : index
    %get3A_122 = arith.constant 0 : index
    %get3A_123 = vector.load %arg1[%get3A_121, %get3A_122] : memref<2048x128xf32, #tpu.memory_space<vmem>>, vector<64x128xf32>
    %add3A_124 = arith.addf %add3A_120, %get3A_123 : vector<64x128xf32>
    %get3A_125 = arith.constant 0 : index
    %get3A_126 = arith.constant 0 : index
    %get3A_127 = vector.load %arg2[%get3A_125, %get3A_126] : memref<16x128xf32, #tpu.memory_space<vmem>>, vector<16x128xf32>
    %reduce_sum3A = arith.constant dense<0.000000e+00> : vector<128xf32>
    %reduce_sum3A_128 = vector.multi_reduction <add>, %get3A_127, %reduce_sum3A [0] : vector<16x128xf32> to vector<128xf32>
    %broadcast_in_dim3A = vector.shape_cast %reduce_sum3A_128 : vector<128xf32> to vector<1x128xf32>
    %slice3A = vector.extract_strided_slice %broadcast_in_dim3A {offsets = [0, 0], sizes = [1, 64], strides = [1, 1]} : vector<1x128xf32> to vector<1x64xf32>
    %slice3A_129 = vector.extract_strided_slice %broadcast_in_dim3A {offsets = [0, 64], sizes = [1, 64], strides = [1, 1]} : vector<1x128xf32> to vector<1x64xf32>
    %add3A_130 = arith.addf %slice3A, %slice3A_129 : vector<1x64xf32>
    %iota3A = tpu.iota {dimensions = array<i32: 0>} : vector<64x64xi32>
    %iota3A_131 = tpu.iota {dimensions = array<i32: 1>} : vector<64x64xi32>
    %eq3A = arith.cmpi eq, %iota3A, %iota3A_131 : vector<64x64xi32>
    %jit3A = arith.constant 0.000000e+00 : f32
    %broadcast_in_dim3A_132 = vector.shape_cast %add3A_130 : vector<1x64xf32> to vector<1x64xf32>
    %broadcast_in_dim3A_133 = vector.broadcast %broadcast_in_dim3A_132 : vector<1x64xf32> to vector<64x64xf32>
    %broadcast_in_dim3A_134 = vector.broadcast %jit3A : f32 to vector<64x64xf32>
    %select_n3A = arith.select %eq3A, %broadcast_in_dim3A_133, %broadcast_in_dim3A_134 : vector<64x64xi1>, vector<64x64xf32>
    %reduce_sum3A_135 = arith.constant dense<0.000000e+00> : vector<64xf32>
    %reduce_sum3A_136 = vector.multi_reduction <add>, %select_n3A, %reduce_sum3A_135 [1] : vector<64x64xf32> to vector<64xf32>
    %broadcast_in_dim3A_137 = vector.shape_cast %reduce_sum3A_136 : vector<64xf32> to vector<64x1xf32>
    %get3A_138 = arith.constant 0 : index
    %get3A_139 = arith.constant 0 : index
    %get3A_140 = vector.load %arg3[%get3A_138, %get3A_139] : memref<64x128xf32, #tpu.memory_space<vmem>>, vector<64x128xf32>
    %get3A_141 = arith.constant 0 : index
    %get3A_142 = arith.constant 0 : index
    %get3A_143 = vector.load %arg4[%get3A_141, %get3A_142] : memref<64x1xf32, #tpu.memory_space<vmem>>, vector<64x1xf32>
    %max3A = arith.constant 1.000000e+00 : f32
    %max3A_144 = vector.broadcast %max3A : f32 to vector<64x1xf32>
    %max3A_145 = arith.maximumf %get3A_143, %max3A_144 : vector<64x1xf32>
    %div3A = vector.broadcast %max3A_145 : vector<64x1xf32> to vector<64x128xf32>
    %div3A_146 = arith.divf %get3A_140, %div3A : vector<64x128xf32>
    %get3A_147 = arith.constant 0 : index
    %get3A_148 = arith.constant 0 : index
    %get3A_149 = vector.load %arg5[%get3A_147, %get3A_148] : memref<128x256xf32, #tpu.memory_space<vmem>>, vector<128x256xf32>
    %dot_general3A = arith.constant dense<0.000000e+00> : vector<64x256xf32>
    %dot_general3A_150 = tpu.matmul %div3A_146, %get3A_149, %dot_general3A {dimension_numbers = #tpu.dot_dimension_numbers<[1], [0], [0], [1], [0, 0, 1, 1], [], []>, precision = #tpu.contract_precision<fp32>, transpose_lhs_hint = false} : vector<64x128xf32>, vector<128x256xf32>, vector<64x256xf32> -> vector<64x256xf32>
    %get3A_151 = arith.constant 0 : index
    %get3A_152 = arith.constant 0 : index
    %get3A_153 = vector.load %arg6[%get3A_151, %get3A_152] : memref<1x256xf32, #tpu.memory_space<vmem>>, vector<1x256xf32>
    %add3A_154 = vector.broadcast %get3A_153 : vector<1x256xf32> to vector<64x256xf32>
    %add3A_155 = arith.addf %dot_general3A_150, %add3A_154 : vector<64x256xf32>
    %max3A_156 = arith.constant 0.000000e+00 : f32
    %max3A_157 = vector.broadcast %max3A_156 : f32 to vector<64x256xf32>
    %max3A_158 = arith.maximumf %add3A_155, %max3A_157 : vector<64x256xf32>
    %get3A_159 = arith.constant 0 : index
    %get3A_160 = arith.constant 0 : index
    %get3A_161 = vector.load %arg7[%get3A_159, %get3A_160] : memref<256x128xf32, #tpu.memory_space<vmem>>, vector<256x128xf32>
    %dot_general3A_162 = arith.constant dense<0.000000e+00> : vector<64x128xf32>
    %dot_general3A_163 = tpu.matmul %max3A_158, %get3A_161, %dot_general3A_162 {dimension_numbers = #tpu.dot_dimension_numbers<[1], [0], [0], [1], [0, 0, 1, 1], [], []>, precision = #tpu.contract_precision<fp32>, transpose_lhs_hint = false} : vector<64x256xf32>, vector<256x128xf32>, vector<64x128xf32> -> vector<64x128xf32>
    %get3A_164 = arith.constant 0 : index
    %get3A_165 = arith.constant 0 : index
    %get3A_166 = vector.load %arg8[%get3A_164, %get3A_165] : memref<1x128xf32, #tpu.memory_space<vmem>>, vector<1x128xf32>
    %add3A_167 = vector.broadcast %get3A_166 : vector<1x128xf32> to vector<64x128xf32>
    %add3A_168 = arith.addf %dot_general3A_163, %add3A_167 : vector<64x128xf32>
    %max3A_169 = arith.constant 0.000000e+00 : f32
    %max3A_170 = vector.broadcast %max3A_169 : f32 to vector<64x128xf32>
    %max3A_171 = arith.maximumf %add3A_168, %max3A_170 : vector<64x128xf32>
    %max3A_172 = arith.constant 1.000000e+00 : f32
    %max3A_173 = vector.broadcast %max3A_172 : f32 to vector<64x1xf32>
    %max3A_174 = arith.maximumf %broadcast_in_dim3A_137, %max3A_173 : vector<64x1xf32>
    %div3A_175 = vector.broadcast %max3A_174 : vector<64x1xf32> to vector<64x128xf32>
    %div3A_176 = arith.divf %add3A_124, %div3A_175 : vector<64x128xf32>
    %get3A_177 = arith.constant 0 : index
    %get3A_178 = arith.constant 0 : index
    %get3A_179 = vector.load %arg9[%get3A_177, %get3A_178] : memref<128x128xf32, #tpu.memory_space<vmem>>, vector<128x128xf32>
    %dot_general3A_180 = arith.constant dense<0.000000e+00> : vector<64x128xf32>
    %dot_general3A_181 = tpu.matmul %div3A_176, %get3A_179, %dot_general3A_180 {dimension_numbers = #tpu.dot_dimension_numbers<[1], [0], [0], [1], [0, 0, 1, 1], [], []>, precision = #tpu.contract_precision<fp32>, transpose_lhs_hint = false} : vector<64x128xf32>, vector<128x128xf32>, vector<64x128xf32> -> vector<64x128xf32>
    %get3A_182 = arith.constant 0 : index
    %get3A_183 = arith.constant 0 : index
    %get3A_184 = vector.load %arg10[%get3A_182, %get3A_183] : memref<1x128xf32, #tpu.memory_space<vmem>>, vector<1x128xf32>
    %add3A_185 = vector.broadcast %get3A_184 : vector<1x128xf32> to vector<64x128xf32>
    %add3A_186 = arith.addf %dot_general3A_181, %add3A_185 : vector<64x128xf32>
    %max3A_187 = arith.constant 0.000000e+00 : f32
    %max3A_188 = vector.broadcast %max3A_187 : f32 to vector<64x128xf32>
    %max3A_189 = arith.maximumf %add3A_186, %max3A_188 : vector<64x128xf32>
    %get3A_190 = arith.constant 0 : index
    %get3A_191 = arith.constant 0 : index
    %get3A_192 = vector.load %arg11[%get3A_190, %get3A_191] : memref<128x64xf32, #tpu.memory_space<vmem>>, vector<128x64xf32>
    %dot_general3A_193 = arith.constant dense<0.000000e+00> : vector<64x64xf32>
    %dot_general3A_194 = tpu.matmul %max3A_189, %get3A_192, %dot_general3A_193 {dimension_numbers = #tpu.dot_dimension_numbers<[1], [0], [0], [1], [0, 0, 1, 1], [], []>, precision = #tpu.contract_precision<fp32>, transpose_lhs_hint = false} : vector<64x128xf32>, vector<128x64xf32>, vector<64x64xf32> -> vector<64x64xf32>
    %get3A_195 = arith.constant 0 : index
    %get3A_196 = arith.constant 0 : index
    %get3A_197 = vector.load %arg12[%get3A_195, %get3A_196] : memref<1x64xf32, #tpu.memory_space<vmem>>, vector<1x64xf32>
    %add3A_198 = vector.broadcast %get3A_197 : vector<1x64xf32> to vector<64x64xf32>
    %add3A_199 = arith.addf %dot_general3A_194, %add3A_198 : vector<64x64xf32>
    %get3A_200 = arith.constant 0 : index
    %get3A_201 = arith.constant 0 : index
    %get3A_202 = vector.load %arg13[%get3A_200, %get3A_201] : memref<192x128xf32, #tpu.memory_space<vmem>>, vector<128x128xf32>
    %dot_general3A_203 = arith.constant dense<0.000000e+00> : vector<64x128xf32>
    %dot_general3A_204 = tpu.matmul %max3A_171, %get3A_202, %dot_general3A_203 {dimension_numbers = #tpu.dot_dimension_numbers<[1], [0], [0], [1], [0, 0, 1, 1], [], []>, precision = #tpu.contract_precision<fp32>, transpose_lhs_hint = false} : vector<64x128xf32>, vector<128x128xf32>, vector<64x128xf32> -> vector<64x128xf32>
    %get3A_205 = arith.constant 128 : index
    %get3A_206 = arith.constant 0 : index
    %get3A_207 = vector.load %arg13[%get3A_205, %get3A_206] : memref<192x128xf32, #tpu.memory_space<vmem>>, vector<64x128xf32>
    %dot_general3A_208 = arith.constant dense<0.000000e+00> : vector<64x128xf32>
    %dot_general3A_209 = tpu.matmul %add3A_199, %get3A_207, %dot_general3A_208 {dimension_numbers = #tpu.dot_dimension_numbers<[1], [0], [0], [1], [0, 0, 1, 1], [], []>, precision = #tpu.contract_precision<fp32>, transpose_lhs_hint = false} : vector<64x64xf32>, vector<64x128xf32>, vector<64x128xf32> -> vector<64x128xf32>
    %add3A_210 = arith.addf %dot_general3A_204, %dot_general3A_209 : vector<64x128xf32>
    %get3A_211 = arith.constant 0 : index
    %get3A_212 = arith.constant 0 : index
    %get3A_213 = vector.load %arg14[%get3A_211, %get3A_212] : memref<1x128xf32, #tpu.memory_space<vmem>>, vector<1x128xf32>
    %add3A_214 = vector.broadcast %get3A_213 : vector<1x128xf32> to vector<64x128xf32>
    %add3A_215 = arith.addf %add3A_210, %add3A_214 : vector<64x128xf32>
    %max3A_216 = arith.constant 0.000000e+00 : f32
    %max3A_217 = vector.broadcast %max3A_216 : f32 to vector<64x128xf32>
    %max3A_218 = arith.maximumf %add3A_215, %max3A_217 : vector<64x128xf32>
    %get3A_219 = arith.constant 0 : index
    %get3A_220 = arith.constant 0 : index
    %get3A_221 = vector.load %arg15[%get3A_219, %get3A_220] : memref<128x1xf32, #tpu.memory_space<vmem>>, vector<128x1xf32>
    %dot_general3A_222 = arith.constant dense<0.000000e+00> : vector<64x1xf32>
    %dot_general3A_223 = tpu.matmul %max3A_218, %get3A_221, %dot_general3A_222 {dimension_numbers = #tpu.dot_dimension_numbers<[1], [0], [0], [1], [0, 0, 1, 1], [], []>, precision = #tpu.contract_precision<fp32>, transpose_lhs_hint = false} : vector<64x128xf32>, vector<128x1xf32>, vector<64x1xf32> -> vector<64x1xf32>
    %get3A_224 = arith.constant 0 : index
    %get3A_225 = arith.constant 0 : index
    %get3A_226 = vector.load %arg16[%get3A_224, %get3A_225] : memref<1x1xf32, #tpu.memory_space<vmem>>, vector<1x1xf32>
    %add3A_227 = vector.broadcast %get3A_226 : vector<1x1xf32> to vector<64x1xf32>
    %add3A_228 = arith.addf %dot_general3A_223, %add3A_227 : vector<64x1xf32>
    %iota3A_229 = tpu.iota {dimensions = array<i32: 0>} : vector<64x64xi32>
    %iota3A_230 = tpu.iota {dimensions = array<i32: 1>} : vector<64x64xi32>
    %eq3A_231 = arith.cmpi eq, %iota3A_229, %iota3A_230 : vector<64x64xi32>
    %jit3A_232 = arith.constant 0.000000e+00 : f32
    %broadcast_in_dim3A_233 = vector.shape_cast %add3A_228 : vector<64x1xf32> to vector<64x1xf32>
    %broadcast_in_dim3A_234 = vector.broadcast %broadcast_in_dim3A_233 : vector<64x1xf32> to vector<64x64xf32>
    %broadcast_in_dim3A_235 = vector.broadcast %jit3A_232 : f32 to vector<64x64xf32>
    %select_n3A_236 = arith.select %eq3A_231, %broadcast_in_dim3A_234, %broadcast_in_dim3A_235 : vector<64x64xi1>, vector<64x64xf32>
    %reduce_sum3A_237 = arith.constant dense<0.000000e+00> : vector<64xf32>
    %reduce_sum3A_238 = vector.multi_reduction <add>, %select_n3A_236, %reduce_sum3A_237 [0] : vector<64x64xf32> to vector<64xf32>
    %broadcast_in_dim3A_239 = vector.shape_cast %reduce_sum3A_238 : vector<64xf32> to vector<1x64xf32>
    %swap3A = arith.constant 0 : index
    %swap3A_240 = arith.constant 0 : index
    %swap3A_241 = vector.load %arg17[%swap3A, %swap3A_240] : memref<1x64xf32, #tpu.memory_space<vmem>>, vector<1x64xf32>
    tpu.vector_store %arg17[%swap3A, %swap3A_240], %broadcast_in_dim3A_239 {strides = array<i32>} : memref<1x64xf32, #tpu.memory_space<vmem>>, vector<1x64xf32>,
    return
  }
  func.func @transform_0(%arg0: i32) -> (i32, i32) {
    %c0_i32 = arith.constant 0 : i32
    %c0_i32_0 = arith.constant 0 : i32
    %c0_i32_1 = arith.constant 0 : i32
    return %c0_i32, %c0_i32_0 : i32, i32
  }
  func.func @transform_1(%arg0: i32) -> (i32, i32) {
    %c0_i32 = arith.constant 0 : i32
    %c0_i32_0 = arith.constant 0 : i32
    %c0_i32_1 = arith.constant 0 : i32
    return %c0_i32, %c0_i32_0 : i32, i32
  }
  func.func @transform_2(%arg0: i32) -> (i32, i32) {
    %c0_i32 = arith.constant 0 : i32
    %c0_i32_0 = arith.constant 0 : i32
    %c0_i32_1 = arith.constant 0 : i32
    return %c0_i32, %c0_i32_0 : i32, i32
  }
  func.func @transform_3(%arg0: i32) -> (i32, i32) {
    %c0_i32 = arith.constant 0 : i32
    %c0_i32_0 = arith.constant 0 : i32
    %c0_i32_1 = arith.constant 0 : i32
    return %c0_i32, %c0_i32_0 : i32, i32
  }
  func.func @transform_4(%arg0: i32) -> (i32, i32) {
    %c0_i32 = arith.constant 0 : i32
    %c0_i32_0 = arith.constant 0 : i32
    %c0_i32_1 = arith.constant 0 : i32
    return %c0_i32, %c0_i32_0 : i32, i32
  }
  func.func @transform_5(%arg0: i32) -> (i32, i32) {
    %c0_i32 = arith.constant 0 : i32
    %c0_i32_0 = arith.constant 0 : i32
    %c0_i32_1 = arith.constant 0 : i32
    return %c0_i32, %c0_i32_0 : i32, i32
  }
  func.func @transform_6(%arg0: i32) -> (i32, i32) {
    %c0_i32 = arith.constant 0 : i32
    %c0_i32_0 = arith.constant 0 : i32
    %c0_i32_1 = arith.constant 0 : i32
    return %c0_i32, %c0_i32_0 : i32, i32
  }
  func.func @transform_7(%arg0: i32) -> (i32, i32) {
    %c0_i32 = arith.constant 0 : i32
    %c0_i32_0 = arith.constant 0 : i32
    %c0_i32_1 = arith.constant 0 : i32
    return %c0_i32, %c0_i32_0 : i32, i32
  }
  func.func @transform_8(%arg0: i32) -> (i32, i32) {
    %c0_i32 = arith.constant 0 : i32
    %c0_i32_0 = arith.constant 0 : i32
    %c0_i32_1 = arith.constant 0 : i32
    return %c0_i32, %c0_i32_0 : i32, i32
  }
  func.func @transform_9(%arg0: i32) -> (i32, i32) {
    %c0_i32 = arith.constant 0 : i32
    %c0_i32_0 = arith.constant 0 : i32
    %c0_i32_1 = arith.constant 0 : i32
    return %c0_i32, %c0_i32_0 : i32, i32
  }
  func.func @transform_10(%arg0: i32) -> (i32, i32) {
    %c0_i32 = arith.constant 0 : i32
    %c0_i32_0 = arith.constant 0 : i32
    %c0_i32_1 = arith.constant 0 : i32
    return %c0_i32, %c0_i32_0 : i32, i32
  }
  func.func @transform_11(%arg0: i32) -> (i32, i32) {
    %c0_i32 = arith.constant 0 : i32
    %c0_i32_0 = arith.constant 0 : i32
    %c0_i32_1 = arith.constant 0 : i32
    return %c0_i32, %c0_i32_0 : i32, i32
  }
  func.func @transform_12(%arg0: i32) -> (i32, i32) {
    %c0_i32 = arith.constant 0 : i32
    %c0_i32_0 = arith.constant 0 : i32
    %c0_i32_1 = arith.constant 0 : i32
    return %c0_i32, %c0_i32_0 : i32, i32
  }
  func.func @transform_13(%arg0: i32) -> (i32, i32) {
    %c0_i32 = arith.constant 0 : i32
    %c0_i32_0 = arith.constant 0 : i32
    %c0_i32_1 = arith.constant 0 : i32
    return %c0_i32, %c0_i32_0 : i32, i32
  }
  func.func @transform_14(%arg0: i32) -> (i32, i32) {
    %c0_i32 = arith.constant 0 : i32
    %c0_i32_0 = arith.constant 0 : i32
    %c0_i32_1 = arith.constant 0 : i32
    return %c0_i32, %c0_i32_0 : i32, i32
  }
  func.func @transform_15(%arg0: i32) -> (i32, i32) {
    %c0_i32 = arith.constant 0 : i32
    %c0_i32_0 = arith.constant 0 : i32
    %c0_i32_1 = arith.constant 0 : i32
    return %c0_i32, %c0_i32_0 : i32, i32
  }
  func.func @transform_16(%arg0: i32) -> (i32, i32) {
    %c0_i32 = arith.constant 0 : i32
    %c0_i32_0 = arith.constant 0 : i32
    %c0_i32_1 = arith.constant 0 : i32
    return %c0_i32, %c0_i32_0 : i32, i32
  }
}

</mosaic_0001>

<sc_bundles>
// kernel: kernel.5.cloned.1.call-start
scs
__scs_entry_jumppad:
0x0: {  	(pc) =	sbr.rel $0x88, $3  }
0x1: {  	(tag) =	ssettag $0x0;
	lr =	simm.s32 $0x1  }
0x2: {  	[smem:$0x3F90] =	sst lr;
	_ =	strace $0xD0000000  }
0x3: {  	_ = 	snop  }
0x4: {  	_ = 	snop  }
0x5: {  	_ = 	snop  }
0x6: {  	_ = 	snop  }
0x7: {  	_ = 	snop  }
__scs_overlays_trampoline_lowered:
0x8: {  	[smem:$0x3F9F] =	sst s0  }
0x9: {  	[smem:$0x3FA0] =	sst s1  }
0xa: {  	[smem:$0x3FA1] =	sst s2  }
0xb: {  	[smem:$0x3FA2] =	sst s3  }
0xc: {  	[smem:$0x3FA3] =	sst s4  }
0xd: {  	[smem:$0x3FA4] =	sst s5  }
0xe: {  	[smem:$0x3FA5] =	sst s6  }
0xf: {  	[smem:$0x3FA6] =	sst s7  }
0x10: {  	[smem:$0x3FA7] =	sst s8  }
0x11: {  	[smem:$0x3FA8] =	sst s9;
	s0 =	simm.s32 @!p0 $0x0  }
0x12: {  	s1 =	sld [smem:$0x3F8E];
	s0 =	simm.s32 @p0 $0x1  }
0x13: {  	[smem:$0x3FA9] =	sst s0;
	s0 =	simm.s32 @!p1 $0x0  }
0x14: {  	s2 =	sld [smem:$0x3F8D];
	s0 =	simm.s32 @p1 $0x1  }
0x15: {  	[smem:$0x3FAA] =	sst s0;
	s0 =	simm.s32 @!p2 $0x0  }
0x16: {  	s3 =	sld [smem:$0x3FDB];
	s0 =	simm.s32 @p2 $0x1  }
0x17: {  	s4 =	simm.s32 $0x1BF5;
	[smem:$0x3FAC] =	sst s0  }
0x18: {  	s0 =	sld [smem:$0x3F8F];
	_ =	swait.ge [sflag:s4], $0x0  }
0x19: {  	s7 =	sld [smem:$0x3F90]  }
0x1a: {  	s8 =	sadd.s32 $0xFFFFE003, lr  }
0x1b: {  	s9 =	sadd.s32 $0xFFFFFEF7, lr;
	s5 =	simm.s32 $0xFFFFFFFF;
	p2 =	slt.u32 s8, $0xFFFFF086  }
0x1c: {  	p1 =	slt.u32 s9, $0xF7A;
	s5 =	simm.s32 @!p2 $0x0  }
0x1d: {  	s5 =	simm.s32 @p1 $0x1;
	p0 =	seq.s32 s7, s2  }
0x1e: {  	s7 =	smul.u32 @!p0 $0xF7A, s2;
	p2 =	seq.s32 @!p0 s5, $0x0  }
0x1f: {  	s9 =	smul.u32 $0xF7A, s1;
	s8 =	simm.s32 @!p0 $0x1BF5;
	p2 =	por !p2, p0  }
0x20: {  	[sflag:s8] =	ssyncset.s32 @!p0 $0xFFFFF086;
	s6 =	sadd.s32 @!p0 s3, s7;
	s7 =	simm.s32 @!p0 $0x108  }
0x21: {  	s3 =	sadd.s32 s3, s9;
	s6 =	sadd.s32 @!p0 $0x88, s6;
	s7 =	simm.s32 @p2 $0x1082  }
0x22: {  	[simem:s7], [sflag:s8] =	dma.local @!p0 [hbm:s6], $0xF7A  }
0x23: {  	s9 =	sor.u32 $0xD0000000, s2;
	s6 =	simm.s32 $0x108;
	_ =	swait.ge @!p0 [sflag:s8], $0x0  }
0x24: {  	s3 =	sadd.s32 $0x88, s3;
	s6 =	simm.s32 @!p1 $0x1082;
	[sflag:s4] =	ssyncset.s32 $0xFFFFF086  }
0x25: {  	[simem:s6], [sflag:s4] =	dma.local [hbm:s3], $0xF7A  }
0x26: {  	[smem:$0x3F90] =	sst s1;
	(tag) =	ssettag s2;
	_ =	strace s9  }
0x27: {  	s1 =	sld [smem:$0x3FA0]  }
0x28: {  	s2 =	sld [smem:$0x3FA1]  }
0x29: {  	s4 =	sld [smem:$0x3FA3]  }
0x2a: {  	p0 =	seq.s32 s5, $0x0;
	s5 =	sld [smem:$0x3FA4]  }
0x2b: {  	s6 =	sld [smem:$0x3FA5]  }
0x2c: {  	s7 =	sld [smem:$0x3FA6]  }
0x2d: {  	s3 =	simm.s32 $0x108;
	s8 =	sld [smem:$0x3FA7]  }
0x2e: {  	s3 =	simm.s32 @!p0 $0x1082;
	s9 =	sld [smem:$0x3FA8]  }
0x2f: {  	lr =	sadd.s32 s0, s3;
	s0 =	sld [smem:$0x3F9F]  }
0x30: {  	s3 =	sld [smem:$0x3FA2]  }
0x31: {  	[smem:$0x3FAB] =	sst s10  }
0x32: {  	s10 =	sld [smem:$0x3FA9];
	_ =	sdelay $0x3  }
0x33: {  	p0 =	seq.s32 s10, $0x1;
	s10 =	sld [smem:$0x3FAB];
	_ =	sdelay $0x3  }
0x34: {  	[smem:$0x3FAB] =	sst s10  }
0x35: {  	s10 =	sld [smem:$0x3FAA];
	_ =	sdelay $0x3  }
0x36: {  	p1 =	seq.s32 s10, $0x1;
	s10 =	sld [smem:$0x3FAB];
	_ =	sdelay $0x3  }
0x37: {  	[smem:$0x3FAB] =	sst s10  }
0x38: {  	s10 =	sld [smem:$0x3FAC]  }
0x39: {  	_ = 	snop;
	(pc) =	sbr.ind lr, $3  }
0x3a: {  	_ = 	snop  }
0x3b: {  	_ = 	snop  }
0x3c: {  	p2 =	seq.s32 s10, $0x1;
	s10 =	sld [smem:$0x3FAB]  }
0x3d: {  	_ =	shalt  }
0x3e: {  	_ =	shalt  }
0x3f: {  	_ =	shalt  }
0x40: {  	_ =	shalt  }
0x41: {  	_ =	shalt  }
0x42: {  	_ =	shalt  }
0x43: {  	_ =	shalt  }
0x44: {  	_ =	shalt  }
0x45: {  	_ =	shalt  }
0x46: {  	_ =	shalt  }
0x47: {  	_ =	shalt  }
0x48: {  	_ =	shalt  }
0x49: {  	_ =	shalt  }
0x4a: {  	_ =	shalt  }
0x4b: {  	_ =	shalt  }
0x4c: {  	_ =	shalt  }
0x4d: {  	_ =	shalt  }
0x4e: {  	_ =	shalt  }
0x4f: {  	_ =	shalt  }
0x50: {  	_ =	shalt  }
0x51: {  	_ =	shalt  }
0x52: {  	_ =	shalt  }
0x53: {  	_ =	shalt  }
0x54: {  	_ =	shalt  }
0x55: {  	_ =	shalt  }
0x56: {  	_ =	shalt  }
0x57: {  	_ =	shalt  }
0x58: {  	_ =	shalt  }
0x59: {  	_ =	shalt  }
0x5a: {  	_ =	shalt  }
0x5b: {  	_ =	shalt  }
0x5c: {  	_ =	shalt  }
0x5d: {  	_ =	shalt  }
0x5e: {  	_ =	shalt  }
0x5f: {  	_ =	shalt  }
0x60: {  	_ =	shalt  }
0x61: {  	_ =	shalt  }
0x62: {  	_ =	shalt  }
0x63: {  	_ =	shalt  }
0x64: {  	_ =	shalt  }
0x65: {  	_ =	shalt  }
0x66: {  	_ =	shalt  }
0x67: {  	_ =	shalt  }
0x68: {  	_ =	shalt  }
0x69: {  	_ =	shalt  }
0x6a: {  	_ =	shalt  }
0x6b: {  	_ =	shalt  }
0x6c: {  	_ =	shalt  }
0x6d: {  	_ =	shalt  }
0x6e: {  	_ =	shalt  }
0x6f: {  	_ =	shalt  }
0x70: {  	_ =	shalt  }
0x71: {  	_ =	shalt  }
0x72: {  	_ =	shalt  }
0x73: {  	_ =	shalt  }
0x74: {  	_ =	shalt  }
0x75: {  	_ =	shalt  }
0x76: {  	_ =	shalt  }
0x77: {  	_ =	shalt  }
0x78: {  	_ =	shalt  }
0x79: {  	_ =	shalt  }
0x7a: {  	_ =	shalt  }
0x7b: {  	_ =	shalt  }
0x7c: {  	_ =	shalt  }
0x7d: {  	_ =	shalt  }
0x7e: {  	_ =	shalt  }
0x7f: {  	_ =	shalt  }
0x80: {  	_ =	shalt  }
0x81: {  	_ =	shalt  }
0x82: {  	_ =	shalt  }
0x83: {  	_ =	shalt  }
0x84: {  	_ =	shalt  }
0x85: {  	_ =	shalt  }
0x86: {  	_ =	shalt  }
0x87: {  	_ =	shalt  }
.Lfunc_end0:
.L_simem_size_0:
called_computation_lowered:
.L_overlay_start_0:
0x88: {  	s2 =	sld [smem:$0x3FD9]  }
0x89: {  	s3 =	sld [smem:$0x3FFE];
	_ =	sdelay $0x1  }
0x8a: {  	s1 =	srdreg.scid  }
0x8b: {  	s0 =	sand.u32 $0x1, s1  }
0x8c: {  	s17 =	sshll.u32 s0, $0xA;
	s2 =	sadd.s32 s3, s2  }
0x8d: {  	s2 =	sadd.s32 s2, s17  }
0x8e: {  	[smem:$0x3FB7] =	sst s2  }
0x8f: {  	_ = 	snop  }
0x90: {  	s2 =	sld [smem:$0x3FC9]  }
0x91: {  	s18 =	sld [smem:$0x3FC7]  }
0x92: {  	s4 =	sld [smem:$0x3FC6];
	(tm) =	ssettm $0x1  }
0x93: {  	s5 =	sld [smem:$0x3FFB];
	_ =	sdelay $0x3  }
0x94: {  	_ =	strace s5  }
0x95: {  	s5 =	sld [smem:$0x3FFC];
	_ =	sdelay $0x3  }
0x96: {  	_ =	strace s5  }
0x97: {  	s5 =	sld [smem:$0x3FFD];
	_ =	sdelay $0x3  }
0x98: {  	_ =	strace s5  }
0x99: {  	_ =	strace $0x8FFFFFFF  }
0x9a: {  	s19 =	sld [smem:$0x3FDB];
	_ =	sdelay $0x1  }
0x9b: {  	s6 =	simm.s32 $_scs_section_size  }
0x9c: {  	s7 =	simm.s32 $_size__tile_overlayer_lowered;
	s8 =	simm.s32 $_tile_overlayer_lowered  }
0x9d: {  	s22 =	simm.s32 $0x1BFF;
	s21 =	sshll.u32 s8, $0x1;
	s5 =	sadd.s32 s6, s19  }
0x9e: {  	s9 =	simm.s32 $0x0;
	s20 =	sshll.u32 s7, $0x1;
	s7 =	sadd.s32 s21, s5  }
0x9f: {  	[timem:s9], [sflag:s22] =	dma.local [hbm:s7], s20  }
0xa0: {  	_ =	swait.ge [sflag:s22], s20  }
0xa1: {  	s6 =	ssub.s32 $0x0, s20;
	[sflag:s22] =	ssyncset.done $0x0  }
0xa2: {  	[sflag:s22] =	ssyncadd.s32 s6;
	_ =	sdelay $0x1  }
0xa3: {  	s23 =	simm.s32 $0x1B8B  }
0xa4: {  	_ =	swait.ge [sflag:s23], $0x1  }
0xa5: {  	[sflag:s23] =	ssyncset.done $0x0  }
0xa6: {  	s25 =	simm.s32 $0x1B8E;
	s24 =	sld [smem:$0x3FFE];
	[sflag:s23] =	ssyncadd.s32 $0xFFFFFFFF  }
0xa7: {  	s26 =	simm.s32 $execute0_lowered;
	[smem:$0x3FD2] =	sst s25  }
0xa8: {  	s7 =	sshll.u32 s26, $0x1;
	_ =	strace $0x80000046;
	[dreg:$0x1] =	wrdreg $0xFFFFFFFF  }
0xa9: {  	s28 =	simm.s32 $_size_execute0_lowered;
	s5 =	sadd.s32 s5, s7;
	[dreg:$0x0] =	wrdreg $0x0  }
0xaa: {  	s7 =	sshll.u32 s28, $0x1;
	[dreg:$0x2] =	wrdreg s5  }
0xab: {  	[dreg:$0x3] =	wrdreg s7  }
0xac: {  	[dreg:$0x4] =	wrdreg $0xC0  }
0xad: {  	_ =	task [dreg:s9], $0x5FFFF  }
0xae: {  	[dreg:$0x1] =	wrdreg $0xFFFFFFFF  }
0xaf: {  	[dreg:$0x0] =	wrdreg $0x60  }
0xb0: {  	[dreg:$0x2] =	wrdreg s18  }
0xb1: {  	[dreg:$0x3] =	wrdreg s4  }
0xb2: {  	[dreg:$0x4] =	wrdreg s2  }
0xb3: {  	[dreg:$0x5] =	wrdreg s24  }
0xb4: {  	[dreg:$0x6] =	wrdreg $0x108000  }
0xb5: {  	[dreg:$0x7] =	wrdreg $0x128000  }
0xb6: {  	[dreg:$0x8] =	wrdreg $0x9  }
0xb7: {  	_ =	task.clear_ibuf [dreg:s9], $0x9FFFF;
	_ =	strace $0x90000046  }
0xb8: {  	s29 =	simm.s32 $0x9;
	_ =	strace $0x80000048  }
0xb9: {  	_ =	swait.ge [sflag:s29], $0x1  }
0xba: {  	[sflag:s29] =	ssyncadd.s32 $0xFFFFFFFF  }
0xbb: {  	_ =	strace $0x90000048  }
0xbc: {  	_ =	sfence  }
0xbd: {  	s30 =	sld [smem:$0x0];
	_ =	sdelay $0x2  }
0xbe: {  	s31 =	sshll.u32 s1, $0xD;
	s1 =	sshrl.u32 s1, $0x2  }
0xbf: {  	s3 =	sand.u32 $0x4000, s31;
	s1 =	sadd.s32 s1, s30  }
0xc0: {  	s0 =	sor.u32 s3, s0;
	s1 =	sshll.u32 s1, $0x11  }
0xc1: {  	s0 =	sor.u32 s1, s0  }
0xc2: {  	s0 =	sadd.s32 $0x8F2B, s0  }
0xc3: {  	[sflag:s0] =	ssyncadd.remote.s32 $0x1  }
0xc4: {  	_ =	sfence.sel $0xFFFF  }
0xc5: {  	[dreg:$0x0] =	wrdreg $0xFFFFFFFF;
	(pc) =	sbr.abs _section_cstart, $3  }
0xc6: {  	[dreg:$0x1] =	wrdreg $0xFFFFFFFF  }
0xc7: {  	_ =	task.clear_ibuf [dreg:s9], $0x2FFFF;
	_ =	strace $0x9FFFFFFF  }
0xc8: {  	(tm) =	ssettm $0x7FFFFFFF  }
0xc9: {  	_ =	shalt  }
tec
execute0_lowered:
.L_overlay_start_1:
0x0: {  	(tag) =	ssettag $0x1  }
0x1: {  	s0 =	rddreg [dreg:$0x0]  }
0x2: {  	s1 =	rddreg [dreg:$0x1]  }
0x3: {  	s2 =	rddreg [dreg:$0x2]  }
0x4: {  	s5 =	rddreg [dreg:$0x3]  }
0x5: {  	s3 =	rddreg [dreg:$0x4]  }
0x6: {  	s4 =	rddreg [dreg:$0x5];
	s7 =	srdreg.scid  }
0x7: {  	s6 =	simm.s32 $0x0;
	s13 =	stileid.u32;
	s14 =	simm.s32 $0xA00  }
0x8: {  	s15 =	simm.s32 $0x700;
	s16 =	simm.s32 $0x4600;
	s18 =	simm.s32 $0x780  }
0x9: {  	s19 =	simm.s32 $0x8200;
	s28 =	simm.s32 $0x880;
	s30 =	simm.s32 $0x3  }
0xa: {  	s31 =	simm.s32 $0x6;
	s7 =	sand.u32 $0x1, s7;
	[smem:$0x7FF] =	sst s6  }
0xb: {  	s9 =	sadd.s32 $0x2800, s5;
	s17 =	sshll.u32 s13, $0x6;
	s23 =	sshll.u32 s13, $0xD  }
0xc: {  	s8 =	sshll.u32 s7, $0x4;
	_ =	strace $0x80000047;
	[dreg:$0x7] =	wrdreg s9  }
0xd: {  	s11 =	ssub.s32 $0x2, s7;
	s22 =	sor.u32 $0x1C09, s17;
	s24 =	sadd.s32 s23, s3  }
0xe: {  	s7 =	sor.u32 s13, s7;
	s23 =	simm.s32 $0x980;
	[dreg:$0x8] =	wrdreg s22  }
0xf: {  	s8 =	sor.u32 s13, s8;
	s12 =	sshrl.u32 s11, $0x1;
	[dreg:$0xe] =	wrdreg s24  }
0x10: {  	s29 =	sshrl.u32 s24, $0x3;
	p0 =	sne.s32 s7, $0x0;
	s13 =	simm.s32 $0x680  }
0x11: {  	s22 =	simm.s32 $0x800;
	s7 =	simm.s32 $0xE780;
	s20 =	sshll.u32 s8, $0xA  }
0x12: {  	s10 =	sshll.u32 s8, $0x3;
	s8 =	smul.u32 $0xC3, s8;
	s21 =	ssub.s32 s11, s12  }
0x13: {  	[dreg:$0xd] =	wrdreg s29;
	s11 =	simm.s32 $0x10780;
	s12 =	simm.s32 $0x78  }
0x14: {  	s9 =	sadd.s32 s20, s5;
	s5 =	sadd.s32 s10, s5;
	s8 =	sadd.s32 s0, s8  }
0x15: {  	s10 =	simm.s32 $0x9;
	s0 =	sadd.s32 $0x1860, s0;
	[dreg:$0x9] =	wrdreg s8  }
0x16: {  	s20 =	simm.s32 $0x1;
	s25 =	sadd.s32 $0x2C00, s9;
	[dreg:$0xa] =	wrdreg s0  }
0x17: {  	s26 =	sadd.s32 $0xAC00, s5;
	s9 =	smax.u32 s21, $0x1;
	[dreg:$0xb] =	wrdreg s25  }
0x18: {  	s21 =	simm.s32 $0x4;
	s8 =	sadd.s32 s17, s4;
	[dreg:$0xc] =	wrdreg s26  }
0x19: {  	v1 =	vimm.f32 $1.000000000e+00;
	v2 =	vimm.f32 $0.0e+00;
	v0 =	vmov s17;
	s25 =	simm.s32 $0x2;
	s26 =	simm.s32 $0x5;
	s0 =	simm.s32 $0x900  }
.LBB2_1:
0x1a: {  	[tilespmem:$0x980] =	vst v1  }
0x1b: {  	[tilespmem:$0x990] =	vst v1  }
0x1c: {  	[tilespmem:$0x9A0] =	vst v1  }
0x1d: {  	[tilespmem:$0x9B0] =	vst v1  }
0x1e: {  	[tilespmem:$0x9C0] =	vst v1  }
0x1f: {  	[tilespmem:$0x9D0] =	vst v1  }
0x20: {  	[tilespmem:$0x9E0] =	vst v1  }
0x21: {  	[tilespmem:$0x10780] =	vst v2  }
0x22: {  	[tilespmem:$0x10790] =	vst v2  }
0x23: {  	s29 =	rddreg [dreg:$0x7];
	[tilespmem:$0x107A0] =	vst v2  }
0x24: {  	s5 =	rddreg [dreg:$0x8];
	[tilespmem:$0x107B0] =	vst v2  }
0x25: {  	s17 =	rddreg [dreg:$0xd];
	[tilespmem:$0x9E8] =	vst v1  }
0x26: {  	[spmem:s17], [sflag:s5] =	dma.local [hbm:s29], $0x400  }
0x27: {  	_ =	swait.ge [sflag:s10], $0x400  }
0x28: {  	[sflag:s10] =	ssyncset.done $0x0  }
0x29: {  	[sflag:s10] =	ssyncadd.s32 $0xFFFFFC00  }
0x2a: {  	[spmem:s8] =	stream.linear.scatter [tilespmem:s11], [sflag:$0x9], $0x40, $0x38;
	[tilespmem:$0x12840] =	vst v63  }
0x2b: {  	_ =	swait.ge [sflag:s10], $0x40  }
0x2c: {  	[sflag:s10] =	ssyncset.done $0x0  }
0x2d: {  	s17 =	rddreg [dreg:$0x9];
	[sflag:s10] =	ssyncadd.s32 $0xFFFFFFC0  }
0x2e: {  	[tilespmem:s6], [sflag:$0x9] =	stream.linear.gather [hbm4b:s17+s6], $0x618, $0x38;
	[tilespmem:$0x12840] =	vst v63  }
0x2f: {  	_ =	swait.ge [sflag:s10], $0x618  }
0x30: {  	[sflag:s10] =	ssyncset.done $0x0  }
0x31: {  	[sflag:s10] =	ssyncadd.s32 $0xFFFFF9E8  }
0x32: {  	[tilespmem:s13], [sflag:$0x1] =	stream.indirect.gather [hbm4b:s1+s12], $0x1, s6, s12, $0xb8;
	[tilespmem:$0x12840] =	vst v63  }
0x33: {  	_ = 	snop  }
0x34: {  	[tilespmem:s14], [sflag:$0x4] =	stream.indirect.gather [hbm4b:s2+s12], $0x80, s6, s12, $0xb8;
	[tilespmem:$0x12840] =	vst v63  }
0x35: {  	_ = 	snop  }
0x36: {  	[tilespmem:s15], [sflag:$0x2] =	stream.indirect.gather [hbm4b:s1+s12], $0x1, s12, s12, $0xb8;
	[tilespmem:$0x12840] =	vst v63  }
0x37: {  	_ = 	snop  }
0x38: {  	[tilespmem:s16], [sflag:$0x5] =	stream.indirect.gather [hbm4b:s2+s12], $0x80, s12, s12, $0xb8;
	[tilespmem:$0x12840] =	vst v63  }
0x39: {  	s24 =	simm.s32 $0xF0  }
0x3a: {  	[tilespmem:s18], [sflag:$0x3] =	stream.indirect.gather [hbm4b:s1+s12], $0x1, s24, s12, $0xb8;
	[tilespmem:$0x12840] =	vst v63  }
0x3b: {  	_ = 	snop  }
0x3c: {  	[tilespmem:s19], [sflag:$0x6] =	stream.indirect.gather [hbm4b:s2+s12], $0x80, s24, s12, $0xb8;
	[tilespmem:$0x12840] =	vst v63  }
0x3d: {  	_ =	swait.ge [sflag:s20], $0x78  }
0x3e: {  	[sflag:s20] =	ssyncset.done $0x0  }
0x3f: {  	[sflag:s20] =	ssyncadd.s32 $0xFFFFFF88  }
0x40: {  	_ =	swait.ge [sflag:s21], $0x3C00  }
0x41: {  	[sflag:s21] =	ssyncset.done $0x0  }
0x42: {  	[sflag:s21] =	ssyncadd.s32 $0xFFFFC400  }
0x43: {  	v3 =	vld [tilespmem:$0x680]  }
0x44: {  	v4 =	vld [tilespmem:$0x690]  }
0x45: {  	v5 =	vld [tilespmem:$0x6A0]  }
0x46: {  	v6 =	vld [tilespmem:$0x6B0]  }
0x47: {  	v7 =	vld [tilespmem:$0x6C0]  }
0x48: {  	v8 =	vld [tilespmem:$0x6D0];
	v3 =	vadd.s32 v0, v3  }
0x49: {  	v30 =	vld [tilespmem:$0x6E0];
	[tilespmem:$0x800] =	vst v3;
	v3 =	vadd.s32 v0, v4  }
0x4a: {  	v31 =	vld [tilespmem:$0x6E8];
	[tilespmem:$0x810] =	vst v3;
	v3 =	vadd.s32 v0, v5  }
0x4b: {  	[tilespmem:$0x820] =	vst v3;
	v3 =	vadd.s32 v0, v6  }
0x4c: {  	[tilespmem:$0x830] =	vst v3;
	v3 =	vadd.s32 v0, v7  }
0x4d: {  	[tilespmem:$0x840] =	vst v3;
	v3 =	vadd.s32 v0, v8  }
0x4e: {  	[tilespmem:$0x850] =	vst v3;
	v3 =	vadd.s32 v0, v30  }
0x4f: {  	[tilespmem:$0x860] =	vst v3;
	v3 =	vadd.s32 v0, v31  }
0x50: {  	[tilespmem:$0x868] =	vst v3  }
0x51: {  	[spmem:s3] =	stream.indirect.scatter.add.f32 [tilespmem:s14], [sflag:$0x9], $0x80, s22, s12, $0xb8;
	[tilespmem:$0x12840] =	vst v63  }
0x52: {  	_ =	swait.ge [sflag:s10], $0x3C00  }
0x53: {  	[sflag:s10] =	ssyncset.done $0x0  }
0x54: {  	[sflag:s10] =	ssyncadd.s32 $0xFFFFC400  }
0x55: {  	[spmem:s4] =	stream.indirect.scatter.add.f32 [tilespmem:s23], [sflag:$0x9], $0x1, s22, s12, $0xb8;
	[tilespmem:$0x12840] =	vst v63  }
0x56: {  	_ =	swait.ge [sflag:s10], $0x78  }
0x57: {  	[sflag:s10] =	ssyncset.done $0x0  }
0x58: {  	s29 =	simm.s32 $0x168;
	[sflag:s10] =	ssyncadd.s32 $0xFFFFFF88  }
0x59: {  	[tilespmem:s13], [sflag:$0x1] =	stream.indirect.gather [hbm4b:s1+s12], $0x1, s29, s12, $0xb8;
	[tilespmem:$0x12840] =	vst v63  }
0x5a: {  	_ = 	snop  }
0x5b: {  	[tilespmem:s14], [sflag:$0x4] =	stream.indirect.gather [hbm4b:s2+s12], $0x80, s29, s12, $0xb8;
	[tilespmem:$0x12840] =	vst v63  }
0x5c: {  	_ =	swait.ge [sflag:s25], $0x78  }
0x5d: {  	[sflag:s25] =	ssyncset.done $0x0  }
0x5e: {  	[sflag:s25] =	ssyncadd.s32 $0xFFFFFF88  }
0x5f: {  	_ =	swait.ge [sflag:s26], $0x3C00  }
0x60: {  	[sflag:s26] =	ssyncset.done $0x0  }
0x61: {  	[sflag:s26] =	ssyncadd.s32 $0xFFFFC400  }
0x62: {  	v3 =	vld [tilespmem:$0x700]  }
0x63: {  	v32 =	vld [tilespmem:$0x710]  }
0x64: {  	v33 =	vld [tilespmem:$0x720]  }
0x65: {  	v34 =	vld [tilespmem:$0x730]  }
0x66: {  	v35 =	vld [tilespmem:$0x740]  }
0x67: {  	v36 =	vld [tilespmem:$0x750];
	v3 =	vadd.s32 v0, v3  }
0x68: {  	v37 =	vld [tilespmem:$0x760];
	[tilespmem:$0x880] =	vst v3;
	v3 =	vadd.s32 v0, v32  }
0x69: {  	v38 =	vld [tilespmem:$0x768];
	[tilespmem:$0x890] =	vst v3;
	v3 =	vadd.s32 v0, v33  }
0x6a: {  	[tilespmem:$0x8A0] =	vst v3;
	v3 =	vadd.s32 v0, v34  }
0x6b: {  	[tilespmem:$0x8B0] =	vst v3;
	v3 =	vadd.s32 v0, v35  }
0x6c: {  	[tilespmem:$0x8C0] =	vst v3;
	v3 =	vadd.s32 v0, v36  }
0x6d: {  	[tilespmem:$0x8D0] =	vst v3;
	v3 =	vadd.s32 v0, v37  }
0x6e: {  	[tilespmem:$0x8E0] =	vst v3;
	v3 =	vadd.s32 v0, v38  }
0x6f: {  	[tilespmem:$0x8E8] =	vst v3  }
0x70: {  	[spmem:s3] =	stream.indirect.scatter.add.f32 [tilespmem:s16], [sflag:$0x9], $0x80, s28, s12, $0xb8;
	[tilespmem:$0x12840] =	vst v63  }
0x71: {  	_ =	swait.ge [sflag:s10], $0x3C00  }
0x72: {  	[sflag:s10] =	ssyncset.done $0x0  }
0x73: {  	[sflag:s10] =	ssyncadd.s32 $0xFFFFC400  }
0x74: {  	[spmem:s4] =	stream.indirect.scatter.add.f32 [tilespmem:s23], [sflag:$0x9], $0x1, s28, s12, $0xb8;
	[tilespmem:$0x12840] =	vst v63  }
0x75: {  	_ =	swait.ge [sflag:s10], $0x78  }
0x76: {  	[sflag:s10] =	ssyncset.done $0x0  }
0x77: {  	s17 =	simm.s32 $0x1E0;
	[sflag:s10] =	ssyncadd.s32 $0xFFFFFF88  }
0x78: {  	[tilespmem:s15], [sflag:$0x2] =	stream.indirect.gather [hbm4b:s1+s12], $0x1, s17, s12, $0xb8;
	[tilespmem:$0x12840] =	vst v63  }
0x79: {  	_ = 	snop  }
0x7a: {  	[tilespmem:s16], [sflag:$0x5] =	stream.indirect.gather [hbm4b:s2+s12], $0x80, s17, s12, $0xb8;
	[tilespmem:$0x12840] =	vst v63  }
0x7b: {  	_ =	swait.ge [sflag:s30], $0x78  }
0x7c: {  	[sflag:s30] =	ssyncset.done $0x0  }
0x7d: {  	[sflag:s30] =	ssyncadd.s32 $0xFFFFFF88  }
0x7e: {  	_ =	swait.ge [sflag:s31], $0x3C00  }
0x7f: {  	[sflag:s31] =	ssyncset.done $0x0  }
0x80: {  	[sflag:s31] =	ssyncadd.s32 $0xFFFFC400  }
0x81: {  	v3 =	vld [tilespmem:$0x780]  }
0x82: {  	v39 =	vld [tilespmem:$0x790]  }
0x83: {  	v40 =	vld [tilespmem:$0x7A0]  }
0x84: {  	v41 =	vld [tilespmem:$0x7B0]  }
0x85: {  	v42 =	vld [tilespmem:$0x7C0]  }
0x86: {  	v43 =	vld [tilespmem:$0x7D0];
	v3 =	vadd.s32 v0, v3  }
0x87: {  	v44 =	vld [tilespmem:$0x7E0];
	[tilespmem:$0x900] =	vst v3;
	v3 =	vadd.s32 v0, v39  }
0x88: {  	v45 =	vld [tilespmem:$0x7E8];
	[tilespmem:$0x910] =	vst v3;
	v3 =	vadd.s32 v0, v40  }
0x89: {  	[tilespmem:$0x920] =	vst v3;
	v3 =	vadd.s32 v0, v41  }
0x8a: {  	[tilespmem:$0x930] =	vst v3;
	v3 =	vadd.s32 v0, v42  }
0x8b: {  	[tilespmem:$0x940] =	vst v3;
	v3 =	vadd.s32 v0, v43  }
0x8c: {  	[tilespmem:$0x950] =	vst v3;
	v3 =	vadd.s32 v0, v44  }
0x8d: {  	[tilespmem:$0x960] =	vst v3;
	v3 =	vadd.s32 v0, v45  }
0x8e: {  	[tilespmem:$0x968] =	vst v3  }
0x8f: {  	[spmem:s3] =	stream.indirect.scatter.add.f32 [tilespmem:s19], [sflag:$0x9], $0x80, s0, s12, $0xb8;
	[tilespmem:$0x12840] =	vst v63  }
0x90: {  	_ =	swait.ge [sflag:s10], $0x3C00  }
0x91: {  	[sflag:s10] =	ssyncset.done $0x0  }
0x92: {  	[sflag:s10] =	ssyncadd.s32 $0xFFFFC400  }
0x93: {  	[spmem:s4] =	stream.indirect.scatter.add.f32 [tilespmem:s23], [sflag:$0x9], $0x1, s0, s12, $0xb8;
	[tilespmem:$0x12840] =	vst v63  }
0x94: {  	_ =	swait.ge [sflag:s10], $0x78  }
0x95: {  	[sflag:s10] =	ssyncset.done $0x0  }
0x96: {  	s24 =	simm.s32 $0x258;
	[sflag:s10] =	ssyncadd.s32 $0xFFFFFF88  }
0x97: {  	[tilespmem:s18], [sflag:$0x3] =	stream.indirect.gather [hbm4b:s1+s12], $0x1, s24, s12, $0xb8;
	[tilespmem:$0x12840] =	vst v63  }
0x98: {  	_ = 	snop  }
0x99: {  	[tilespmem:s19], [sflag:$0x6] =	stream.indirect.gather [hbm4b:s2+s12], $0x80, s24, s12, $0xb8;
	[tilespmem:$0x12840] =	vst v63  }
0x9a: {  	_ =	swait.ge [sflag:s20], $0x78  }
0x9b: {  	[sflag:s20] =	ssyncset.done $0x0  }
0x9c: {  	[sflag:s20] =	ssyncadd.s32 $0xFFFFFF88  }
0x9d: {  	_ =	swait.ge [sflag:s21], $0x3C00  }
0x9e: {  	[sflag:s21] =	ssyncset.done $0x0  }
0x9f: {  	[sflag:s21] =	ssyncadd.s32 $0xFFFFC400  }
0xa0: {  	v3 =	vld [tilespmem:$0x680]  }
0xa1: {  	v46 =	vld [tilespmem:$0x690]  }
0xa2: {  	v47 =	vld [tilespmem:$0x6A0]  }
0xa3: {  	v48 =	vld [tilespmem:$0x6B0]  }
0xa4: {  	v49 =	vld [tilespmem:$0x6C0]  }
0xa5: {  	v50 =	vld [tilespmem:$0x6D0];
	v3 =	vadd.s32 v0, v3  }
0xa6: {  	v51 =	vld [tilespmem:$0x6E0];
	[tilespmem:$0x800] =	vst v3;
	v3 =	vadd.s32 v0, v46  }
0xa7: {  	v52 =	vld [tilespmem:$0x6E8];
	[tilespmem:$0x810] =	vst v3;
	v3 =	vadd.s32 v0, v47  }
0xa8: {  	[tilespmem:$0x820] =	vst v3;
	v3 =	vadd.s32 v0, v48  }
0xa9: {  	[tilespmem:$0x830] =	vst v3;
	v3 =	vadd.s32 v0, v49  }
0xaa: {  	[tilespmem:$0x840] =	vst v3;
	v3 =	vadd.s32 v0, v50  }
0xab: {  	[tilespmem:$0x850] =	vst v3;
	v3 =	vadd.s32 v0, v51  }
0xac: {  	[tilespmem:$0x860] =	vst v3;
	v3 =	vadd.s32 v0, v52  }
0xad: {  	[tilespmem:$0x868] =	vst v3  }
0xae: {  	[spmem:s3] =	stream.indirect.scatter.add.f32 [tilespmem:s14], [sflag:$0x9], $0x80, s22, s12, $0xb8;
	[tilespmem:$0x12840] =	vst v63  }
0xaf: {  	_ =	swait.ge [sflag:s10], $0x3C00  }
0xb0: {  	[sflag:s10] =	ssyncset.done $0x0  }
0xb1: {  	[sflag:s10] =	ssyncadd.s32 $0xFFFFC400  }
0xb2: {  	[spmem:s4] =	stream.indirect.scatter.add.f32 [tilespmem:s23], [sflag:$0x9], $0x1, s22, s12, $0xb8;
	[tilespmem:$0x12840] =	vst v63  }
0xb3: {  	_ =	swait.ge [sflag:s10], $0x78  }
0xb4: {  	[sflag:s10] =	ssyncset.done $0x0  }
0xb5: {  	s29 =	simm.s32 $0x2D0;
	[sflag:s10] =	ssyncadd.s32 $0xFFFFFF88  }
0xb6: {  	[tilespmem:s13], [sflag:$0x1] =	stream.indirect.gather [hbm4b:s1+s12], $0x1, s29, s12, $0xb8;
	[tilespmem:$0x12840] =	vst v63  }
0xb7: {  	_ = 	snop  }
0xb8: {  	[tilespmem:s14], [sflag:$0x4] =	stream.indirect.gather [hbm4b:s2+s12], $0x80, s29, s12, $0xb8;
	[tilespmem:$0x12840] =	vst v63  }
0xb9: {  	_ =	swait.ge [sflag:s25], $0x78  }
0xba: {  	[sflag:s25] =	ssyncset.done $0x0  }
0xbb: {  	[sflag:s25] =	ssyncadd.s32 $0xFFFFFF88  }
0xbc: {  	_ =	swait.ge [sflag:s26], $0x3C00  }
0xbd: {  	[sflag:s26] =	ssyncset.done $0x0  }
0xbe: {  	[sflag:s26] =	ssyncadd.s32 $0xFFFFC400  }
0xbf: {  	v3 =	vld [tilespmem:$0x700]  }
0xc0: {  	v53 =	vld [tilespmem:$0x710]  }
0xc1: {  	v54 =	vld [tilespmem:$0x720]  }
0xc2: {  	v55 =	vld [tilespmem:$0x730]  }
0xc3: {  	v56 =	vld [tilespmem:$0x740]  }
0xc4: {  	v57 =	vld [tilespmem:$0x750];
	v3 =	vadd.s32 v0, v3  }
0xc5: {  	v58 =	vld [tilespmem:$0x760];
	[tilespmem:$0x880] =	vst v3;
	v3 =	vadd.s32 v0, v53  }
0xc6: {  	v59 =	vld [tilespmem:$0x768];
	[tilespmem:$0x890] =	vst v3;
	v3 =	vadd.s32 v0, v54  }
0xc7: {  	[tilespmem:$0x8A0] =	vst v3;
	v3 =	vadd.s32 v0, v55  }
0xc8: {  	[tilespmem:$0x8B0] =	vst v3;
	v3 =	vadd.s32 v0, v56  }
0xc9: {  	[tilespmem:$0x8C0] =	vst v3;
	v3 =	vadd.s32 v0, v57  }
0xca: {  	[tilespmem:$0x8D0] =	vst v3;
	v3 =	vadd.s32 v0, v58  }
0xcb: {  	[tilespmem:$0x8E0] =	vst v3;
	v3 =	vadd.s32 v0, v59  }
0xcc: {  	[tilespmem:$0x8E8] =	vst v3  }
0xcd: {  	[spmem:s3] =	stream.indirect.scatter.add.f32 [tilespmem:s16], [sflag:$0x9], $0x80, s28, s12, $0xb8;
	[tilespmem:$0x12840] =	vst v63  }
0xce: {  	_ =	swait.ge [sflag:s10], $0x3C00  }
0xcf: {  	[sflag:s10] =	ssyncset.done $0x0  }
0xd0: {  	[sflag:s10] =	ssyncadd.s32 $0xFFFFC400  }
0xd1: {  	[spmem:s4] =	stream.indirect.scatter.add.f32 [tilespmem:s23], [sflag:$0x9], $0x1, s28, s12, $0xb8;
	[tilespmem:$0x12840] =	vst v63  }
0xd2: {  	_ =	swait.ge [sflag:s10], $0x78  }
0xd3: {  	[sflag:s10] =	ssyncset.done $0x0  }
0xd4: {  	s17 =	simm.s32 $0x348;
	[sflag:s10] =	ssyncadd.s32 $0xFFFFFF88  }
0xd5: {  	[tilespmem:s15], [sflag:$0x2] =	stream.indirect.gather [hbm4b:s1+s12], $0x1, s17, s12, $0xb8;
	[tilespmem:$0x12840] =	vst v63  }
0xd6: {  	_ = 	snop  }
0xd7: {  	[tilespmem:s16], [sflag:$0x5] =	stream.indirect.gather [hbm4b:s2+s12], $0x80, s17, s12, $0xb8;
	[tilespmem:$0x12840] =	vst v63  }
0xd8: {  	_ =	swait.ge [sflag:s30], $0x78  }
0xd9: {  	[sflag:s30] =	ssyncset.done $0x0  }
0xda: {  	[sflag:s30] =	ssyncadd.s32 $0xFFFFFF88  }
0xdb: {  	_ =	swait.ge [sflag:s31], $0x3C00  }
0xdc: {  	[sflag:s31] =	ssyncset.done $0x0  }
0xdd: {  	[sflag:s31] =	ssyncadd.s32 $0xFFFFC400  }
0xde: {  	v3 =	vld [tilespmem:$0x780]  }
0xdf: {  	v60 =	vld [tilespmem:$0x790]  }
0xe0: {  	v61 =	vld [tilespmem:$0x7A0]  }
0xe1: {  	v62 =	vld [tilespmem:$0x7B0]  }
0xe2: {  	v63 =	vld [tilespmem:$0x7C0]  }
0xe3: {  	v12 =	vld [tilespmem:$0x7D0];
	v3 =	vadd.s32 v0, v3  }
0xe4: {  	v13 =	vld [tilespmem:$0x7E0];
	[tilespmem:$0x900] =	vst v3;
	v3 =	vadd.s32 v0, v60  }
0xe5: {  	v14 =	vld [tilespmem:$0x7E8];
	[tilespmem:$0x910] =	vst v3;
	v3 =	vadd.s32 v0, v61  }
0xe6: {  	[tilespmem:$0x920] =	vst v3;
	v3 =	vadd.s32 v0, v62  }
0xe7: {  	[tilespmem:$0x930] =	vst v3;
	v3 =	vadd.s32 v0, v63  }
0xe8: {  	[tilespmem:$0x940] =	vst v3;
	v3 =	vadd.s32 v0, v12  }
0xe9: {  	[tilespmem:$0x950] =	vst v3;
	v3 =	vadd.s32 v0, v13  }
0xea: {  	[tilespmem:$0x960] =	vst v3;
	v3 =	vadd.s32 v0, v14  }
0xeb: {  	[tilespmem:$0x968] =	vst v3  }
0xec: {  	[spmem:s3] =	stream.indirect.scatter.add.f32 [tilespmem:s19], [sflag:$0x9], $0x80, s0, s12, $0xb8;
	[tilespmem:$0x12840] =	vst v63  }
0xed: {  	_ =	swait.ge [sflag:s10], $0x3C00  }
0xee: {  	[sflag:s10] =	ssyncset.done $0x0  }
0xef: {  	[sflag:s10] =	ssyncadd.s32 $0xFFFFC400  }
0xf0: {  	[spmem:s4] =	stream.indirect.scatter.add.f32 [tilespmem:s23], [sflag:$0x9], $0x1, s0, s12, $0xb8;
	[tilespmem:$0x12840] =	vst v63  }
0xf1: {  	_ =	swait.ge [sflag:s10], $0x78  }
0xf2: {  	[sflag:s10] =	ssyncset.done $0x0  }
0xf3: {  	s24 =	simm.s32 $0x3C0;
	[sflag:s10] =	ssyncadd.s32 $0xFFFFFF88  }
0xf4: {  	[tilespmem:s18], [sflag:$0x3] =	stream.indirect.gather [hbm4b:s1+s12], $0x1, s24, s12, $0xb8;
	[tilespmem:$0x12840] =	vst v63  }
0xf5: {  	_ = 	snop  }
0xf6: {  	[tilespmem:s19], [sflag:$0x6] =	stream.indirect.gather [hbm4b:s2+s12], $0x80, s24, s12, $0xb8;
	[tilespmem:$0x12840] =	vst v63  }
0xf7: {  	_ =	swait.ge [sflag:s20], $0x78  }
0xf8: {  	[sflag:s20] =	ssyncset.done $0x0  }
0xf9: {  	[sflag:s20] =	ssyncadd.s32 $0xFFFFFF88  }
0xfa: {  	_ =	swait.ge [sflag:s21], $0x3C00  }
0xfb: {  	[sflag:s21] =	ssyncset.done $0x0  }
0xfc: {  	[sflag:s21] =	ssyncadd.s32 $0xFFFFC400  }
0xfd: {  	v3 =	vld [tilespmem:$0x680]  }
0xfe: {  	v15 =	vld [tilespmem:$0x690]  }
0xff: {  	v16 =	vld [tilespmem:$0x6A0]  }
0x100: {  	v17 =	vld [tilespmem:$0x6B0]  }
0x101: {  	v18 =	vld [tilespmem:$0x6C0]  }
0x102: {  	v19 =	vld [tilespmem:$0x6D0];
	v3 =	vadd.s32 v0, v3  }
0x103: {  	v20 =	vld [tilespmem:$0x6E0];
	[tilespmem:$0x800] =	vst v3;
	v3 =	vadd.s32 v0, v15  }
0x104: {  	v21 =	vld [tilespmem:$0x6E8];
	[tilespmem:$0x810] =	vst v3;
	v3 =	vadd.s32 v0, v16  }
0x105: {  	[tilespmem:$0x820] =	vst v3;
	v3 =	vadd.s32 v0, v17  }
0x106: {  	[tilespmem:$0x830] =	vst v3;
	v3 =	vadd.s32 v0, v18  }
0x107: {  	[tilespmem:$0x840] =	vst v3;
	v3 =	vadd.s32 v0, v19  }
0x108: {  	[tilespmem:$0x850] =	vst v3;
	v3 =	vadd.s32 v0, v20  }
0x109: {  	[tilespmem:$0x860] =	vst v3;
	v3 =	vadd.s32 v0, v21  }
0x10a: {  	[tilespmem:$0x868] =	vst v3  }
0x10b: {  	[spmem:s3] =	stream.indirect.scatter.add.f32 [tilespmem:s14], [sflag:$0x9], $0x80, s22, s12, $0xb8;
	[tilespmem:$0x12840] =	vst v63  }
0x10c: {  	_ =	swait.ge [sflag:s10], $0x3C00  }
0x10d: {  	[sflag:s10] =	ssyncset.done $0x0  }
0x10e: {  	[sflag:s10] =	ssyncadd.s32 $0xFFFFC400  }
0x10f: {  	[spmem:s4] =	stream.indirect.scatter.add.f32 [tilespmem:s23], [sflag:$0x9], $0x1, s22, s12, $0xb8;
	[tilespmem:$0x12840] =	vst v63  }
0x110: {  	_ =	swait.ge [sflag:s10], $0x78  }
0x111: {  	[sflag:s10] =	ssyncset.done $0x0  }
0x112: {  	s29 =	simm.s32 $0x438;
	[sflag:s10] =	ssyncadd.s32 $0xFFFFFF88  }
0x113: {  	[tilespmem:s13], [sflag:$0x1] =	stream.indirect.gather [hbm4b:s1+s12], $0x1, s29, s12, $0xb8;
	[tilespmem:$0x12840] =	vst v63  }
0x114: {  	_ = 	snop  }
0x115: {  	[tilespmem:s14], [sflag:$0x4] =	stream.indirect.gather [hbm4b:s2+s12], $0x80, s29, s12, $0xb8;
	[tilespmem:$0x12840] =	vst v63  }
0x116: {  	_ =	swait.ge [sflag:s25], $0x78  }
0x117: {  	[sflag:s25] =	ssyncset.done $0x0  }
0x118: {  	[sflag:s25] =	ssyncadd.s32 $0xFFFFFF88  }
0x119: {  	_ =	swait.ge [sflag:s26], $0x3C00  }
0x11a: {  	[sflag:s26] =	ssyncset.done $0x0  }
0x11b: {  	[sflag:s26] =	ssyncadd.s32 $0xFFFFC400  }
0x11c: {  	v3 =	vld [tilespmem:$0x700]  }
0x11d: {  	v22 =	vld [tilespmem:$0x710]  }
0x11e: {  	v23 =	vld [tilespmem:$0x720]  }
0x11f: {  	v24 =	vld [tilespmem:$0x730]  }
0x120: {  	v25 =	vld [tilespmem:$0x740]  }
0x121: {  	v26 =	vld [tilespmem:$0x750];
	v3 =	vadd.s32 v0, v3  }
0x122: {  	v27 =	vld [tilespmem:$0x760];
	[tilespmem:$0x880] =	vst v3;
	v3 =	vadd.s32 v0, v22  }
0x123: {  	v28 =	vld [tilespmem:$0x768];
	[tilespmem:$0x890] =	vst v3;
	v3 =	vadd.s32 v0, v23  }
0x124: {  	[tilespmem:$0x8A0] =	vst v3;
	v3 =	vadd.s32 v0, v24  }
0x125: {  	[tilespmem:$0x8B0] =	vst v3;
	v3 =	vadd.s32 v0, v25  }
0x126: {  	[tilespmem:$0x8C0] =	vst v3;
	v3 =	vadd.s32 v0, v26  }
0x127: {  	[tilespmem:$0x8D0] =	vst v3;
	v3 =	vadd.s32 v0, v27  }
0x128: {  	[tilespmem:$0x8E0] =	vst v3;
	v3 =	vadd.s32 v0, v28  }
0x129: {  	[tilespmem:$0x8E8] =	vst v3  }
0x12a: {  	[spmem:s3] =	stream.indirect.scatter.add.f32 [tilespmem:s16], [sflag:$0x9], $0x80, s28, s12, $0xb8;
	[tilespmem:$0x12840] =	vst v63  }
0x12b: {  	_ =	swait.ge [sflag:s10], $0x3C00  }
0x12c: {  	[sflag:s10] =	ssyncset.done $0x0  }
0x12d: {  	[sflag:s10] =	ssyncadd.s32 $0xFFFFC400  }
0x12e: {  	[spmem:s4] =	stream.indirect.scatter.add.f32 [tilespmem:s23], [sflag:$0x9], $0x1, s28, s12, $0xb8;
	[tilespmem:$0x12840] =	vst v63  }
0x12f: {  	_ =	swait.ge [sflag:s10], $0x78  }
0x130: {  	[sflag:s10] =	ssyncset.done $0x0  }
0x131: {  	s17 =	simm.s32 $0x4B0;
	[sflag:s10] =	ssyncadd.s32 $0xFFFFFF88  }
0x132: {  	[tilespmem:s15], [sflag:$0x2] =	stream.indirect.gather [hbm4b:s1+s12], $0x1, s17, s12, $0xb8;
	[tilespmem:$0x12840] =	vst v63  }
0x133: {  	_ = 	snop  }
0x134: {  	[tilespmem:s16], [sflag:$0x5] =	stream.indirect.gather [hbm4b:s2+s12], $0x80, s17, s12, $0xb8;
	[tilespmem:$0x12840] =	vst v63  }
0x135: {  	_ =	swait.ge [sflag:s30], $0x78  }
0x136: {  	[sflag:s30] =	ssyncset.done $0x0  }
0x137: {  	[sflag:s30] =	ssyncadd.s32 $0xFFFFFF88  }
0x138: {  	_ =	swait.ge [sflag:s31], $0x3C00  }
0x139: {  	[sflag:s31] =	ssyncset.done $0x0  }
0x13a: {  	[sflag:s31] =	ssyncadd.s32 $0xFFFFC400  }
0x13b: {  	v3 =	vld [tilespmem:$0x780]  }
0x13c: {  	v29 =	vld [tilespmem:$0x790]  }
0x13d: {  	v30 =	vld [tilespmem:$0x7A0]  }
0x13e: {  	v31 =	vld [tilespmem:$0x7B0]  }
0x13f: {  	v32 =	vld [tilespmem:$0x7C0]  }
0x140: {  	v33 =	vld [tilespmem:$0x7D0];
	v3 =	vadd.s32 v0, v3  }
0x141: {  	v34 =	vld [tilespmem:$0x7E0];
	[tilespmem:$0x900] =	vst v3;
	v3 =	vadd.s32 v0, v29  }
0x142: {  	v35 =	vld [tilespmem:$0x7E8];
	[tilespmem:$0x910] =	vst v3;
	v3 =	vadd.s32 v0, v30  }
0x143: {  	[tilespmem:$0x920] =	vst v3;
	v3 =	vadd.s32 v0, v31  }
0x144: {  	[tilespmem:$0x930] =	vst v3;
	v3 =	vadd.s32 v0, v32  }
0x145: {  	[tilespmem:$0x940] =	vst v3;
	v3 =	vadd.s32 v0, v33  }
0x146: {  	[tilespmem:$0x950] =	vst v3;
	v3 =	vadd.s32 v0, v34  }
0x147: {  	[tilespmem:$0x960] =	vst v3;
	v3 =	vadd.s32 v0, v35  }
0x148: {  	[tilespmem:$0x968] =	vst v3  }
0x149: {  	[spmem:s3] =	stream.indirect.scatter.add.f32 [tilespmem:s19], [sflag:$0x9], $0x80, s0, s12, $0xb8;
	[tilespmem:$0x12840] =	vst v63  }
0x14a: {  	_ =	swait.ge [sflag:s10], $0x3C00  }
0x14b: {  	[sflag:s10] =	ssyncset.done $0x0  }
0x14c: {  	[sflag:s10] =	ssyncadd.s32 $0xFFFFC400  }
0x14d: {  	[spmem:s4] =	stream.indirect.scatter.add.f32 [tilespmem:s23], [sflag:$0x9], $0x1, s0, s12, $0xb8;
	[tilespmem:$0x12840] =	vst v63  }
0x14e: {  	_ =	swait.ge [sflag:s10], $0x78  }
0x14f: {  	[sflag:s10] =	ssyncset.done $0x0  }
0x150: {  	s24 =	simm.s32 $0x528;
	[sflag:s10] =	ssyncadd.s32 $0xFFFFFF88  }
0x151: {  	[tilespmem:s18], [sflag:$0x3] =	stream.indirect.gather [hbm4b:s1+s12], $0x1, s24, s12, $0xb8;
	[tilespmem:$0x12840] =	vst v63  }
0x152: {  	_ = 	snop  }
0x153: {  	[tilespmem:s19], [sflag:$0x6] =	stream.indirect.gather [hbm4b:s2+s12], $0x80, s24, s12, $0xb8;
	[tilespmem:$0x12840] =	vst v63  }
0x154: {  	_ =	swait.ge [sflag:s20], $0x78  }
0x155: {  	[sflag:s20] =	ssyncset.done $0x0  }
0x156: {  	[sflag:s20] =	ssyncadd.s32 $0xFFFFFF88  }
0x157: {  	_ =	swait.ge [sflag:s21], $0x3C00  }
0x158: {  	[sflag:s21] =	ssyncset.done $0x0  }
0x159: {  	[sflag:s21] =	ssyncadd.s32 $0xFFFFC400  }
0x15a: {  	v3 =	vld [tilespmem:$0x680]  }
0x15b: {  	v36 =	vld [tilespmem:$0x690]  }
0x15c: {  	v37 =	vld [tilespmem:$0x6A0]  }
0x15d: {  	v38 =	vld [tilespmem:$0x6B0]  }
0x15e: {  	v39 =	vld [tilespmem:$0x6C0]  }
0x15f: {  	v40 =	vld [tilespmem:$0x6D0];
	v3 =	vadd.s32 v0, v3  }
0x160: {  	v41 =	vld [tilespmem:$0x6E0];
	[tilespmem:$0x800] =	vst v3;
	v3 =	vadd.s32 v0, v36  }
0x161: {  	v42 =	vld [tilespmem:$0x6E8];
	[tilespmem:$0x810] =	vst v3;
	v3 =	vadd.s32 v0, v37  }
0x162: {  	[tilespmem:$0x820] =	vst v3;
	v3 =	vadd.s32 v0, v38  }
0x163: {  	[tilespmem:$0x830] =	vst v3;
	v3 =	vadd.s32 v0, v39  }
0x164: {  	[tilespmem:$0x840] =	vst v3;
	v3 =	vadd.s32 v0, v40  }
0x165: {  	[tilespmem:$0x850] =	vst v3;
	v3 =	vadd.s32 v0, v41  }
0x166: {  	[tilespmem:$0x860] =	vst v3;
	v3 =	vadd.s32 v0, v42  }
0x167: {  	[tilespmem:$0x868] =	vst v3  }
0x168: {  	[spmem:s3] =	stream.indirect.scatter.add.f32 [tilespmem:s14], [sflag:$0x9], $0x80, s22, s12, $0xb8;
	[tilespmem:$0x12840] =	vst v63  }
0x169: {  	_ =	swait.ge [sflag:s10], $0x3C00  }
0x16a: {  	[sflag:s10] =	ssyncset.done $0x0  }
0x16b: {  	[sflag:s10] =	ssyncadd.s32 $0xFFFFC400  }
0x16c: {  	[spmem:s4] =	stream.indirect.scatter.add.f32 [tilespmem:s23], [sflag:$0x9], $0x1, s22, s12, $0xb8;
	[tilespmem:$0x12840] =	vst v63  }
0x16d: {  	_ =	swait.ge [sflag:s10], $0x78  }
0x16e: {  	[sflag:s10] =	ssyncset.done $0x0  }
0x16f: {  	s29 =	simm.s32 $0x5A0;
	[sflag:s10] =	ssyncadd.s32 $0xFFFFFF88  }
0x170: {  	[tilespmem:s13], [sflag:$0x1] =	stream.indirect.gather [hbm4b:s1+s12], $0x1, s29, s12, $0xb8;
	[tilespmem:$0x12840] =	vst v63  }
0x171: {  	_ = 	snop  }
0x172: {  	[tilespmem:s14], [sflag:$0x4] =	stream.indirect.gather [hbm4b:s2+s12], $0x80, s29, s12, $0xb8;
	[tilespmem:$0x12840] =	vst v63  }
0x173: {  	_ =	swait.ge [sflag:s25], $0x78  }
0x174: {  	[sflag:s25] =	ssyncset.done $0x0  }
0x175: {  	[sflag:s25] =	ssyncadd.s32 $0xFFFFFF88  }
0x176: {  	_ =	swait.ge [sflag:s26], $0x3C00  }
0x177: {  	[sflag:s26] =	ssyncset.done $0x0  }
0x178: {  	[sflag:s26] =	ssyncadd.s32 $0xFFFFC400  }
0x179: {  	v3 =	vld [tilespmem:$0x700]  }
0x17a: {  	v43 =	vld [tilespmem:$0x710]  }
0x17b: {  	v44 =	vld [tilespmem:$0x720]  }
0x17c: {  	v45 =	vld [tilespmem:$0x730]  }
0x17d: {  	v46 =	vld [tilespmem:$0x740]  }
0x17e: {  	v47 =	vld [tilespmem:$0x750];
	v3 =	vadd.s32 v0, v3  }
0x17f: {  	v48 =	vld [tilespmem:$0x760];
	[tilespmem:$0x880] =	vst v3;
	v3 =	vadd.s32 v0, v43  }
0x180: {  	v49 =	vld [tilespmem:$0x768];
	[tilespmem:$0x890] =	vst v3;
	v3 =	vadd.s32 v0, v44  }
0x181: {  	[tilespmem:$0x8A0] =	vst v3;
	v3 =	vadd.s32 v0, v45  }
0x182: {  	[tilespmem:$0x8B0] =	vst v3;
	v3 =	vadd.s32 v0, v46  }
0x183: {  	[tilespmem:$0x8C0] =	vst v3;
	v3 =	vadd.s32 v0, v47  }
0x184: {  	[tilespmem:$0x8D0] =	vst v3;
	v3 =	vadd.s32 v0, v48  }
0x185: {  	[tilespmem:$0x8E0] =	vst v3;
	v3 =	vadd.s32 v0, v49  }
0x186: {  	[tilespmem:$0x8E8] =	vst v3  }
0x187: {  	[spmem:s3] =	stream.indirect.scatter.add.f32 [tilespmem:s16], [sflag:$0x9], $0x80, s28, s12, $0xb8;
	[tilespmem:$0x12840] =	vst v63  }
0x188: {  	_ =	swait.ge [sflag:s10], $0x3C00  }
0x189: {  	[sflag:s10] =	ssyncset.done $0x0  }
0x18a: {  	[sflag:s10] =	ssyncadd.s32 $0xFFFFC400  }
0x18b: {  	[spmem:s4] =	stream.indirect.scatter.add.f32 [tilespmem:s23], [sflag:$0x9], $0x1, s28, s12, $0xb8;
	[tilespmem:$0x12840] =	vst v63  }
0x18c: {  	_ =	swait.ge [sflag:s10], $0x78  }
0x18d: {  	[sflag:s10] =	ssyncset.done $0x0  }
0x18e: {  	[sflag:s10] =	ssyncadd.s32 $0xFFFFFF88  }
0x18f: {  	_ =	swait.ge [sflag:s30], $0x78  }
0x190: {  	[sflag:s30] =	ssyncset.done $0x0  }
0x191: {  	[sflag:s30] =	ssyncadd.s32 $0xFFFFFF88  }
0x192: {  	_ =	swait.ge [sflag:s31], $0x3C00  }
0x193: {  	[sflag:s31] =	ssyncset.done $0x0  }
0x194: {  	[sflag:s31] =	ssyncadd.s32 $0xFFFFC400  }
0x195: {  	v3 =	vld [tilespmem:$0x780]  }
0x196: {  	v50 =	vld [tilespmem:$0x790]  }
0x197: {  	v51 =	vld [tilespmem:$0x7A0]  }
0x198: {  	v52 =	vld [tilespmem:$0x7B0]  }
0x199: {  	v53 =	vld [tilespmem:$0x7C0]  }
0x19a: {  	v54 =	vld [tilespmem:$0x7D0];
	v3 =	vadd.s32 v0, v3  }
0x19b: {  	v55 =	vld [tilespmem:$0x7E0];
	[tilespmem:$0x900] =	vst v3;
	v3 =	vadd.s32 v0, v50  }
0x19c: {  	v56 =	vld [tilespmem:$0x7E8];
	[tilespmem:$0x910] =	vst v3;
	v3 =	vadd.s32 v0, v51  }
0x19d: {  	[tilespmem:$0x920] =	vst v3;
	v3 =	vadd.s32 v0, v52  }
0x19e: {  	[tilespmem:$0x930] =	vst v3;
	v3 =	vadd.s32 v0, v53  }
0x19f: {  	[tilespmem:$0x940] =	vst v3;
	v3 =	vadd.s32 v0, v54  }
0x1a0: {  	[tilespmem:$0x950] =	vst v3;
	v3 =	vadd.s32 v0, v55  }
0x1a1: {  	[tilespmem:$0x960] =	vst v3;
	v3 =	vadd.s32 v0, v56  }
0x1a2: {  	[tilespmem:$0x968] =	vst v3  }
0x1a3: {  	[spmem:s3] =	stream.indirect.scatter.add.f32 [tilespmem:s19], [sflag:$0x9], $0x80, s0, s12, $0xb8;
	[tilespmem:$0x12840] =	vst v63  }
0x1a4: {  	_ =	swait.ge [sflag:s10], $0x3C00  }
0x1a5: {  	[sflag:s10] =	ssyncset.done $0x0  }
0x1a6: {  	[sflag:s10] =	ssyncadd.s32 $0xFFFFC400  }
0x1a7: {  	[spmem:s4] =	stream.indirect.scatter.add.f32 [tilespmem:s23], [sflag:$0x9], $0x1, s0, s12, $0xb8;
	[tilespmem:$0x12840] =	vst v63  }
0x1a8: {  	_ =	swait.ge [sflag:s10], $0x78  }
0x1a9: {  	[sflag:s10] =	ssyncset.done $0x0  }
0x1aa: {  	[sflag:s10] =	ssyncadd.s32 $0xFFFFFF88  }
0x1ab: {  	_ =	swait.ge [sflag:s20], $0x78  }
0x1ac: {  	[sflag:s20] =	ssyncset.done $0x0  }
0x1ad: {  	[sflag:s20] =	ssyncadd.s32 $0xFFFFFF88  }
0x1ae: {  	_ =	swait.ge [sflag:s21], $0x3C00  }
0x1af: {  	[sflag:s21] =	ssyncset.done $0x0  }
0x1b0: {  	[sflag:s21] =	ssyncadd.s32 $0xFFFFC400  }
0x1b1: {  	v3 =	vld [tilespmem:$0x680]  }
0x1b2: {  	v57 =	vld [tilespmem:$0x690]  }
0x1b3: {  	v58 =	vld [tilespmem:$0x6A0]  }
0x1b4: {  	v59 =	vld [tilespmem:$0x6B0]  }
0x1b5: {  	v60 =	vld [tilespmem:$0x6C0]  }
0x1b6: {  	v61 =	vld [tilespmem:$0x6D0];
	v3 =	vadd.s32 v0, v3  }
0x1b7: {  	v62 =	vld [tilespmem:$0x6E0];
	[tilespmem:$0x800] =	vst v3;
	v3 =	vadd.s32 v0, v57  }
0x1b8: {  	v63 =	vld [tilespmem:$0x6E8];
	[tilespmem:$0x810] =	vst v3;
	v3 =	vadd.s32 v0, v58  }
0x1b9: {  	[tilespmem:$0x820] =	vst v3;
	v3 =	vadd.s32 v0, v59  }
0x1ba: {  	[tilespmem:$0x830] =	vst v3;
	v3 =	vadd.s32 v0, v60  }
0x1bb: {  	[tilespmem:$0x840] =	vst v3;
	v3 =	vadd.s32 v0, v61  }
0x1bc: {  	[tilespmem:$0x850] =	vst v3;
	v3 =	vadd.s32 v0, v62  }
0x1bd: {  	[tilespmem:$0x860] =	vst v3;
	v3 =	vadd.s32 v0, v63  }
0x1be: {  	[tilespmem:$0x868] =	vst v3  }
0x1bf: {  	[spmem:s3] =	stream.indirect.scatter.add.f32 [tilespmem:s14], [sflag:$0x9], $0x80, s22, s12, $0xb8;
	[tilespmem:$0x12840] =	vst v63  }
0x1c0: {  	_ =	swait.ge [sflag:s10], $0x3C00  }
0x1c1: {  	[sflag:s10] =	ssyncset.done $0x0  }
0x1c2: {  	[sflag:s10] =	ssyncadd.s32 $0xFFFFC400  }
0x1c3: {  	[spmem:s4] =	stream.indirect.scatter.add.f32 [tilespmem:s23], [sflag:$0x9], $0x1, s22, s12, $0xb8;
	[tilespmem:$0x12840] =	vst v63  }
0x1c4: {  	_ =	swait.ge [sflag:s10], $0x78  }
0x1c5: {  	s17 =	simm.s32 @!p0 $0x0;
	[sflag:s10] =	ssyncset.done $0x0  }
0x1c6: {  	s29 =	simm.s32 @!p0 $0xBE00;
	s5 =	rddreg [dreg:$0xa];
	[sflag:s10] =	ssyncadd.s32 $0xFFFFFF88  }
0x1c7: {  	[tilespmem:s29], [sflag:$0x9] =	stream.linear.gather @!p0 [hbm4b:s5+s17], $0x50, $0x38;
	[tilespmem:$0x12840] =	vst v63  }
0x1c8: {  	s5 =	simm.s32 @!p0 $0x9  }
0x1c9: {  	_ =	swait.ge @!p0 [sflag:s5], $0x50  }
0x1ca: {  	[sflag:s5] =	ssyncset.done @!p0 $0x0  }
0x1cb: {  	s24 =	simm.s32 @!p0 $0xBE80;
	s17 =	simm.s32 @!p0 $0x50;
	[sflag:s5] =	ssyncadd.s32 @!p0 $0xFFFFFFB0  }
0x1cc: {  	[tilespmem:s24], [sflag:$0x7] =	stream.indirect.gather @!p0 [hbm4b:s1+s17], $0x1, s29, s17, $0xb8;
	[tilespmem:$0x12840] =	vst v63  }
0x1cd: {  	s24 =	simm.s32 @!p0 $0xBF80  }
0x1ce: {  	[tilespmem:s24], [sflag:$0x8] =	stream.indirect.gather @!p0 [hbm4b:s2+s17], $0x80, s29, s17, $0xb8;
	[tilespmem:$0x12840] =	vst v63  }
0x1cf: {  	s29 =	simm.s32 @!p0 $0x7  }
0x1d0: {  	_ =	swait.ge @!p0 [sflag:s29], $0x50  }
0x1d1: {  	[sflag:s29] =	ssyncset.done @!p0 $0x0  }
0x1d2: {  	[sflag:s29] =	ssyncadd.s32 @!p0 $0xFFFFFFB0;
	s29 =	simm.s32 @!p0 $0x8  }
0x1d3: {  	_ =	swait.ge @!p0 [sflag:s29], $0x2800  }
0x1d4: {  	[sflag:s29] =	ssyncset.done @!p0 $0x0  }
0x1d5: {  	[sflag:s29] =	ssyncadd.s32 @!p0 $0xFFFFD800  }
0x1d6: {  	v3 =	vld @!p0 [tilespmem:$0xBE80]  }
0x1d7: {  	v4 =	vld @!p0 [tilespmem:$0xBE90]  }
0x1d8: {  	v5 =	vld @!p0 [tilespmem:$0xBEA0]  }
0x1d9: {  	v6 =	vld @!p0 [tilespmem:$0xBEB0]  }
0x1da: {  	v7 =	vld @!p0 [tilespmem:$0xBEC0]  }
0x1db: {  	[tilespmem:$0xBF00] =	vst @!p0 v3  }
0x1dc: {  	[tilespmem:$0xBF10] =	vst @!p0 v4  }
0x1dd: {  	[tilespmem:$0xBF20] =	vst @!p0 v5  }
0x1de: {  	[tilespmem:$0xBF30] =	vst @!p0 v6  }
0x1df: {  	s29 =	simm.s32 @!p0 $0xBF00;
	[tilespmem:$0xBF40] =	vst @!p0 v7  }
0x1e0: {  	[spmem:s3] =	stream.indirect.scatter.add.f32 @!p0 [tilespmem:s24], [sflag:$0x9], $0x80, s29, s17, $0xb8;
	[tilespmem:$0x12840] =	vst v63  }
0x1e1: {  	_ =	swait.ge @!p0 [sflag:s5], $0x2800  }
0x1e2: {  	[sflag:s5] =	ssyncset.done @!p0 $0x0  }
0x1e3: {  	s24 =	simm.s32 @!p0 $0x980;
	[sflag:s5] =	ssyncadd.s32 @!p0 $0xFFFFD800  }
0x1e4: {  	[spmem:s4] =	stream.indirect.scatter.add.f32 @!p0 [tilespmem:s24], [sflag:$0x9], $0x1, s29, s17, $0xb8;
	[tilespmem:$0x12840] =	vst v63  }
0x1e5: {  	_ =	swait.ge @!p0 [sflag:s5], $0x50  }
0x1e6: {  	[sflag:s5] =	ssyncset.done @!p0 $0x0  }
0x1e7: {  	s17 =	rddreg [dreg:$0xe];
	[sflag:s5] =	ssyncadd.s32 @!p0 $0xFFFFFFB0  }
0x1e8: {  	[tilespmem:s7], [sflag:$0x9] =	stream.linear.gather [spmem:s17], $0x2000, $0x38;
	[tilespmem:$0x12840] =	vst v63  }
0x1e9: {  	_ =	swait.ge [sflag:s10], $0x2000  }
0x1ea: {  	[sflag:s10] =	ssyncset.done $0x0  }
0x1eb: {  	[sflag:s10] =	ssyncadd.s32 $0xFFFFE000  }
0x1ec: {  	[tilespmem:s11], [sflag:$0x9] =	stream.linear.gather [spmem:s8], $0x40, $0x38;
	[tilespmem:$0x12840] =	vst v63  }
0x1ed: {  	_ =	swait.ge [sflag:s10], $0x40  }
0x1ee: {  	[sflag:s10] =	ssyncset.done $0x0  }
0x1ef: {  	s24 =	rddreg [dreg:$0xb];
	[sflag:s10] =	ssyncadd.s32 $0xFFFFFFC0  }
0x1f0: {  	[hbm4b:s24+s6] =	stream.linear.scatter [tilespmem:s7], [sflag:$0x9], $0x2000, $0x38;
	[tilespmem:$0x12840] =	vst v63  }
0x1f1: {  	s9 =	sadd.s32 $0xFFFFFFFF, s9;
	_ =	swait.ge [sflag:s10], $0x2000  }
0x1f2: {  	p1 =	sne.s32 s9, $0x0;
	[sflag:s10] =	ssyncset.done $0x0  }
.Ltmp0:
0x1f3: {  	s29 =	rddreg [dreg:$0xc];
	[sflag:s10] =	ssyncadd.s32 $0xFFFFE000;
	(pc) =	sbr.rel @p1 .LBB2_1-.Ltmp0, $4  }
0x1f4: {  	[hbm4b:s29+s6] =	stream.linear.scatter [tilespmem:s11], [sflag:$0x9], $0x40, $0x38;
	[tilespmem:$0x12840] =	vst v63  }
0x1f5: {  	_ =	swait.ge [sflag:s10], $0x40  }
0x1f6: {  	[sflag:s10] =	ssyncset.done $0x0  }
0x1f7: {  	[sflag:s10] =	ssyncadd.s32 $0xFFFFFFC0  }
0x1f8: {  	_ =	sfence.sel $0x180000  }
0x1f9: {  	[bflag:$0x0] =	sbarrier.arrive $0xFFFF  }
0x1fa: {  	_ =	strace $0x90000047  }
0x1fb: {  	s0 =	stileid.u32;
	[bflag:$0x2] =	sbarrier.arrive $0xFFFF  }
0x1fc: {  	p0 =	sne.s32 s0, $0x0;
	s0 =	rddreg [dreg:$0x6]  }
0x1fd: {  	s0 =	sadd.s32 @!p0 $0x100000, s0  }
0x1fe: {  	[sflag:s0] =	ssyncadd.tile.s32 @!p0 $0x1;
	_ =	shalt  }
.Lfunc_end2:
_tile_overlayer_lowered:
.L_overlay_start_2:
0x1ff: {  	(tag) =	ssettag $0x2  }
0x200: {  	s0 =	rddreg [dreg:$0x0];
	s2 =	stileid.u32  }
0x201: {  	s1 =	rddreg [dreg:$0x1];
	p0 =	sne.s32 s2, $0x0  }
0x202: {  	s3 =	rddreg [dreg:$0x2];
	[bflag:$0x3] =	sbarrier.arrive $0xFFFF;
	s2 =	simm.s32 @!p0 $0x1C09  }
0x203: {  	[timem:s3], [sflag:s2] =	dma.local @!p0 [hbm:s0], s1  }
0x204: {  	s0 =	simm.s32 @!p0 $0x9  }
0x205: {  	_ =	swait.ge @!p0 [sflag:s0], s1  }
0x206: {  	s1 =	ssub.s32 @!p0 $0x0, s1;
	[sflag:s0] =	ssyncset.done @!p0 $0x0  }
0x207: {  	[sflag:s0] =	ssyncadd.s32 @!p0 s1  }
0x208: {  	[bflag:$0x3] =	sbarrier.arrive $0xFFFF  }
0x209: {  	_ =	shalt  }

</sc_bundles>
